<compile_context>
chip_gen: v7x
topology: tpu7x:2x2x1
jax: 0.10.2.dev20260603
libtpu: 0.0.44.dev20260713+nightly
codegen_flags: <defaults>
</compile_context>

<pallas_src>
import functools

import jax
import jax.numpy as jnp
from jax import lax
from jax.experimental import pallas as pl
from jax.experimental.pallas import tpu as pltpu
from jax.experimental.pallas import tpu_sc as plsc

N = 10000
E = 320000
F = 128
H = 128
C = 10
G = 128

NC = 2
NS = 16
CHUNK = 128
NW = NC * NS
CW = -(-E // (NW * CHUNK))
CPP = 40
E_PAD = NW * CW * CHUNK
N_P = 10240
RPT = N_P // NS

_mesh = plsc.VectorSubcoreMesh(
    core_axis_name="c", subcore_axis_name="s", num_cores=NC, num_subcores=NS
)


@functools.partial(
    pl.kernel,
    out_type=jax.ShapeDtypeStruct((NC, N_P, H), jnp.float32),
    mesh=_mesh,
    scratch_types=[
        pltpu.VMEM((CW, CHUNK), jnp.int32),
        pltpu.VMEM((CHUNK, H), jnp.float32),
        pltpu.VMEM_SHARED((N_P, H), jnp.float32),
    ],
)
def _sc_degree(dstb, ones_hbm, zeros, out, didx, ones_v, acc):
    c = lax.axis_index("c")
    s = lax.axis_index("s")
    wid = s * NC + c
    pltpu.sync_copy(zeros.at[pl.ds(s * RPT, RPT)], acc.at[pl.ds(s * RPT, RPT)])
    pltpu.sync_copy(ones_hbm, ones_v)
    pltpu.sync_copy(dstb.at[wid], didx)
    plsc.subcore_barrier()

    def body(j, carry):
        pltpu.sync_copy(ones_v, acc.at[didx.at[j]], add=True)
        return carry

    lax.fori_loop(0, CW, body, 0)
    plsc.subcore_barrier()
    pltpu.sync_copy(acc.at[pl.ds(s * RPT, RPT)], out.at[c, pl.ds(s * RPT, RPT)])


@functools.partial(
    pl.kernel,
    out_type=jax.ShapeDtypeStruct((NC, N_P, H), jnp.float32),
    mesh=_mesh,
    scratch_types=[
        pltpu.VMEM((CPP, CHUNK), jnp.int32),
        pltpu.VMEM((CPP, CHUNK), jnp.int32),
        pltpu.VMEM((2, CHUNK, H), jnp.float32),
        pltpu.VMEM_SHARED((N_P, H), jnp.float32),
        pltpu.SemaphoreType.DMA,
        pltpu.SemaphoreType.DMA,
    ],
)
def _sc_agg(y, srcb, dstb, zeros, out, sidx, didx, rows, acc, sem0, sem1):
    c = lax.axis_index("c")
    s = lax.axis_index("s")
    wid = s * NC + c
    pltpu.sync_copy(zeros.at[pl.ds(s * RPT, RPT)], acc.at[pl.ds(s * RPT, RPT)])
    plsc.subcore_barrier()

    for p, np_ in ((0, CPP), (1, CW - CPP)):
        pltpu.sync_copy(
            srcb.at[wid].at[pl.ds(p * CPP, np_)], sidx.at[pl.ds(0, np_)]
        )
        pltpu.sync_copy(
            dstb.at[wid].at[pl.ds(p * CPP, np_)], didx.at[pl.ds(0, np_)]
        )
        pltpu.async_copy(y.at[sidx.at[0]], rows.at[0], sem0)
        pltpu.async_copy(y.at[sidx.at[1]], rows.at[1], sem1)

        def step(l, slot, sem):
            pltpu.make_async_copy(y.at[sidx.at[l]], rows.at[slot], sem).wait()
            pltpu.sync_copy(rows.at[slot], acc.at[didx.at[l]], add=True)

            @pl.when(l + 2 < np_)
            def _():
                pltpu.async_copy(y.at[sidx.at[l + 2]], rows.at[slot], sem)

        def body2(l2, carry):
            step(l2 * 2, 0, sem0)
            step(l2 * 2 + 1, 1, sem1)
            return carry

        lax.fori_loop(0, np_ // 2, body2, 0)
        if np_ % 2:
            l = np_ - 1
            pltpu.make_async_copy(
                y.at[sidx.at[l]], rows.at[l % 2], (sem0, sem1)[l % 2]
            ).wait()
            pltpu.sync_copy(rows.at[l % 2], acc.at[didx.at[l]], add=True)

    plsc.subcore_barrier()
    pltpu.sync_copy(acc.at[pl.ds(s * RPT, RPT)], out.at[c, pl.ds(s * RPT, RPT)])


BN = 1024
NBLK = N_P // BN


def _tc_pre_body(x_ref, w_ref, dinv_ref, y_ref):
    y_ref[...] = dinv_ref[...] * jnp.dot(
        x_ref[...], w_ref[...], preferred_element_type=jnp.float32
    )


def _tc_pre(x, W, dinvb):
    return pl.pallas_call(
        _tc_pre_body,
        grid=(NBLK,),
        in_specs=[
            pl.BlockSpec((BN, F), lambda i: (i, 0)),
            pl.BlockSpec((F, H), lambda i: (0, 0)),
            pl.BlockSpec((BN, H), lambda i: (i, 0)),
        ],
        out_specs=pl.BlockSpec((BN, H), lambda i: (i, 0)),
        out_shape=jax.ShapeDtypeStruct((N_P, H), jnp.float32),
    )(x, W, dinvb)


def _tc_mid_body(a_ref, y_ref, dinv_ref, b_ref, w_ref, o_ref):
    h = dinv_ref[...] * (a_ref[0] + a_ref[1] + y_ref[...]) + b_ref[...]
    h = jnp.maximum(h, 0.0)
    o_ref[...] = dinv_ref[...] * jnp.dot(
        h, w_ref[...], preferred_element_type=jnp.float32
    )


def _tc_mid(A, y, dinvb, b, Wn):
    return pl.pallas_call(
        _tc_mid_body,
        grid=(NBLK,),
        in_specs=[
            pl.BlockSpec((NC, BN, H), lambda i: (0, i, 0)),
            pl.BlockSpec((BN, H), lambda i: (i, 0)),
            pl.BlockSpec((BN, H), lambda i: (i, 0)),
            pl.BlockSpec((1, H), lambda i: (0, 0)),
            pl.BlockSpec((H, H), lambda i: (0, 0)),
        ],
        out_specs=pl.BlockSpec((BN, H), lambda i: (i, 0)),
        out_shape=jax.ShapeDtypeStruct((N_P, H), jnp.float32),
    )(A, y, dinvb, b, Wn)


def _tc_final_body(
    a_ref, y_ref, dinv_ref, b_ref, batch_ref, wl_ref, bl_ref, o_ref, sums, cnts
):
    i = pl.program_id(0)

    @pl.when(i == 0)
    def _():
        sums[...] = jnp.zeros_like(sums)
        cnts[...] = jnp.zeros_like(cnts)

    h = dinv_ref[...] * (a_ref[0] + a_ref[1] + y_ref[...]) + b_ref[...]
    h = jnp.maximum(h, 0.0)
    gi = lax.broadcasted_iota(jnp.int32, (G, BN), 0)
    oh = jnp.where(gi == batch_ref[...], 1.0, 0.0)
    sums[...] += jnp.dot(oh, h, preferred_element_type=jnp.float32)
    cnts[...] += jnp.dot(
        oh, jnp.ones((BN, H), jnp.float32), preferred_element_type=jnp.float32
    )

    @pl.when(i == NBLK - 1)
    def _():
        pooled = sums[...] / jnp.maximum(cnts[...], 1.0)
        o_ref[...] = (
            jnp.dot(pooled, wl_ref[...], preferred_element_type=jnp.float32)
            + bl_ref[...]
        )


def _tc_final(A, y, dinvb, b, batch_p, Wl, bl):
    return pl.pallas_call(
        _tc_final_body,
        grid=(NBLK,),
        in_specs=[
            pl.BlockSpec((NC, BN, H), lambda i: (0, i, 0)),
            pl.BlockSpec((BN, H), lambda i: (i, 0)),
            pl.BlockSpec((BN, H), lambda i: (i, 0)),
            pl.BlockSpec((1, H), lambda i: (0, 0)),
            pl.BlockSpec((1, BN), lambda i: (0, i)),
            pl.BlockSpec((H, C), lambda i: (0, 0)),
            pl.BlockSpec((1, C), lambda i: (0, 0)),
        ],
        out_specs=pl.BlockSpec((G, C), lambda i: (0, 0)),
        out_shape=jax.ShapeDtypeStruct((G, C), jnp.float32),
        scratch_shapes=[
            pltpu.VMEM((G, H), jnp.float32),
            pltpu.VMEM((G, H), jnp.float32),
        ],
    )(A, y, dinvb, b, batch_p, Wl, bl)


def kernel(x, edge_index, batch, W1, b1, W2, b2, W3, b3, Wl, bl):
    f32 = jnp.float32
    src = edge_index[0]
    dst = edge_index[1]
    pad = E_PAD - E
    srcb = jnp.concatenate([src, jnp.full((pad,), N, jnp.int32)]).reshape(
        NW, CW, CHUNK
    )
    dstb = jnp.concatenate([dst, jnp.full((pad,), N, jnp.int32)]).reshape(
        NW, CW, CHUNK
    )
    zeros_nh = jnp.zeros((N_P, H), f32)
    ones_ch = jnp.ones((CHUNK, H), f32)

    cnt = _sc_degree(dstb, ones_ch, zeros_nh)
    deg = cnt[0, :N, 0] + cnt[1, :N, 0] + 1.0
    dinv = lax.rsqrt(deg)
    dinvb = jnp.concatenate(
        [jnp.broadcast_to(dinv[:, None], (N, H)), jnp.zeros((N_P - N, H), f32)]
    )

    x_p = jnp.concatenate([x, jnp.zeros((N_P - N, F), f32)])
    batch_p = jnp.concatenate(
        [batch, jnp.full((N_P - N,), G, jnp.int32)]
    ).reshape(1, N_P)

    y1 = _tc_pre(x_p, W1, dinvb)
    A1 = _sc_agg(y1, srcb, dstb, zeros_nh)
    y2 = _tc_mid(A1, y1, dinvb, b1.reshape(1, H), W2)
    A2 = _sc_agg(y2, srcb, dstb, zeros_nh)
    y3 = _tc_mid(A2, y2, dinvb, b2.reshape(1, H), W3)
    A3 = _sc_agg(y3, srcb, dstb, zeros_nh)
    return _tc_final(A3, y3, dinvb, b3.reshape(1, H), batch_p, Wl, bl.reshape(1, C))

# --- scband reference (transcript-rebuilt; emitter-appended) ---
"""Pipeline reference for scband-gcn-10642928960106 (READ-ONLY COPY).

The authoritative reference and input builder live on the scoring server;
editing this copy changes nothing except your own understanding.
"""

import jax, jax.numpy as jnp
import numpy as np

N = 10000
E = 320000
F_IN = 128
H = 128
C = 10
G = 128


def setup_inputs(seed: int = 0) -> dict:
    key = jax.random.key(seed)
    ks = jax.random.split(key, 12)
    x = jax.random.normal(ks[0], (N, F_IN), dtype=jnp.float32)
    edge_index = jax.random.randint(ks[1], (2, E), 0, N, dtype=jnp.int32)
    batch = jnp.sort(jax.random.randint(ks[2], (N,), 0, G, dtype=jnp.int32))
    W1 = jax.random.normal(ks[3], (F_IN, H), dtype=jnp.float32) * 0.05
    b1 = jnp.zeros((H,), dtype=jnp.float32)
    W2 = jax.random.normal(ks[4], (H, H), dtype=jnp.float32) * 0.05
    b2 = jnp.zeros((H,), dtype=jnp.float32)
    W3 = jax.random.normal(ks[5], (H, H), dtype=jnp.float32) * 0.05
    b3 = jnp.zeros((H,), dtype=jnp.float32)
    Wl = jax.random.normal(ks[6], (H, C), dtype=jnp.float32) * 0.05
    bl = jnp.zeros((C,), dtype=jnp.float32)
    return {"x": x, "edge_index": edge_index, "batch": batch,
            "W1": W1, "b1": b1, "W2": W2, "b2": b2, "W3": W3, "b3": b3,
            "Wl": Wl, "bl": bl}


def _gcn_layer(x, src, dst, W, b):
    # GCNConv: D^{-1/2} (A + I) D^{-1/2} X W + b  (add_self_loops, symmetric norm)
    n = x.shape[0]
    xw = x @ W
    loop = jnp.arange(n, dtype=src.dtype)
    s = jnp.concatenate([src, loop])
    d = jnp.concatenate([dst, loop])
    ones = jnp.ones(s.shape[0], dtype=x.dtype)
    deg = jax.ops.segment_sum(ones, d, num_segments=n)
    dinv = jnp.where(deg > 0, jax.lax.rsqrt(deg), 0.0)
    norm = dinv[s] * dinv[d]
    msg = xw[s] * norm[:, None]
    out = jax.ops.segment_sum(msg, d, num_segments=n)
    return out + b


def reference(x, edge_index, batch, W1, b1, W2, b2, W3, b3, Wl, bl):
    src = edge_index[0]
    dst = edge_index[1]
    h = jax.nn.relu(_gcn_layer(x, src, dst, W1, b1))
    h = jax.nn.relu(_gcn_layer(h, src, dst, W2, b2))
    h = jax.nn.relu(_gcn_layer(h, src, dst, W3, b3))
    # global_mean_pool over graph ids
    sums = jax.ops.segment_sum(h, batch, num_segments=G)
    cnt = jax.ops.segment_sum(jnp.ones((h.shape[0],), dtype=h.dtype), batch, num_segments=G)
    pooled = sums / jnp.maximum(cnt, 1.0)[:, None]
    # dropout is identity in eval mode
    return pooled @ Wl + bl

if __name__ == "__main__":
    import jax
    _d = setup_inputs()
    print(jax.jit(kernel)(*tuple(_d.values())))

</pallas_src>

<mosaic_0001>
#map = affine_map<(d0, d1) -> (0, 0, 0)>
#map1 = affine_map<(d0, d1) -> (0, 0)>
module attributes {stable_mosaic.version = 14 : i64} {
  func.func @_sc_degree(%arg0: i32, %arg1: i32, %arg2: memref<32x79x128xi32, #tpu.memory_space<hbm>>, %arg3: memref<128x128xf32, #tpu.memory_space<hbm>>, %arg4: memref<10240x128xf32, #tpu.memory_space<hbm>>, %arg5: memref<2x10240x128xf32, #tpu.memory_space<hbm>>, %arg6: memref<79x128xi32, #tpu.memory_space<vmem>>, %arg7: memref<128x128xf32, #tpu.memory_space<vmem>>, %arg8: memref<10240x128xf32, #tpu.memory_space<vmem_shared>>) attributes {dimension_semantics = [#tpu.dimension_semantics<core_parallel>, #tpu.dimension_semantics<subcore_parallel>], iteration_bounds = array<i64: 2, 16>, scalar_prefetch = 0 : i64, scratch_operands = 3 : i64, tpu.core_type = #tpu.core_type<sc_vector_subcore>, window_params = [{transform_indices = #map}, {transform_indices = #map1}, {transform_indices = #map1}, {transform_indices = #map}]} {
    %mul3A = arith.constant 2 : i32
    %mul3A_0 = arith.muli %arg1, %mul3A : i32
    %add3A = arith.addi %mul3A_0, %arg0 : i32
    %mul3A_1 = arith.constant 640 : i32
    %mul3A_2 = arith.muli %arg1, %mul3A_1 : i32
    %mul3A_3 = arith.constant 640 : i32
    %mul3A_4 = arith.muli %arg1, %mul3A_3 : i32
    "tpu.region"() ({
      %run_scoped3A = tpu.sem_alloc : memref<!tpu.dma_semaphore, #tpu.memory_space<semaphore_mem>>
      %dma_start3A = arith.constant 0 : i32
      %dma_start3A_15 = tpu.memref_slice %arg8[%mul3A_4, %dma_start3A] : memref<10240x128xf32, #tpu.memory_space<vmem_shared>> -> memref<640x128xf32, #tpu.memory_space<vmem_shared>>
      %dma_start3A_16 = arith.constant 0 : i32
      %dma_start3A_17 = tpu.memref_slice %arg4[%mul3A_2, %dma_start3A_16] : memref<10240x128xf32, #tpu.memory_space<hbm>> -> memref<640x128xf32, #tpu.memory_space<hbm>>
      tpu.enqueue_dma source(%dma_start3A_17 : memref<640x128xf32, #tpu.memory_space<hbm>>) target(%dma_start3A_15 : memref<640x128xf32, #tpu.memory_space<vmem_shared>>) target_semaphore(%run_scoped3A : memref<!tpu.dma_semaphore, #tpu.memory_space<semaphore_mem>>)
      %dma_wait3A = arith.constant 0 : i32
      %dma_wait3A_18 = tpu.memref_slice %arg8[%mul3A_4, %dma_wait3A] : memref<10240x128xf32, #tpu.memory_space<vmem_shared>> -> memref<640x128xf32, #tpu.memory_space<vmem_shared>>
      %dma_wait3A_19 = arith.constant 0 : i32
      %dma_wait3A_20 = tpu.memref_slice %arg4[%mul3A_2, %dma_wait3A_19] : memref<10240x128xf32, #tpu.memory_space<hbm>> -> memref<640x128xf32, #tpu.memory_space<hbm>>
      tpu.wait_dma2 semaphore(%run_scoped3A : memref<!tpu.dma_semaphore, #tpu.memory_space<semaphore_mem>>) src(%dma_wait3A_20 : memref<640x128xf32, #tpu.memory_space<hbm>>) dst(%dma_wait3A_18 : memref<640x128xf32, #tpu.memory_space<vmem_shared>>)
      tpu.yield
    }) : () -> ()
    "tpu.region"() ({
      %run_scoped3A = tpu.sem_alloc : memref<!tpu.dma_semaphore, #tpu.memory_space<semaphore_mem>>
      tpu.enqueue_dma source(%arg3 : memref<128x128xf32, #tpu.memory_space<hbm>>) target(%arg7 : memref<128x128xf32, #tpu.memory_space<vmem>>) target_semaphore(%run_scoped3A : memref<!tpu.dma_semaphore, #tpu.memory_space<semaphore_mem>>)
      tpu.wait_dma2 semaphore(%run_scoped3A : memref<!tpu.dma_semaphore, #tpu.memory_space<semaphore_mem>>) src(%arg3 : memref<128x128xf32, #tpu.memory_space<hbm>>) dst(%arg7 : memref<128x128xf32, #tpu.memory_space<vmem>>)
      tpu.yield
    }) : () -> ()
    "tpu.region"() ({
      %run_scoped3A = tpu.sem_alloc : memref<!tpu.dma_semaphore, #tpu.memory_space<semaphore_mem>>
      %dma_start3A = arith.constant 0 : i32
      %dma_start3A_15 = arith.constant 0 : i32
      %dma_start3A_16 = tpu.memref_slice %arg2[%add3A, %dma_start3A, %dma_start3A_15] : memref<32x79x128xi32, #tpu.memory_space<hbm>> -> memref<1x79x128xi32, #tpu.memory_space<hbm>>
      %dma_start3A_17 = tpu.memref_squeeze %dma_start3A_16 : memref<1x79x128xi32, #tpu.memory_space<hbm>> -> memref<79x128xi32, #tpu.memory_space<hbm>>
      %dma_start3A_18 = arith.constant 0 : i32
      %dma_start3A_19 = arith.constant 0 : i32
      %dma_start3A_20 = tpu.memref_slice %arg2[%add3A, %dma_start3A_18, %dma_start3A_19] : memref<32x79x128xi32, #tpu.memory_space<hbm>> -> memref<1x79x128xi32, #tpu.memory_space<hbm>>
      %dma_start3A_21 = tpu.memref_squeeze %dma_start3A_20 : memref<1x79x128xi32, #tpu.memory_space<hbm>> -> memref<79x128xi32, #tpu.memory_space<hbm>>
      tpu.enqueue_dma source(%dma_start3A_21 : memref<79x128xi32, #tpu.memory_space<hbm>>) target(%arg6 : memref<79x128xi32, #tpu.memory_space<vmem>>) target_semaphore(%run_scoped3A : memref<!tpu.dma_semaphore, #tpu.memory_space<semaphore_mem>>)
      %dma_wait3A = arith.constant 0 : i32
      %dma_wait3A_22 = arith.constant 0 : i32
      %dma_wait3A_23 = tpu.memref_slice %arg2[%add3A, %dma_wait3A, %dma_wait3A_22] : memref<32x79x128xi32, #tpu.memory_space<hbm>> -> memref<1x79x128xi32, #tpu.memory_space<hbm>>
      %dma_wait3A_24 = tpu.memref_squeeze %dma_wait3A_23 : memref<1x79x128xi32, #tpu.memory_space<hbm>> -> memref<79x128xi32, #tpu.memory_space<hbm>>
      %dma_wait3A_25 = arith.constant 0 : i32
      %dma_wait3A_26 = arith.constant 0 : i32
      %dma_wait3A_27 = tpu.memref_slice %arg2[%add3A, %dma_wait3A_25, %dma_wait3A_26] : memref<32x79x128xi32, #tpu.memory_space<hbm>> -> memref<1x79x128xi32, #tpu.memory_space<hbm>>
      %dma_wait3A_28 = tpu.memref_squeeze %dma_wait3A_27 : memref<1x79x128xi32, #tpu.memory_space<hbm>> -> memref<79x128xi32, #tpu.memory_space<hbm>>
      tpu.wait_dma2 semaphore(%run_scoped3A : memref<!tpu.dma_semaphore, #tpu.memory_space<semaphore_mem>>) src(%dma_wait3A_28 : memref<79x128xi32, #tpu.memory_space<hbm>>) dst(%arg6 : memref<79x128xi32, #tpu.memory_space<vmem>>)
      tpu.yield
    }) : () -> ()
    %barrier3A = arith.constant 0 : index
    tpu.barrier barrier_id(%barrier3A)
    %scan3A = arith.constant 0 : i32
    %scan3A_5 = arith.constant 0 : i32
    %scan3A_6 = arith.constant 79 : i32
    %scan3A_7 = arith.addi %scan3A_5, %scan3A_6 : i32
    %scan3A_8 = arith.constant 1 : i32
    scf.for %scan3A_15 = %scan3A_5 to %scan3A_7 step %scan3A_8  : i32 {
      "tpu.region"() ({
        %run_scoped3A = tpu.sem_alloc : memref<!tpu.dma_semaphore, #tpu.memory_space<semaphore_mem>>
        %dma_start3A = arith.constant 0 : i32
        %dma_start3A_16 = tpu.memref_slice %arg6[%scan3A_15, %dma_start3A] : memref<79x128xi32, #tpu.memory_space<vmem>> -> memref<1x128xi32, #tpu.memory_space<vmem>>
        %dma_start3A_17 = tpu.memref_squeeze %dma_start3A_16 : memref<1x128xi32, #tpu.memory_space<vmem>> -> memref<128xi32, #tpu.memory_space<vmem>>
        %dma_start3A_18 = arith.constant 0 : i32
        %dma_start3A_19 = arith.constant 0 : i32
        %dma_start3A_20 = tpu.memref_slice %arg8[%dma_start3A_18, %dma_start3A_19] : memref<10240x128xf32, #tpu.memory_space<vmem_shared>> -> memref<10240x128xf32, #tpu.memory_space<vmem_shared>>
        tpu.enqueue_indirect_dma source(%arg7 : memref<128x128xf32, #tpu.memory_space<vmem>>) target(%dma_start3A_20 : memref<10240x128xf32, #tpu.memory_space<vmem_shared>>) offsets(%dma_start3A_17 : memref<128xi32, #tpu.memory_space<vmem>>) semaphore(%run_scoped3A : memref<!tpu.dma_semaphore, #tpu.memory_space<semaphore_mem>>) {add = true}
        %dma_wait3A = arith.constant 0 : i32
        %dma_wait3A_21 = tpu.memref_slice %arg6[%scan3A_15, %dma_wait3A] : memref<79x128xi32, #tpu.memory_space<vmem>> -> memref<1x128xi32, #tpu.memory_space<vmem>>
        %dma_wait3A_22 = tpu.memref_squeeze %dma_wait3A_21 : memref<1x128xi32, #tpu.memory_space<vmem>> -> memref<128xi32, #tpu.memory_space<vmem>>
        %dma_wait3A_23 = arith.constant 0 : i32
        %dma_wait3A_24 = arith.constant 0 : i32
        %dma_wait3A_25 = tpu.memref_slice %arg8[%dma_wait3A_23, %dma_wait3A_24] : memref<10240x128xf32, #tpu.memory_space<vmem_shared>> -> memref<10240x128xf32, #tpu.memory_space<vmem_shared>>
        tpu.wait_indirect_dma semaphore(%run_scoped3A : memref<!tpu.dma_semaphore, #tpu.memory_space<semaphore_mem>>) src(%arg7 : memref<128x128xf32, #tpu.memory_space<vmem>>) dst(%dma_wait3A_25 : memref<10240x128xf32, #tpu.memory_space<vmem_shared>>)
        tpu.yield
      }) : () -> ()
    }
    %scan3A_9 = arith.constant 79 : i32
    %barrier3A_10 = arith.constant 0 : index
    tpu.barrier barrier_id(%barrier3A_10)
    %mul3A_11 = arith.constant 640 : i32
    %mul3A_12 = arith.muli %arg1, %mul3A_11 : i32
    %mul3A_13 = arith.constant 640 : i32
    %mul3A_14 = arith.muli %arg1, %mul3A_13 : i32
    "tpu.region"() ({
      %run_scoped3A = tpu.sem_alloc : memref<!tpu.dma_semaphore, #tpu.memory_space<semaphore_mem>>
      %dma_start3A = arith.constant 0 : i32
      %dma_start3A_15 = tpu.memref_slice %arg5[%arg0, %mul3A_14, %dma_start3A] : memref<2x10240x128xf32, #tpu.memory_space<hbm>> -> memref<1x640x128xf32, #tpu.memory_space<hbm>>
      %dma_start3A_16 = tpu.memref_squeeze %dma_start3A_15 : memref<1x640x128xf32, #tpu.memory_space<hbm>> -> memref<640x128xf32, #tpu.memory_space<hbm>>
      %dma_start3A_17 = arith.constant 0 : i32
      %dma_start3A_18 = tpu.memref_slice %arg8[%mul3A_12, %dma_start3A_17] : memref<10240x128xf32, #tpu.memory_space<vmem_shared>> -> memref<640x128xf32, #tpu.memory_space<vmem_shared>>
      tpu.enqueue_dma source(%dma_start3A_18 : memref<640x128xf32, #tpu.memory_space<vmem_shared>>) target(%dma_start3A_16 : memref<640x128xf32, #tpu.memory_space<hbm>>) target_semaphore(%run_scoped3A : memref<!tpu.dma_semaphore, #tpu.memory_space<semaphore_mem>>)
      %dma_wait3A = arith.constant 0 : i32
      %dma_wait3A_19 = tpu.memref_slice %arg5[%arg0, %mul3A_14, %dma_wait3A] : memref<2x10240x128xf32, #tpu.memory_space<hbm>> -> memref<1x640x128xf32, #tpu.memory_space<hbm>>
      %dma_wait3A_20 = tpu.memref_squeeze %dma_wait3A_19 : memref<1x640x128xf32, #tpu.memory_space<hbm>> -> memref<640x128xf32, #tpu.memory_space<hbm>>
      %dma_wait3A_21 = arith.constant 0 : i32
      %dma_wait3A_22 = tpu.memref_slice %arg8[%mul3A_12, %dma_wait3A_21] : memref<10240x128xf32, #tpu.memory_space<vmem_shared>> -> memref<640x128xf32, #tpu.memory_space<vmem_shared>>
      tpu.wait_dma2 semaphore(%run_scoped3A : memref<!tpu.dma_semaphore, #tpu.memory_space<semaphore_mem>>) src(%dma_wait3A_22 : memref<640x128xf32, #tpu.memory_space<vmem_shared>>) dst(%dma_wait3A_20 : memref<640x128xf32, #tpu.memory_space<hbm>>)
      tpu.yield
    }) : () -> ()
    return
  }
}

#map = affine_map<(d0, d1) -> (0, 0)>
#map1 = affine_map<(d0, d1) -> (0, 0, 0)>
module attributes {stable_mosaic.version = 14 : i64} {
  func.func @_sc_agg(%arg0: i32, %arg1: i32, %arg2: memref<10240x128xf32, #tpu.memory_space<hbm>>, %arg3: memref<32x79x128xi32, #tpu.memory_space<hbm>>, %arg4: memref<32x79x128xi32, #tpu.memory_space<hbm>>, %arg5: memref<10240x128xf32, #tpu.memory_space<hbm>>, %arg6: memref<2x10240x128xf32, #tpu.memory_space<hbm>>, %arg7: memref<40x128xi32, #tpu.memory_space<vmem>>, %arg8: memref<40x128xi32, #tpu.memory_space<vmem>>, %arg9: memref<2x128x128xf32, #tpu.memory_space<vmem>>, %arg10: memref<10240x128xf32, #tpu.memory_space<vmem_shared>>, %arg11: memref<!tpu.dma_semaphore, #tpu.memory_space<semaphore_mem>>, %arg12: memref<!tpu.dma_semaphore, #tpu.memory_space<semaphore_mem>>) attributes {dimension_semantics = [#tpu.dimension_semantics<core_parallel>, #tpu.dimension_semantics<subcore_parallel>], iteration_bounds = array<i64: 2, 16>, scalar_prefetch = 0 : i64, scratch_operands = 6 : i64, tpu.core_type = #tpu.core_type<sc_vector_subcore>, window_params = [{transform_indices = #map}, {transform_indices = #map1}, {transform_indices = #map1}, {transform_indices = #map}, {transform_indices = #map1}]} {
    %mul3A = arith.constant 2 : i32
    %mul3A_0 = arith.muli %arg1, %mul3A : i32
    %add3A = arith.addi %mul3A_0, %arg0 : i32
    %mul3A_1 = arith.constant 640 : i32
    %mul3A_2 = arith.muli %arg1, %mul3A_1 : i32
    %mul3A_3 = arith.constant 640 : i32
    %mul3A_4 = arith.muli %arg1, %mul3A_3 : i32
    "tpu.region"() ({
      %run_scoped3A_80 = tpu.sem_alloc : memref<!tpu.dma_semaphore, #tpu.memory_space<semaphore_mem>>
      %dma_start3A_81 = arith.constant 0 : i32
      %dma_start3A_82 = tpu.memref_slice %arg10[%mul3A_4, %dma_start3A_81] : memref<10240x128xf32, #tpu.memory_space<vmem_shared>> -> memref<640x128xf32, #tpu.memory_space<vmem_shared>>
      %dma_start3A_83 = arith.constant 0 : i32
      %dma_start3A_84 = tpu.memref_slice %arg5[%mul3A_2, %dma_start3A_83] : memref<10240x128xf32, #tpu.memory_space<hbm>> -> memref<640x128xf32, #tpu.memory_space<hbm>>
      tpu.enqueue_dma source(%dma_start3A_84 : memref<640x128xf32, #tpu.memory_space<hbm>>) target(%dma_start3A_82 : memref<640x128xf32, #tpu.memory_space<vmem_shared>>) target_semaphore(%run_scoped3A_80 : memref<!tpu.dma_semaphore, #tpu.memory_space<semaphore_mem>>)
      %dma_wait3A_85 = arith.constant 0 : i32
      %dma_wait3A_86 = tpu.memref_slice %arg10[%mul3A_4, %dma_wait3A_85] : memref<10240x128xf32, #tpu.memory_space<vmem_shared>> -> memref<640x128xf32, #tpu.memory_space<vmem_shared>>
      %dma_wait3A_87 = arith.constant 0 : i32
      %dma_wait3A_88 = tpu.memref_slice %arg5[%mul3A_2, %dma_wait3A_87] : memref<10240x128xf32, #tpu.memory_space<hbm>> -> memref<640x128xf32, #tpu.memory_space<hbm>>
      tpu.wait_dma2 semaphore(%run_scoped3A_80 : memref<!tpu.dma_semaphore, #tpu.memory_space<semaphore_mem>>) src(%dma_wait3A_88 : memref<640x128xf32, #tpu.memory_space<hbm>>) dst(%dma_wait3A_86 : memref<640x128xf32, #tpu.memory_space<vmem_shared>>)
      tpu.yield
    }) : () -> ()
    %barrier3A = arith.constant 0 : index
    tpu.barrier barrier_id(%barrier3A)
    "tpu.region"() ({
      %run_scoped3A_80 = tpu.sem_alloc : memref<!tpu.dma_semaphore, #tpu.memory_space<semaphore_mem>>
      %dma_start3A_81 = arith.constant 0 : i32
      %dma_start3A_82 = arith.constant 0 : i32
      %dma_start3A_83 = tpu.memref_slice %arg7[%dma_start3A_81, %dma_start3A_82] : memref<40x128xi32, #tpu.memory_space<vmem>> -> memref<40x128xi32, #tpu.memory_space<vmem>>
      %dma_start3A_84 = arith.constant 0 : i32
      %dma_start3A_85 = arith.constant 0 : i32
      %dma_start3A_86 = tpu.memref_slice %arg3[%add3A, %dma_start3A_84, %dma_start3A_85] : memref<32x79x128xi32, #tpu.memory_space<hbm>> -> memref<1x79x128xi32, #tpu.memory_space<hbm>>
      %dma_start3A_87 = tpu.memref_squeeze %dma_start3A_86 : memref<1x79x128xi32, #tpu.memory_space<hbm>> -> memref<79x128xi32, #tpu.memory_space<hbm>>
      %dma_start3A_88 = arith.constant 0 : i32
      %dma_start3A_89 = arith.constant 0 : i32
      %dma_start3A_90 = tpu.memref_slice %dma_start3A_87[%dma_start3A_88, %dma_start3A_89] : memref<79x128xi32, #tpu.memory_space<hbm>> -> memref<40x128xi32, #tpu.memory_space<hbm>>
      %dma_start3A_91 = arith.constant 0 : i32
      %dma_start3A_92 = arith.constant 0 : i32
      %dma_start3A_93 = tpu.memref_slice %arg7[%dma_start3A_91, %dma_start3A_92] : memref<40x128xi32, #tpu.memory_space<vmem>> -> memref<40x128xi32, #tpu.memory_space<vmem>>
      %dma_start3A_94 = arith.constant 0 : i32
      %dma_start3A_95 = arith.constant 0 : i32
      %dma_start3A_96 = tpu.memref_slice %arg3[%add3A, %dma_start3A_94, %dma_start3A_95] : memref<32x79x128xi32, #tpu.memory_space<hbm>> -> memref<1x79x128xi32, #tpu.memory_space<hbm>>
      %dma_start3A_97 = tpu.memref_squeeze %dma_start3A_96 : memref<1x79x128xi32, #tpu.memory_space<hbm>> -> memref<79x128xi32, #tpu.memory_space<hbm>>
      %dma_start3A_98 = arith.constant 0 : i32
      %dma_start3A_99 = arith.constant 0 : i32
      %dma_start3A_100 = tpu.memref_slice %dma_start3A_97[%dma_start3A_98, %dma_start3A_99] : memref<79x128xi32, #tpu.memory_space<hbm>> -> memref<40x128xi32, #tpu.memory_space<hbm>>
      tpu.enqueue_dma source(%dma_start3A_100 : memref<40x128xi32, #tpu.memory_space<hbm>>) target(%dma_start3A_93 : memref<40x128xi32, #tpu.memory_space<vmem>>) target_semaphore(%run_scoped3A_80 : memref<!tpu.dma_semaphore, #tpu.memory_space<semaphore_mem>>)
      %dma_wait3A_101 = arith.constant 0 : i32
      %dma_wait3A_102 = arith.constant 0 : i32
      %dma_wait3A_103 = tpu.memref_slice %arg7[%dma_wait3A_101, %dma_wait3A_102] : memref<40x128xi32, #tpu.memory_space<vmem>> -> memref<40x128xi32, #tpu.memory_space<vmem>>
      %dma_wait3A_104 = arith.constant 0 : i32
      %dma_wait3A_105 = arith.constant 0 : i32
      %dma_wait3A_106 = tpu.memref_slice %arg3[%add3A, %dma_wait3A_104, %dma_wait3A_105] : memref<32x79x128xi32, #tpu.memory_space<hbm>> -> memref<1x79x128xi32, #tpu.memory_space<hbm>>
      %dma_wait3A_107 = tpu.memref_squeeze %dma_wait3A_106 : memref<1x79x128xi32, #tpu.memory_space<hbm>> -> memref<79x128xi32, #tpu.memory_space<hbm>>
      %dma_wait3A_108 = arith.constant 0 : i32
      %dma_wait3A_109 = arith.constant 0 : i32
      %dma_wait3A_110 = tpu.memref_slice %dma_wait3A_107[%dma_wait3A_108, %dma_wait3A_109] : memref<79x128xi32, #tpu.memory_space<hbm>> -> memref<40x128xi32, #tpu.memory_space<hbm>>
      %dma_wait3A_111 = arith.constant 0 : i32
      %dma_wait3A_112 = arith.constant 0 : i32
      %dma_wait3A_113 = tpu.memref_slice %arg7[%dma_wait3A_111, %dma_wait3A_112] : memref<40x128xi32, #tpu.memory_space<vmem>> -> memref<40x128xi32, #tpu.memory_space<vmem>>
      %dma_wait3A_114 = arith.constant 0 : i32
      %dma_wait3A_115 = arith.constant 0 : i32
      %dma_wait3A_116 = tpu.memref_slice %arg3[%add3A, %dma_wait3A_114, %dma_wait3A_115] : memref<32x79x128xi32, #tpu.memory_space<hbm>> -> memref<1x79x128xi32, #tpu.memory_space<hbm>>
      %dma_wait3A_117 = tpu.memref_squeeze %dma_wait3A_116 : memref<1x79x128xi32, #tpu.memory_space<hbm>> -> memref<79x128xi32, #tpu.memory_space<hbm>>
      %dma_wait3A_118 = arith.constant 0 : i32
      %dma_wait3A_119 = arith.constant 0 : i32
      %dma_wait3A_120 = tpu.memref_slice %dma_wait3A_117[%dma_wait3A_118, %dma_wait3A_119] : memref<79x128xi32, #tpu.memory_space<hbm>> -> memref<40x128xi32, #tpu.memory_space<hbm>>
      tpu.wait_dma2 semaphore(%run_scoped3A_80 : memref<!tpu.dma_semaphore, #tpu.memory_space<semaphore_mem>>) src(%dma_wait3A_120 : memref<40x128xi32, #tpu.memory_space<hbm>>) dst(%dma_wait3A_113 : memref<40x128xi32, #tpu.memory_space<vmem>>)
      tpu.yield
    }) : () -> ()
    "tpu.region"() ({
      %run_scoped3A_80 = tpu.sem_alloc : memref<!tpu.dma_semaphore, #tpu.memory_space<semaphore_mem>>
      %dma_start3A_81 = arith.constant 0 : i32
      %dma_start3A_82 = arith.constant 0 : i32
      %dma_start3A_83 = tpu.memref_slice %arg8[%dma_start3A_81, %dma_start3A_82] : memref<40x128xi32, #tpu.memory_space<vmem>> -> memref<40x128xi32, #tpu.memory_space<vmem>>
      %dma_start3A_84 = arith.constant 0 : i32
      %dma_start3A_85 = arith.constant 0 : i32
      %dma_start3A_86 = tpu.memref_slice %arg4[%add3A, %dma_start3A_84, %dma_start3A_85] : memref<32x79x128xi32, #tpu.memory_space<hbm>> -> memref<1x79x128xi32, #tpu.memory_space<hbm>>
      %dma_start3A_87 = tpu.memref_squeeze %dma_start3A_86 : memref<1x79x128xi32, #tpu.memory_space<hbm>> -> memref<79x128xi32, #tpu.memory_space<hbm>>
      %dma_start3A_88 = arith.constant 0 : i32
      %dma_start3A_89 = arith.constant 0 : i32
      %dma_start3A_90 = tpu.memref_slice %dma_start3A_87[%dma_start3A_88, %dma_start3A_89] : memref<79x128xi32, #tpu.memory_space<hbm>> -> memref<40x128xi32, #tpu.memory_space<hbm>>
      %dma_start3A_91 = arith.constant 0 : i32
      %dma_start3A_92 = arith.constant 0 : i32
      %dma_start3A_93 = tpu.memref_slice %arg8[%dma_start3A_91, %dma_start3A_92] : memref<40x128xi32, #tpu.memory_space<vmem>> -> memref<40x128xi32, #tpu.memory_space<vmem>>
      %dma_start3A_94 = arith.constant 0 : i32
      %dma_start3A_95 = arith.constant 0 : i32
      %dma_start3A_96 = tpu.memref_slice %arg4[%add3A, %dma_start3A_94, %dma_start3A_95] : memref<32x79x128xi32, #tpu.memory_space<hbm>> -> memref<1x79x128xi32, #tpu.memory_space<hbm>>
      %dma_start3A_97 = tpu.memref_squeeze %dma_start3A_96 : memref<1x79x128xi32, #tpu.memory_space<hbm>> -> memref<79x128xi32, #tpu.memory_space<hbm>>
      %dma_start3A_98 = arith.constant 0 : i32
      %dma_start3A_99 = arith.constant 0 : i32
      %dma_start3A_100 = tpu.memref_slice %dma_start3A_97[%dma_start3A_98, %dma_start3A_99] : memref<79x128xi32, #tpu.memory_space<hbm>> -> memref<40x128xi32, #tpu.memory_space<hbm>>
      tpu.enqueue_dma source(%dma_start3A_100 : memref<40x128xi32, #tpu.memory_space<hbm>>) target(%dma_start3A_93 : memref<40x128xi32, #tpu.memory_space<vmem>>) target_semaphore(%run_scoped3A_80 : memref<!tpu.dma_semaphore, #tpu.memory_space<semaphore_mem>>)
      %dma_wait3A_101 = arith.constant 0 : i32
      %dma_wait3A_102 = arith.constant 0 : i32
      %dma_wait3A_103 = tpu.memref_slice %arg8[%dma_wait3A_101, %dma_wait3A_102] : memref<40x128xi32, #tpu.memory_space<vmem>> -> memref<40x128xi32, #tpu.memory_space<vmem>>
      %dma_wait3A_104 = arith.constant 0 : i32
      %dma_wait3A_105 = arith.constant 0 : i32
      %dma_wait3A_106 = tpu.memref_slice %arg4[%add3A, %dma_wait3A_104, %dma_wait3A_105] : memref<32x79x128xi32, #tpu.memory_space<hbm>> -> memref<1x79x128xi32, #tpu.memory_space<hbm>>
      %dma_wait3A_107 = tpu.memref_squeeze %dma_wait3A_106 : memref<1x79x128xi32, #tpu.memory_space<hbm>> -> memref<79x128xi32, #tpu.memory_space<hbm>>
      %dma_wait3A_108 = arith.constant 0 : i32
      %dma_wait3A_109 = arith.constant 0 : i32
      %dma_wait3A_110 = tpu.memref_slice %dma_wait3A_107[%dma_wait3A_108, %dma_wait3A_109] : memref<79x128xi32, #tpu.memory_space<hbm>> -> memref<40x128xi32, #tpu.memory_space<hbm>>
      %dma_wait3A_111 = arith.constant 0 : i32
      %dma_wait3A_112 = arith.constant 0 : i32
      %dma_wait3A_113 = tpu.memref_slice %arg8[%dma_wait3A_111, %dma_wait3A_112] : memref<40x128xi32, #tpu.memory_space<vmem>> -> memref<40x128xi32, #tpu.memory_space<vmem>>
      %dma_wait3A_114 = arith.constant 0 : i32
      %dma_wait3A_115 = arith.constant 0 : i32
      %dma_wait3A_116 = tpu.memref_slice %arg4[%add3A, %dma_wait3A_114, %dma_wait3A_115] : memref<32x79x128xi32, #tpu.memory_space<hbm>> -> memref<1x79x128xi32, #tpu.memory_space<hbm>>
      %dma_wait3A_117 = tpu.memref_squeeze %dma_wait3A_116 : memref<1x79x128xi32, #tpu.memory_space<hbm>> -> memref<79x128xi32, #tpu.memory_space<hbm>>
      %dma_wait3A_118 = arith.constant 0 : i32
      %dma_wait3A_119 = arith.constant 0 : i32
      %dma_wait3A_120 = tpu.memref_slice %dma_wait3A_117[%dma_wait3A_118, %dma_wait3A_119] : memref<79x128xi32, #tpu.memory_space<hbm>> -> memref<40x128xi32, #tpu.memory_space<hbm>>
      tpu.wait_dma2 semaphore(%run_scoped3A_80 : memref<!tpu.dma_semaphore, #tpu.memory_space<semaphore_mem>>) src(%dma_wait3A_120 : memref<40x128xi32, #tpu.memory_space<hbm>>) dst(%dma_wait3A_113 : memref<40x128xi32, #tpu.memory_space<vmem>>)
      tpu.yield
    }) : () -> ()
    %dma_start3A = arith.constant 0 : i32
    %dma_start3A_5 = arith.constant 0 : i32
    %dma_start3A_6 = arith.constant 0 : i32
    %dma_start3A_7 = arith.constant 0 : i32
    %dma_start3A_8 = tpu.memref_slice %arg9[%dma_start3A_5, %dma_start3A_6, %dma_start3A_7] : memref<2x128x128xf32, #tpu.memory_space<vmem>> -> memref<1x128x128xf32, #tpu.memory_space<vmem>>
    %dma_start3A_9 = tpu.memref_squeeze %dma_start3A_8 : memref<1x128x128xf32, #tpu.memory_space<vmem>> -> memref<128x128xf32, #tpu.memory_space<vmem>>
    %dma_start3A_10 = arith.constant 0 : i32
    %dma_start3A_11 = tpu.memref_slice %arg7[%dma_start3A, %dma_start3A_10] : memref<40x128xi32, #tpu.memory_space<vmem>> -> memref<1x128xi32, #tpu.memory_space<vmem>>
    %dma_start3A_12 = tpu.memref_squeeze %dma_start3A_11 : memref<1x128xi32, #tpu.memory_space<vmem>> -> memref<128xi32, #tpu.memory_space<vmem>>
    %dma_start3A_13 = arith.constant 0 : i32
    %dma_start3A_14 = arith.constant 0 : i32
    %dma_start3A_15 = tpu.memref_slice %arg2[%dma_start3A_13, %dma_start3A_14] : memref<10240x128xf32, #tpu.memory_space<hbm>> -> memref<10240x128xf32, #tpu.memory_space<hbm>>
    tpu.enqueue_indirect_dma source(%dma_start3A_15 : memref<10240x128xf32, #tpu.memory_space<hbm>>) target(%dma_start3A_9 : memref<128x128xf32, #tpu.memory_space<vmem>>) offsets(%dma_start3A_12 : memref<128xi32, #tpu.memory_space<vmem>>) semaphore(%arg11 : memref<!tpu.dma_semaphore, #tpu.memory_space<semaphore_mem>>)
    %dma_start3A_16 = arith.constant 1 : i32
    %dma_start3A_17 = arith.constant 1 : i32
    %dma_start3A_18 = arith.constant 0 : i32
    %dma_start3A_19 = arith.constant 0 : i32
    %dma_start3A_20 = tpu.memref_slice %arg9[%dma_start3A_17, %dma_start3A_18, %dma_start3A_19] : memref<2x128x128xf32, #tpu.memory_space<vmem>> -> memref<1x128x128xf32, #tpu.memory_space<vmem>>
    %dma_start3A_21 = tpu.memref_squeeze %dma_start3A_20 : memref<1x128x128xf32, #tpu.memory_space<vmem>> -> memref<128x128xf32, #tpu.memory_space<vmem>>
    %dma_start3A_22 = arith.constant 0 : i32
    %dma_start3A_23 = tpu.memref_slice %arg7[%dma_start3A_16, %dma_start3A_22] : memref<40x128xi32, #tpu.memory_space<vmem>> -> memref<1x128xi32, #tpu.memory_space<vmem>>
    %dma_start3A_24 = tpu.memref_squeeze %dma_start3A_23 : memref<1x128xi32, #tpu.memory_space<vmem>> -> memref<128xi32, #tpu.memory_space<vmem>>
    %dma_start3A_25 = arith.constant 0 : i32
    %dma_start3A_26 = arith.constant 0 : i32
    %dma_start3A_27 = tpu.memref_slice %arg2[%dma_start3A_25, %dma_start3A_26] : memref<10240x128xf32, #tpu.memory_space<hbm>> -> memref<10240x128xf32, #tpu.memory_space<hbm>>
    tpu.enqueue_indirect_dma source(%dma_start3A_27 : memref<10240x128xf32, #tpu.memory_space<hbm>>) target(%dma_start3A_21 : memref<128x128xf32, #tpu.memory_space<vmem>>) offsets(%dma_start3A_24 : memref<128xi32, #tpu.memory_space<vmem>>) semaphore(%arg12 : memref<!tpu.dma_semaphore, #tpu.memory_space<semaphore_mem>>)
    %scan3A = arith.constant 0 : i32
    %scan3A_28 = arith.constant 0 : i32
    %scan3A_29 = arith.constant 20 : i32
    %scan3A_30 = arith.addi %scan3A_28, %scan3A_29 : i32
    %scan3A_31 = arith.constant 1 : i32
    scf.for %scan3A_80 = %scan3A_28 to %scan3A_30 step %scan3A_31  : i32 {
      %mul3A_81 = arith.constant 2 : i32
      %mul3A_82 = arith.muli %scan3A_80, %mul3A_81 : i32
      %dma_wait3A_83 = arith.constant 0 : i32
      %dma_wait3A_84 = arith.constant 0 : i32
      %dma_wait3A_85 = arith.constant 0 : i32
      %dma_wait3A_86 = tpu.memref_slice %arg9[%dma_wait3A_83, %dma_wait3A_84, %dma_wait3A_85] : memref<2x128x128xf32, #tpu.memory_space<vmem>> -> memref<1x128x128xf32, #tpu.memory_space<vmem>>
      %dma_wait3A_87 = tpu.memref_squeeze %dma_wait3A_86 : memref<1x128x128xf32, #tpu.memory_space<vmem>> -> memref<128x128xf32, #tpu.memory_space<vmem>>
      %dma_wait3A_88 = arith.constant 0 : i32
      %dma_wait3A_89 = tpu.memref_slice %arg7[%mul3A_82, %dma_wait3A_88] : memref<40x128xi32, #tpu.memory_space<vmem>> -> memref<1x128xi32, #tpu.memory_space<vmem>>
      %dma_wait3A_90 = tpu.memref_squeeze %dma_wait3A_89 : memref<1x128xi32, #tpu.memory_space<vmem>> -> memref<128xi32, #tpu.memory_space<vmem>>
      %dma_wait3A_91 = arith.constant 0 : i32
      %dma_wait3A_92 = arith.constant 0 : i32
      %dma_wait3A_93 = tpu.memref_slice %arg2[%dma_wait3A_91, %dma_wait3A_92] : memref<10240x128xf32, #tpu.memory_space<hbm>> -> memref<10240x128xf32, #tpu.memory_space<hbm>>
      tpu.wait_indirect_dma semaphore(%arg11 : memref<!tpu.dma_semaphore, #tpu.memory_space<semaphore_mem>>) src(%dma_wait3A_93 : memref<10240x128xf32, #tpu.memory_space<hbm>>) dst(%dma_wait3A_87 : memref<128x128xf32, #tpu.memory_space<vmem>>)
      %run_scoped3A_94 = arith.constant 0 : i32
      "tpu.region"() ({
        %run_scoped3A_122 = tpu.sem_alloc : memref<!tpu.dma_semaphore, #tpu.memory_space<semaphore_mem>>
        %dma_start3A_123 = arith.constant 0 : i32
        %dma_start3A_124 = arith.constant 0 : i32
        %dma_start3A_125 = tpu.memref_slice %arg9[%run_scoped3A_94, %dma_start3A_123, %dma_start3A_124] : memref<2x128x128xf32, #tpu.memory_space<vmem>> -> memref<1x128x128xf32, #tpu.memory_space<vmem>>
        %dma_start3A_126 = tpu.memref_squeeze %dma_start3A_125 : memref<1x128x128xf32, #tpu.memory_space<vmem>> -> memref<128x128xf32, #tpu.memory_space<vmem>>
        %dma_start3A_127 = arith.constant 0 : i32
        %dma_start3A_128 = tpu.memref_slice %arg8[%mul3A_82, %dma_start3A_127] : memref<40x128xi32, #tpu.memory_space<vmem>> -> memref<1x128xi32, #tpu.memory_space<vmem>>
        %dma_start3A_129 = tpu.memref_squeeze %dma_start3A_128 : memref<1x128xi32, #tpu.memory_space<vmem>> -> memref<128xi32, #tpu.memory_space<vmem>>
        %dma_start3A_130 = arith.constant 0 : i32
        %dma_start3A_131 = arith.constant 0 : i32
        %dma_start3A_132 = tpu.memref_slice %arg10[%dma_start3A_130, %dma_start3A_131] : memref<10240x128xf32, #tpu.memory_space<vmem_shared>> -> memref<10240x128xf32, #tpu.memory_space<vmem_shared>>
        tpu.enqueue_indirect_dma source(%dma_start3A_126 : memref<128x128xf32, #tpu.memory_space<vmem>>) target(%dma_start3A_132 : memref<10240x128xf32, #tpu.memory_space<vmem_shared>>) offsets(%dma_start3A_129 : memref<128xi32, #tpu.memory_space<vmem>>) semaphore(%run_scoped3A_122 : memref<!tpu.dma_semaphore, #tpu.memory_space<semaphore_mem>>) {add = true}
        %dma_wait3A_133 = arith.constant 0 : i32
        %dma_wait3A_134 = arith.constant 0 : i32
        %dma_wait3A_135 = tpu.memref_slice %arg9[%run_scoped3A_94, %dma_wait3A_133, %dma_wait3A_134] : memref<2x128x128xf32, #tpu.memory_space<vmem>> -> memref<1x128x128xf32, #tpu.memory_space<vmem>>
        %dma_wait3A_136 = tpu.memref_squeeze %dma_wait3A_135 : memref<1x128x128xf32, #tpu.memory_space<vmem>> -> memref<128x128xf32, #tpu.memory_space<vmem>>
        %dma_wait3A_137 = arith.constant 0 : i32
        %dma_wait3A_138 = tpu.memref_slice %arg8[%mul3A_82, %dma_wait3A_137] : memref<40x128xi32, #tpu.memory_space<vmem>> -> memref<1x128xi32, #tpu.memory_space<vmem>>
        %dma_wait3A_139 = tpu.memref_squeeze %dma_wait3A_138 : memref<1x128xi32, #tpu.memory_space<vmem>> -> memref<128xi32, #tpu.memory_space<vmem>>
        %dma_wait3A_140 = arith.constant 0 : i32
        %dma_wait3A_141 = arith.constant 0 : i32
        %dma_wait3A_142 = tpu.memref_slice %arg10[%dma_wait3A_140, %dma_wait3A_141] : memref<10240x128xf32, #tpu.memory_space<vmem_shared>> -> memref<10240x128xf32, #tpu.memory_space<vmem_shared>>
        tpu.wait_indirect_dma semaphore(%run_scoped3A_122 : memref<!tpu.dma_semaphore, #tpu.memory_space<semaphore_mem>>) src(%dma_wait3A_136 : memref<128x128xf32, #tpu.memory_space<vmem>>) dst(%dma_wait3A_142 : memref<10240x128xf32, #tpu.memory_space<vmem_shared>>)
        tpu.yield
      }) : () -> ()
      %add3A_95 = arith.constant 2 : i32
      %add3A_96 = arith.addi %mul3A_82, %add3A_95 : i32
      %lt3A = arith.constant 40 : i32
      %lt3A_97 = arith.cmpi slt, %add3A_96, %lt3A : i32
      %convert_element_type3A = arith.extui %lt3A_97 : i1 to i32
      %cond3A = arith.constant 0 : i32
      %cond3A_98 = arith.cmpi ne, %convert_element_type3A, %cond3A : i32
      scf.if %cond3A_98 {
        %add3A_122 = arith.constant 2 : i32
        %add3A_123 = arith.addi %mul3A_82, %add3A_122 : i32
        %dma_start3A_124 = arith.constant 0 : i32
        %dma_start3A_125 = arith.constant 0 : i32
        %dma_start3A_126 = arith.constant 0 : i32
        %dma_start3A_127 = tpu.memref_slice %arg9[%dma_start3A_124, %dma_start3A_125, %dma_start3A_126] : memref<2x128x128xf32, #tpu.memory_space<vmem>> -> memref<1x128x128xf32, #tpu.memory_space<vmem>>
        %dma_start3A_128 = tpu.memref_squeeze %dma_start3A_127 : memref<1x128x128xf32, #tpu.memory_space<vmem>> -> memref<128x128xf32, #tpu.memory_space<vmem>>
        %dma_start3A_129 = arith.constant 0 : i32
        %dma_start3A_130 = tpu.memref_slice %arg7[%add3A_123, %dma_start3A_129] : memref<40x128xi32, #tpu.memory_space<vmem>> -> memref<1x128xi32, #tpu.memory_space<vmem>>
        %dma_start3A_131 = tpu.memref_squeeze %dma_start3A_130 : memref<1x128xi32, #tpu.memory_space<vmem>> -> memref<128xi32, #tpu.memory_space<vmem>>
        %dma_start3A_132 = arith.constant 0 : i32
        %dma_start3A_133 = arith.constant 0 : i32
        %dma_start3A_134 = tpu.memref_slice %arg2[%dma_start3A_132, %dma_start3A_133] : memref<10240x128xf32, #tpu.memory_space<hbm>> -> memref<10240x128xf32, #tpu.memory_space<hbm>>
        tpu.enqueue_indirect_dma source(%dma_start3A_134 : memref<10240x128xf32, #tpu.memory_space<hbm>>) target(%dma_start3A_128 : memref<128x128xf32, #tpu.memory_space<vmem>>) offsets(%dma_start3A_131 : memref<128xi32, #tpu.memory_space<vmem>>) semaphore(%arg11 : memref<!tpu.dma_semaphore, #tpu.memory_space<semaphore_mem>>)
      } else {
      }
      %mul3A_99 = arith.constant 2 : i32
      %mul3A_100 = arith.muli %scan3A_80, %mul3A_99 : i32
      %add3A_101 = arith.constant 1 : i32
      %add3A_102 = arith.addi %mul3A_100, %add3A_101 : i32
      %dma_wait3A_103 = arith.constant 1 : i32
      %dma_wait3A_104 = arith.constant 0 : i32
      %dma_wait3A_105 = arith.constant 0 : i32
      %dma_wait3A_106 = tpu.memref_slice %arg9[%dma_wait3A_103, %dma_wait3A_104, %dma_wait3A_105] : memref<2x128x128xf32, #tpu.memory_space<vmem>> -> memref<1x128x128xf32, #tpu.memory_space<vmem>>
      %dma_wait3A_107 = tpu.memref_squeeze %dma_wait3A_106 : memref<1x128x128xf32, #tpu.memory_space<vmem>> -> memref<128x128xf32, #tpu.memory_space<vmem>>
      %dma_wait3A_108 = arith.constant 0 : i32
      %dma_wait3A_109 = tpu.memref_slice %arg7[%add3A_102, %dma_wait3A_108] : memref<40x128xi32, #tpu.memory_space<vmem>> -> memref<1x128xi32, #tpu.memory_space<vmem>>
      %dma_wait3A_110 = tpu.memref_squeeze %dma_wait3A_109 : memref<1x128xi32, #tpu.memory_space<vmem>> -> memref<128xi32, #tpu.memory_space<vmem>>
      %dma_wait3A_111 = arith.constant 0 : i32
      %dma_wait3A_112 = arith.constant 0 : i32
      %dma_wait3A_113 = tpu.memref_slice %arg2[%dma_wait3A_111, %dma_wait3A_112] : memref<10240x128xf32, #tpu.memory_space<hbm>> -> memref<10240x128xf32, #tpu.memory_space<hbm>>
      tpu.wait_indirect_dma semaphore(%arg12 : memref<!tpu.dma_semaphore, #tpu.memory_space<semaphore_mem>>) src(%dma_wait3A_113 : memref<10240x128xf32, #tpu.memory_space<hbm>>) dst(%dma_wait3A_107 : memref<128x128xf32, #tpu.memory_space<vmem>>)
      %run_scoped3A_114 = arith.constant 1 : i32
      "tpu.region"() ({
        %run_scoped3A_122 = tpu.sem_alloc : memref<!tpu.dma_semaphore, #tpu.memory_space<semaphore_mem>>
        %dma_start3A_123 = arith.constant 0 : i32
        %dma_start3A_124 = arith.constant 0 : i32
        %dma_start3A_125 = tpu.memref_slice %arg9[%run_scoped3A_114, %dma_start3A_123, %dma_start3A_124] : memref<2x128x128xf32, #tpu.memory_space<vmem>> -> memref<1x128x128xf32, #tpu.memory_space<vmem>>
        %dma_start3A_126 = tpu.memref_squeeze %dma_start3A_125 : memref<1x128x128xf32, #tpu.memory_space<vmem>> -> memref<128x128xf32, #tpu.memory_space<vmem>>
        %dma_start3A_127 = arith.constant 0 : i32
        %dma_start3A_128 = tpu.memref_slice %arg8[%add3A_102, %dma_start3A_127] : memref<40x128xi32, #tpu.memory_space<vmem>> -> memref<1x128xi32, #tpu.memory_space<vmem>>
        %dma_start3A_129 = tpu.memref_squeeze %dma_start3A_128 : memref<1x128xi32, #tpu.memory_space<vmem>> -> memref<128xi32, #tpu.memory_space<vmem>>
        %dma_start3A_130 = arith.constant 0 : i32
        %dma_start3A_131 = arith.constant 0 : i32
        %dma_start3A_132 = tpu.memref_slice %arg10[%dma_start3A_130, %dma_start3A_131] : memref<10240x128xf32, #tpu.memory_space<vmem_shared>> -> memref<10240x128xf32, #tpu.memory_space<vmem_shared>>
        tpu.enqueue_indirect_dma source(%dma_start3A_126 : memref<128x128xf32, #tpu.memory_space<vmem>>) target(%dma_start3A_132 : memref<10240x128xf32, #tpu.memory_space<vmem_shared>>) offsets(%dma_start3A_129 : memref<128xi32, #tpu.memory_space<vmem>>) semaphore(%run_scoped3A_122 : memref<!tpu.dma_semaphore, #tpu.memory_space<semaphore_mem>>) {add = true}
        %dma_wait3A_133 = arith.constant 0 : i32
        %dma_wait3A_134 = arith.constant 0 : i32
        %dma_wait3A_135 = tpu.memref_slice %arg9[%run_scoped3A_114, %dma_wait3A_133, %dma_wait3A_134] : memref<2x128x128xf32, #tpu.memory_space<vmem>> -> memref<1x128x128xf32, #tpu.memory_space<vmem>>
        %dma_wait3A_136 = tpu.memref_squeeze %dma_wait3A_135 : memref<1x128x128xf32, #tpu.memory_space<vmem>> -> memref<128x128xf32, #tpu.memory_space<vmem>>
        %dma_wait3A_137 = arith.constant 0 : i32
        %dma_wait3A_138 = tpu.memref_slice %arg8[%add3A_102, %dma_wait3A_137] : memref<40x128xi32, #tpu.memory_space<vmem>> -> memref<1x128xi32, #tpu.memory_space<vmem>>
        %dma_wait3A_139 = tpu.memref_squeeze %dma_wait3A_138 : memref<1x128xi32, #tpu.memory_space<vmem>> -> memref<128xi32, #tpu.memory_space<vmem>>
        %dma_wait3A_140 = arith.constant 0 : i32
        %dma_wait3A_141 = arith.constant 0 : i32
        %dma_wait3A_142 = tpu.memref_slice %arg10[%dma_wait3A_140, %dma_wait3A_141] : memref<10240x128xf32, #tpu.memory_space<vmem_shared>> -> memref<10240x128xf32, #tpu.memory_space<vmem_shared>>
        tpu.wait_indirect_dma semaphore(%run_scoped3A_122 : memref<!tpu.dma_semaphore, #tpu.memory_space<semaphore_mem>>) src(%dma_wait3A_136 : memref<128x128xf32, #tpu.memory_space<vmem>>) dst(%dma_wait3A_142 : memref<10240x128xf32, #tpu.memory_space<vmem_shared>>)
        tpu.yield
      }) : () -> ()
      %add3A_115 = arith.constant 2 : i32
      %add3A_116 = arith.addi %add3A_102, %add3A_115 : i32
      %lt3A_117 = arith.constant 40 : i32
      %lt3A_118 = arith.cmpi slt, %add3A_116, %lt3A_117 : i32
      %convert_element_type3A_119 = arith.extui %lt3A_118 : i1 to i32
      %cond3A_120 = arith.constant 0 : i32
      %cond3A_121 = arith.cmpi ne, %convert_element_type3A_119, %cond3A_120 : i32
      scf.if %cond3A_121 {
        %add3A_122 = arith.constant 2 : i32
        %add3A_123 = arith.addi %add3A_102, %add3A_122 : i32
        %dma_start3A_124 = arith.constant 1 : i32
        %dma_start3A_125 = arith.constant 0 : i32
        %dma_start3A_126 = arith.constant 0 : i32
        %dma_start3A_127 = tpu.memref_slice %arg9[%dma_start3A_124, %dma_start3A_125, %dma_start3A_126] : memref<2x128x128xf32, #tpu.memory_space<vmem>> -> memref<1x128x128xf32, #tpu.memory_space<vmem>>
        %dma_start3A_128 = tpu.memref_squeeze %dma_start3A_127 : memref<1x128x128xf32, #tpu.memory_space<vmem>> -> memref<128x128xf32, #tpu.memory_space<vmem>>
        %dma_start3A_129 = arith.constant 0 : i32
        %dma_start3A_130 = tpu.memref_slice %arg7[%add3A_123, %dma_start3A_129] : memref<40x128xi32, #tpu.memory_space<vmem>> -> memref<1x128xi32, #tpu.memory_space<vmem>>
        %dma_start3A_131 = tpu.memref_squeeze %dma_start3A_130 : memref<1x128xi32, #tpu.memory_space<vmem>> -> memref<128xi32, #tpu.memory_space<vmem>>
        %dma_start3A_132 = arith.constant 0 : i32
        %dma_start3A_133 = arith.constant 0 : i32
        %dma_start3A_134 = tpu.memref_slice %arg2[%dma_start3A_132, %dma_start3A_133] : memref<10240x128xf32, #tpu.memory_space<hbm>> -> memref<10240x128xf32, #tpu.memory_space<hbm>>
        tpu.enqueue_indirect_dma source(%dma_start3A_134 : memref<10240x128xf32, #tpu.memory_space<hbm>>) target(%dma_start3A_128 : memref<128x128xf32, #tpu.memory_space<vmem>>) offsets(%dma_start3A_131 : memref<128xi32, #tpu.memory_space<vmem>>) semaphore(%arg12 : memref<!tpu.dma_semaphore, #tpu.memory_space<semaphore_mem>>)
      } else {
      }
    }
    %scan3A_32 = arith.constant 20 : i32
    "tpu.region"() ({
      %run_scoped3A_80 = tpu.sem_alloc : memref<!tpu.dma_semaphore, #tpu.memory_space<semaphore_mem>>
      %dma_start3A_81 = arith.constant 0 : i32
      %dma_start3A_82 = arith.constant 0 : i32
      %dma_start3A_83 = tpu.memref_slice %arg7[%dma_start3A_81, %dma_start3A_82] : memref<40x128xi32, #tpu.memory_space<vmem>> -> memref<39x128xi32, #tpu.memory_space<vmem>>
      %dma_start3A_84 = arith.constant 0 : i32
      %dma_start3A_85 = arith.constant 0 : i32
      %dma_start3A_86 = tpu.memref_slice %arg3[%add3A, %dma_start3A_84, %dma_start3A_85] : memref<32x79x128xi32, #tpu.memory_space<hbm>> -> memref<1x79x128xi32, #tpu.memory_space<hbm>>
      %dma_start3A_87 = tpu.memref_squeeze %dma_start3A_86 : memref<1x79x128xi32, #tpu.memory_space<hbm>> -> memref<79x128xi32, #tpu.memory_space<hbm>>
      %dma_start3A_88 = arith.constant 40 : i32
      %dma_start3A_89 = arith.constant 0 : i32
      %dma_start3A_90 = tpu.memref_slice %dma_start3A_87[%dma_start3A_88, %dma_start3A_89] : memref<79x128xi32, #tpu.memory_space<hbm>> -> memref<39x128xi32, #tpu.memory_space<hbm>>
      %dma_start3A_91 = arith.constant 0 : i32
      %dma_start3A_92 = arith.constant 0 : i32
      %dma_start3A_93 = tpu.memref_slice %arg7[%dma_start3A_91, %dma_start3A_92] : memref<40x128xi32, #tpu.memory_space<vmem>> -> memref<39x128xi32, #tpu.memory_space<vmem>>
      %dma_start3A_94 = arith.constant 0 : i32
      %dma_start3A_95 = arith.constant 0 : i32
      %dma_start3A_96 = tpu.memref_slice %arg3[%add3A, %dma_start3A_94, %dma_start3A_95] : memref<32x79x128xi32, #tpu.memory_space<hbm>> -> memref<1x79x128xi32, #tpu.memory_space<hbm>>
      %dma_start3A_97 = tpu.memref_squeeze %dma_start3A_96 : memref<1x79x128xi32, #tpu.memory_space<hbm>> -> memref<79x128xi32, #tpu.memory_space<hbm>>
      %dma_start3A_98 = arith.constant 40 : i32
      %dma_start3A_99 = arith.constant 0 : i32
      %dma_start3A_100 = tpu.memref_slice %dma_start3A_97[%dma_start3A_98, %dma_start3A_99] : memref<79x128xi32, #tpu.memory_space<hbm>> -> memref<39x128xi32, #tpu.memory_space<hbm>>
      tpu.enqueue_dma source(%dma_start3A_100 : memref<39x128xi32, #tpu.memory_space<hbm>>) target(%dma_start3A_93 : memref<39x128xi32, #tpu.memory_space<vmem>>) target_semaphore(%run_scoped3A_80 : memref<!tpu.dma_semaphore, #tpu.memory_space<semaphore_mem>>)
      %dma_wait3A_101 = arith.constant 0 : i32
      %dma_wait3A_102 = arith.constant 0 : i32
      %dma_wait3A_103 = tpu.memref_slice %arg7[%dma_wait3A_101, %dma_wait3A_102] : memref<40x128xi32, #tpu.memory_space<vmem>> -> memref<39x128xi32, #tpu.memory_space<vmem>>
      %dma_wait3A_104 = arith.constant 0 : i32
      %dma_wait3A_105 = arith.constant 0 : i32
      %dma_wait3A_106 = tpu.memref_slice %arg3[%add3A, %dma_wait3A_104, %dma_wait3A_105] : memref<32x79x128xi32, #tpu.memory_space<hbm>> -> memref<1x79x128xi32, #tpu.memory_space<hbm>>
      %dma_wait3A_107 = tpu.memref_squeeze %dma_wait3A_106 : memref<1x79x128xi32, #tpu.memory_space<hbm>> -> memref<79x128xi32, #tpu.memory_space<hbm>>
      %dma_wait3A_108 = arith.constant 40 : i32
      %dma_wait3A_109 = arith.constant 0 : i32
      %dma_wait3A_110 = tpu.memref_slice %dma_wait3A_107[%dma_wait3A_108, %dma_wait3A_109] : memref<79x128xi32, #tpu.memory_space<hbm>> -> memref<39x128xi32, #tpu.memory_space<hbm>>
      %dma_wait3A_111 = arith.constant 0 : i32
      %dma_wait3A_112 = arith.constant 0 : i32
      %dma_wait3A_113 = tpu.memref_slice %arg7[%dma_wait3A_111, %dma_wait3A_112] : memref<40x128xi32, #tpu.memory_space<vmem>> -> memref<39x128xi32, #tpu.memory_space<vmem>>
      %dma_wait3A_114 = arith.constant 0 : i32
      %dma_wait3A_115 = arith.constant 0 : i32
      %dma_wait3A_116 = tpu.memref_slice %arg3[%add3A, %dma_wait3A_114, %dma_wait3A_115] : memref<32x79x128xi32, #tpu.memory_space<hbm>> -> memref<1x79x128xi32, #tpu.memory_space<hbm>>
      %dma_wait3A_117 = tpu.memref_squeeze %dma_wait3A_116 : memref<1x79x128xi32, #tpu.memory_space<hbm>> -> memref<79x128xi32, #tpu.memory_space<hbm>>
      %dma_wait3A_118 = arith.constant 40 : i32
      %dma_wait3A_119 = arith.constant 0 : i32
      %dma_wait3A_120 = tpu.memref_slice %dma_wait3A_117[%dma_wait3A_118, %dma_wait3A_119] : memref<79x128xi32, #tpu.memory_space<hbm>> -> memref<39x128xi32, #tpu.memory_space<hbm>>
      tpu.wait_dma2 semaphore(%run_scoped3A_80 : memref<!tpu.dma_semaphore, #tpu.memory_space<semaphore_mem>>) src(%dma_wait3A_120 : memref<39x128xi32, #tpu.memory_space<hbm>>) dst(%dma_wait3A_113 : memref<39x128xi32, #tpu.memory_space<vmem>>)
      tpu.yield
    }) : () -> ()
    "tpu.region"() ({
      %run_scoped3A_80 = tpu.sem_alloc : memref<!tpu.dma_semaphore, #tpu.memory_space<semaphore_mem>>
      %dma_start3A_81 = arith.constant 0 : i32
      %dma_start3A_82 = arith.constant 0 : i32
      %dma_start3A_83 = tpu.memref_slice %arg8[%dma_start3A_81, %dma_start3A_82] : memref<40x128xi32, #tpu.memory_space<vmem>> -> memref<39x128xi32, #tpu.memory_space<vmem>>
      %dma_start3A_84 = arith.constant 0 : i32
      %dma_start3A_85 = arith.constant 0 : i32
      %dma_start3A_86 = tpu.memref_slice %arg4[%add3A, %dma_start3A_84, %dma_start3A_85] : memref<32x79x128xi32, #tpu.memory_space<hbm>> -> memref<1x79x128xi32, #tpu.memory_space<hbm>>
      %dma_start3A_87 = tpu.memref_squeeze %dma_start3A_86 : memref<1x79x128xi32, #tpu.memory_space<hbm>> -> memref<79x128xi32, #tpu.memory_space<hbm>>
      %dma_start3A_88 = arith.constant 40 : i32
      %dma_start3A_89 = arith.constant 0 : i32
      %dma_start3A_90 = tpu.memref_slice %dma_start3A_87[%dma_start3A_88, %dma_start3A_89] : memref<79x128xi32, #tpu.memory_space<hbm>> -> memref<39x128xi32, #tpu.memory_space<hbm>>
      %dma_start3A_91 = arith.constant 0 : i32
      %dma_start3A_92 = arith.constant 0 : i32
      %dma_start3A_93 = tpu.memref_slice %arg8[%dma_start3A_91, %dma_start3A_92] : memref<40x128xi32, #tpu.memory_space<vmem>> -> memref<39x128xi32, #tpu.memory_space<vmem>>
      %dma_start3A_94 = arith.constant 0 : i32
      %dma_start3A_95 = arith.constant 0 : i32
      %dma_start3A_96 = tpu.memref_slice %arg4[%add3A, %dma_start3A_94, %dma_start3A_95] : memref<32x79x128xi32, #tpu.memory_space<hbm>> -> memref<1x79x128xi32, #tpu.memory_space<hbm>>
      %dma_start3A_97 = tpu.memref_squeeze %dma_start3A_96 : memref<1x79x128xi32, #tpu.memory_space<hbm>> -> memref<79x128xi32, #tpu.memory_space<hbm>>
      %dma_start3A_98 = arith.constant 40 : i32
      %dma_start3A_99 = arith.constant 0 : i32
      %dma_start3A_100 = tpu.memref_slice %dma_start3A_97[%dma_start3A_98, %dma_start3A_99] : memref<79x128xi32, #tpu.memory_space<hbm>> -> memref<39x128xi32, #tpu.memory_space<hbm>>
      tpu.enqueue_dma source(%dma_start3A_100 : memref<39x128xi32, #tpu.memory_space<hbm>>) target(%dma_start3A_93 : memref<39x128xi32, #tpu.memory_space<vmem>>) target_semaphore(%run_scoped3A_80 : memref<!tpu.dma_semaphore, #tpu.memory_space<semaphore_mem>>)
      %dma_wait3A_101 = arith.constant 0 : i32
      %dma_wait3A_102 = arith.constant 0 : i32
      %dma_wait3A_103 = tpu.memref_slice %arg8[%dma_wait3A_101, %dma_wait3A_102] : memref<40x128xi32, #tpu.memory_space<vmem>> -> memref<39x128xi32, #tpu.memory_space<vmem>>
      %dma_wait3A_104 = arith.constant 0 : i32
      %dma_wait3A_105 = arith.constant 0 : i32
      %dma_wait3A_106 = tpu.memref_slice %arg4[%add3A, %dma_wait3A_104, %dma_wait3A_105] : memref<32x79x128xi32, #tpu.memory_space<hbm>> -> memref<1x79x128xi32, #tpu.memory_space<hbm>>
      %dma_wait3A_107 = tpu.memref_squeeze %dma_wait3A_106 : memref<1x79x128xi32, #tpu.memory_space<hbm>> -> memref<79x128xi32, #tpu.memory_space<hbm>>
      %dma_wait3A_108 = arith.constant 40 : i32
      %dma_wait3A_109 = arith.constant 0 : i32
      %dma_wait3A_110 = tpu.memref_slice %dma_wait3A_107[%dma_wait3A_108, %dma_wait3A_109] : memref<79x128xi32, #tpu.memory_space<hbm>> -> memref<39x128xi32, #tpu.memory_space<hbm>>
      %dma_wait3A_111 = arith.constant 0 : i32
      %dma_wait3A_112 = arith.constant 0 : i32
      %dma_wait3A_113 = tpu.memref_slice %arg8[%dma_wait3A_111, %dma_wait3A_112] : memref<40x128xi32, #tpu.memory_space<vmem>> -> memref<39x128xi32, #tpu.memory_space<vmem>>
      %dma_wait3A_114 = arith.constant 0 : i32
      %dma_wait3A_115 = arith.constant 0 : i32
      %dma_wait3A_116 = tpu.memref_slice %arg4[%add3A, %dma_wait3A_114, %dma_wait3A_115] : memref<32x79x128xi32, #tpu.memory_space<hbm>> -> memref<1x79x128xi32, #tpu.memory_space<hbm>>
      %dma_wait3A_117 = tpu.memref_squeeze %dma_wait3A_116 : memref<1x79x128xi32, #tpu.memory_space<hbm>> -> memref<79x128xi32, #tpu.memory_space<hbm>>
      %dma_wait3A_118 = arith.constant 40 : i32
      %dma_wait3A_119 = arith.constant 0 : i32
      %dma_wait3A_120 = tpu.memref_slice %dma_wait3A_117[%dma_wait3A_118, %dma_wait3A_119] : memref<79x128xi32, #tpu.memory_space<hbm>> -> memref<39x128xi32, #tpu.memory_space<hbm>>
      tpu.wait_dma2 semaphore(%run_scoped3A_80 : memref<!tpu.dma_semaphore, #tpu.memory_space<semaphore_mem>>) src(%dma_wait3A_120 : memref<39x128xi32, #tpu.memory_space<hbm>>) dst(%dma_wait3A_113 : memref<39x128xi32, #tpu.memory_space<vmem>>)
      tpu.yield
    }) : () -> ()
    %dma_start3A_33 = arith.constant 0 : i32
    %dma_start3A_34 = arith.constant 0 : i32
    %dma_start3A_35 = arith.constant 0 : i32
    %dma_start3A_36 = arith.constant 0 : i32
    %dma_start3A_37 = tpu.memref_slice %arg9[%dma_start3A_34, %dma_start3A_35, %dma_start3A_36] : memref<2x128x128xf32, #tpu.memory_space<vmem>> -> memref<1x128x128xf32, #tpu.memory_space<vmem>>
    %dma_start3A_38 = tpu.memref_squeeze %dma_start3A_37 : memref<1x128x128xf32, #tpu.memory_space<vmem>> -> memref<128x128xf32, #tpu.memory_space<vmem>>
    %dma_start3A_39 = arith.constant 0 : i32
    %dma_start3A_40 = tpu.memref_slice %arg7[%dma_start3A_33, %dma_start3A_39] : memref<40x128xi32, #tpu.memory_space<vmem>> -> memref<1x128xi32, #tpu.memory_space<vmem>>
    %dma_start3A_41 = tpu.memref_squeeze %dma_start3A_40 : memref<1x128xi32, #tpu.memory_space<vmem>> -> memref<128xi32, #tpu.memory_space<vmem>>
    %dma_start3A_42 = arith.constant 0 : i32
    %dma_start3A_43 = arith.constant 0 : i32
    %dma_start3A_44 = tpu.memref_slice %arg2[%dma_start3A_42, %dma_start3A_43] : memref<10240x128xf32, #tpu.memory_space<hbm>> -> memref<10240x128xf32, #tpu.memory_space<hbm>>
    tpu.enqueue_indirect_dma source(%dma_start3A_44 : memref<10240x128xf32, #tpu.memory_space<hbm>>) target(%dma_start3A_38 : memref<128x128xf32, #tpu.memory_space<vmem>>) offsets(%dma_start3A_41 : memref<128xi32, #tpu.memory_space<vmem>>) semaphore(%arg11 : memref<!tpu.dma_semaphore, #tpu.memory_space<semaphore_mem>>)
    %dma_start3A_45 = arith.constant 1 : i32
    %dma_start3A_46 = arith.constant 1 : i32
    %dma_start3A_47 = arith.constant 0 : i32
    %dma_start3A_48 = arith.constant 0 : i32
    %dma_start3A_49 = tpu.memref_slice %arg9[%dma_start3A_46, %dma_start3A_47, %dma_start3A_48] : memref<2x128x128xf32, #tpu.memory_space<vmem>> -> memref<1x128x128xf32, #tpu.memory_space<vmem>>
    %dma_start3A_50 = tpu.memref_squeeze %dma_start3A_49 : memref<1x128x128xf32, #tpu.memory_space<vmem>> -> memref<128x128xf32, #tpu.memory_space<vmem>>
    %dma_start3A_51 = arith.constant 0 : i32
    %dma_start3A_52 = tpu.memref_slice %arg7[%dma_start3A_45, %dma_start3A_51] : memref<40x128xi32, #tpu.memory_space<vmem>> -> memref<1x128xi32, #tpu.memory_space<vmem>>
    %dma_start3A_53 = tpu.memref_squeeze %dma_start3A_52 : memref<1x128xi32, #tpu.memory_space<vmem>> -> memref<128xi32, #tpu.memory_space<vmem>>
    %dma_start3A_54 = arith.constant 0 : i32
    %dma_start3A_55 = arith.constant 0 : i32
    %dma_start3A_56 = tpu.memref_slice %arg2[%dma_start3A_54, %dma_start3A_55] : memref<10240x128xf32, #tpu.memory_space<hbm>> -> memref<10240x128xf32, #tpu.memory_space<hbm>>
    tpu.enqueue_indirect_dma source(%dma_start3A_56 : memref<10240x128xf32, #tpu.memory_space<hbm>>) target(%dma_start3A_50 : memref<128x128xf32, #tpu.memory_space<vmem>>) offsets(%dma_start3A_53 : memref<128xi32, #tpu.memory_space<vmem>>) semaphore(%arg12 : memref<!tpu.dma_semaphore, #tpu.memory_space<semaphore_mem>>)
    %scan3A_57 = arith.constant 0 : i32
    %scan3A_58 = arith.constant 0 : i32
    %scan3A_59 = arith.constant 19 : i32
    %scan3A_60 = arith.addi %scan3A_58, %scan3A_59 : i32
    %scan3A_61 = arith.constant 1 : i32
    scf.for %scan3A_80 = %scan3A_58 to %scan3A_60 step %scan3A_61  : i32 {
      %mul3A_81 = arith.constant 2 : i32
      %mul3A_82 = arith.muli %scan3A_80, %mul3A_81 : i32
      %dma_wait3A_83 = arith.constant 0 : i32
      %dma_wait3A_84 = arith.constant 0 : i32
      %dma_wait3A_85 = arith.constant 0 : i32
      %dma_wait3A_86 = tpu.memref_slice %arg9[%dma_wait3A_83, %dma_wait3A_84, %dma_wait3A_85] : memref<2x128x128xf32, #tpu.memory_space<vmem>> -> memref<1x128x128xf32, #tpu.memory_space<vmem>>
      %dma_wait3A_87 = tpu.memref_squeeze %dma_wait3A_86 : memref<1x128x128xf32, #tpu.memory_space<vmem>> -> memref<128x128xf32, #tpu.memory_space<vmem>>
      %dma_wait3A_88 = arith.constant 0 : i32
      %dma_wait3A_89 = tpu.memref_slice %arg7[%mul3A_82, %dma_wait3A_88] : memref<40x128xi32, #tpu.memory_space<vmem>> -> memref<1x128xi32, #tpu.memory_space<vmem>>
      %dma_wait3A_90 = tpu.memref_squeeze %dma_wait3A_89 : memref<1x128xi32, #tpu.memory_space<vmem>> -> memref<128xi32, #tpu.memory_space<vmem>>
      %dma_wait3A_91 = arith.constant 0 : i32
      %dma_wait3A_92 = arith.constant 0 : i32
      %dma_wait3A_93 = tpu.memref_slice %arg2[%dma_wait3A_91, %dma_wait3A_92] : memref<10240x128xf32, #tpu.memory_space<hbm>> -> memref<10240x128xf32, #tpu.memory_space<hbm>>
      tpu.wait_indirect_dma semaphore(%arg11 : memref<!tpu.dma_semaphore, #tpu.memory_space<semaphore_mem>>) src(%dma_wait3A_93 : memref<10240x128xf32, #tpu.memory_space<hbm>>) dst(%dma_wait3A_87 : memref<128x128xf32, #tpu.memory_space<vmem>>)
      %run_scoped3A_94 = arith.constant 0 : i32
      "tpu.region"() ({
        %run_scoped3A_122 = tpu.sem_alloc : memref<!tpu.dma_semaphore, #tpu.memory_space<semaphore_mem>>
        %dma_start3A_123 = arith.constant 0 : i32
        %dma_start3A_124 = arith.constant 0 : i32
        %dma_start3A_125 = tpu.memref_slice %arg9[%run_scoped3A_94, %dma_start3A_123, %dma_start3A_124] : memref<2x128x128xf32, #tpu.memory_space<vmem>> -> memref<1x128x128xf32, #tpu.memory_space<vmem>>
        %dma_start3A_126 = tpu.memref_squeeze %dma_start3A_125 : memref<1x128x128xf32, #tpu.memory_space<vmem>> -> memref<128x128xf32, #tpu.memory_space<vmem>>
        %dma_start3A_127 = arith.constant 0 : i32
        %dma_start3A_128 = tpu.memref_slice %arg8[%mul3A_82, %dma_start3A_127] : memref<40x128xi32, #tpu.memory_space<vmem>> -> memref<1x128xi32, #tpu.memory_space<vmem>>
        %dma_start3A_129 = tpu.memref_squeeze %dma_start3A_128 : memref<1x128xi32, #tpu.memory_space<vmem>> -> memref<128xi32, #tpu.memory_space<vmem>>
        %dma_start3A_130 = arith.constant 0 : i32
        %dma_start3A_131 = arith.constant 0 : i32
        %dma_start3A_132 = tpu.memref_slice %arg10[%dma_start3A_130, %dma_start3A_131] : memref<10240x128xf32, #tpu.memory_space<vmem_shared>> -> memref<10240x128xf32, #tpu.memory_space<vmem_shared>>
        tpu.enqueue_indirect_dma source(%dma_start3A_126 : memref<128x128xf32, #tpu.memory_space<vmem>>) target(%dma_start3A_132 : memref<10240x128xf32, #tpu.memory_space<vmem_shared>>) offsets(%dma_start3A_129 : memref<128xi32, #tpu.memory_space<vmem>>) semaphore(%run_scoped3A_122 : memref<!tpu.dma_semaphore, #tpu.memory_space<semaphore_mem>>) {add = true}
        %dma_wait3A_133 = arith.constant 0 : i32
        %dma_wait3A_134 = arith.constant 0 : i32
        %dma_wait3A_135 = tpu.memref_slice %arg9[%run_scoped3A_94, %dma_wait3A_133, %dma_wait3A_134] : memref<2x128x128xf32, #tpu.memory_space<vmem>> -> memref<1x128x128xf32, #tpu.memory_space<vmem>>
        %dma_wait3A_136 = tpu.memref_squeeze %dma_wait3A_135 : memref<1x128x128xf32, #tpu.memory_space<vmem>> -> memref<128x128xf32, #tpu.memory_space<vmem>>
        %dma_wait3A_137 = arith.constant 0 : i32
        %dma_wait3A_138 = tpu.memref_slice %arg8[%mul3A_82, %dma_wait3A_137] : memref<40x128xi32, #tpu.memory_space<vmem>> -> memref<1x128xi32, #tpu.memory_space<vmem>>
        %dma_wait3A_139 = tpu.memref_squeeze %dma_wait3A_138 : memref<1x128xi32, #tpu.memory_space<vmem>> -> memref<128xi32, #tpu.memory_space<vmem>>
        %dma_wait3A_140 = arith.constant 0 : i32
        %dma_wait3A_141 = arith.constant 0 : i32
        %dma_wait3A_142 = tpu.memref_slice %arg10[%dma_wait3A_140, %dma_wait3A_141] : memref<10240x128xf32, #tpu.memory_space<vmem_shared>> -> memref<10240x128xf32, #tpu.memory_space<vmem_shared>>
        tpu.wait_indirect_dma semaphore(%run_scoped3A_122 : memref<!tpu.dma_semaphore, #tpu.memory_space<semaphore_mem>>) src(%dma_wait3A_136 : memref<128x128xf32, #tpu.memory_space<vmem>>) dst(%dma_wait3A_142 : memref<10240x128xf32, #tpu.memory_space<vmem_shared>>)
        tpu.yield
      }) : () -> ()
      %add3A_95 = arith.constant 2 : i32
      %add3A_96 = arith.addi %mul3A_82, %add3A_95 : i32
      %lt3A = arith.constant 39 : i32
      %lt3A_97 = arith.cmpi slt, %add3A_96, %lt3A : i32
      %convert_element_type3A = arith.extui %lt3A_97 : i1 to i32
      %cond3A = arith.constant 0 : i32
      %cond3A_98 = arith.cmpi ne, %convert_element_type3A, %cond3A : i32
      scf.if %cond3A_98 {
        %add3A_122 = arith.constant 2 : i32
        %add3A_123 = arith.addi %mul3A_82, %add3A_122 : i32
        %dma_start3A_124 = arith.constant 0 : i32
        %dma_start3A_125 = arith.constant 0 : i32
        %dma_start3A_126 = arith.constant 0 : i32
        %dma_start3A_127 = tpu.memref_slice %arg9[%dma_start3A_124, %dma_start3A_125, %dma_start3A_126] : memref<2x128x128xf32, #tpu.memory_space<vmem>> -> memref<1x128x128xf32, #tpu.memory_space<vmem>>
        %dma_start3A_128 = tpu.memref_squeeze %dma_start3A_127 : memref<1x128x128xf32, #tpu.memory_space<vmem>> -> memref<128x128xf32, #tpu.memory_space<vmem>>
        %dma_start3A_129 = arith.constant 0 : i32
        %dma_start3A_130 = tpu.memref_slice %arg7[%add3A_123, %dma_start3A_129] : memref<40x128xi32, #tpu.memory_space<vmem>> -> memref<1x128xi32, #tpu.memory_space<vmem>>
        %dma_start3A_131 = tpu.memref_squeeze %dma_start3A_130 : memref<1x128xi32, #tpu.memory_space<vmem>> -> memref<128xi32, #tpu.memory_space<vmem>>
        %dma_start3A_132 = arith.constant 0 : i32
        %dma_start3A_133 = arith.constant 0 : i32
        %dma_start3A_134 = tpu.memref_slice %arg2[%dma_start3A_132, %dma_start3A_133] : memref<10240x128xf32, #tpu.memory_space<hbm>> -> memref<10240x128xf32, #tpu.memory_space<hbm>>
        tpu.enqueue_indirect_dma source(%dma_start3A_134 : memref<10240x128xf32, #tpu.memory_space<hbm>>) target(%dma_start3A_128 : memref<128x128xf32, #tpu.memory_space<vmem>>) offsets(%dma_start3A_131 : memref<128xi32, #tpu.memory_space<vmem>>) semaphore(%arg11 : memref<!tpu.dma_semaphore, #tpu.memory_space<semaphore_mem>>)
      } else {
      }
      %mul3A_99 = arith.constant 2 : i32
      %mul3A_100 = arith.muli %scan3A_80, %mul3A_99 : i32
      %add3A_101 = arith.constant 1 : i32
      %add3A_102 = arith.addi %mul3A_100, %add3A_101 : i32
      %dma_wait3A_103 = arith.constant 1 : i32
      %dma_wait3A_104 = arith.constant 0 : i32
      %dma_wait3A_105 = arith.constant 0 : i32
      %dma_wait3A_106 = tpu.memref_slice %arg9[%dma_wait3A_103, %dma_wait3A_104, %dma_wait3A_105] : memref<2x128x128xf32, #tpu.memory_space<vmem>> -> memref<1x128x128xf32, #tpu.memory_space<vmem>>
      %dma_wait3A_107 = tpu.memref_squeeze %dma_wait3A_106 : memref<1x128x128xf32, #tpu.memory_space<vmem>> -> memref<128x128xf32, #tpu.memory_space<vmem>>
      %dma_wait3A_108 = arith.constant 0 : i32
      %dma_wait3A_109 = tpu.memref_slice %arg7[%add3A_102, %dma_wait3A_108] : memref<40x128xi32, #tpu.memory_space<vmem>> -> memref<1x128xi32, #tpu.memory_space<vmem>>
      %dma_wait3A_110 = tpu.memref_squeeze %dma_wait3A_109 : memref<1x128xi32, #tpu.memory_space<vmem>> -> memref<128xi32, #tpu.memory_space<vmem>>
      %dma_wait3A_111 = arith.constant 0 : i32
      %dma_wait3A_112 = arith.constant 0 : i32
      %dma_wait3A_113 = tpu.memref_slice %arg2[%dma_wait3A_111, %dma_wait3A_112] : memref<10240x128xf32, #tpu.memory_space<hbm>> -> memref<10240x128xf32, #tpu.memory_space<hbm>>
      tpu.wait_indirect_dma semaphore(%arg12 : memref<!tpu.dma_semaphore, #tpu.memory_space<semaphore_mem>>) src(%dma_wait3A_113 : memref<10240x128xf32, #tpu.memory_space<hbm>>) dst(%dma_wait3A_107 : memref<128x128xf32, #tpu.memory_space<vmem>>)
      %run_scoped3A_114 = arith.constant 1 : i32
      "tpu.region"() ({
        %run_scoped3A_122 = tpu.sem_alloc : memref<!tpu.dma_semaphore, #tpu.memory_space<semaphore_mem>>
        %dma_start3A_123 = arith.constant 0 : i32
        %dma_start3A_124 = arith.constant 0 : i32
        %dma_start3A_125 = tpu.memref_slice %arg9[%run_scoped3A_114, %dma_start3A_123, %dma_start3A_124] : memref<2x128x128xf32, #tpu.memory_space<vmem>> -> memref<1x128x128xf32, #tpu.memory_space<vmem>>
        %dma_start3A_126 = tpu.memref_squeeze %dma_start3A_125 : memref<1x128x128xf32, #tpu.memory_space<vmem>> -> memref<128x128xf32, #tpu.memory_space<vmem>>
        %dma_start3A_127 = arith.constant 0 : i32
        %dma_start3A_128 = tpu.memref_slice %arg8[%add3A_102, %dma_start3A_127] : memref<40x128xi32, #tpu.memory_space<vmem>> -> memref<1x128xi32, #tpu.memory_space<vmem>>
        %dma_start3A_129 = tpu.memref_squeeze %dma_start3A_128 : memref<1x128xi32, #tpu.memory_space<vmem>> -> memref<128xi32, #tpu.memory_space<vmem>>
        %dma_start3A_130 = arith.constant 0 : i32
        %dma_start3A_131 = arith.constant 0 : i32
        %dma_start3A_132 = tpu.memref_slice %arg10[%dma_start3A_130, %dma_start3A_131] : memref<10240x128xf32, #tpu.memory_space<vmem_shared>> -> memref<10240x128xf32, #tpu.memory_space<vmem_shared>>
        tpu.enqueue_indirect_dma source(%dma_start3A_126 : memref<128x128xf32, #tpu.memory_space<vmem>>) target(%dma_start3A_132 : memref<10240x128xf32, #tpu.memory_space<vmem_shared>>) offsets(%dma_start3A_129 : memref<128xi32, #tpu.memory_space<vmem>>) semaphore(%run_scoped3A_122 : memref<!tpu.dma_semaphore, #tpu.memory_space<semaphore_mem>>) {add = true}
        %dma_wait3A_133 = arith.constant 0 : i32
        %dma_wait3A_134 = arith.constant 0 : i32
        %dma_wait3A_135 = tpu.memref_slice %arg9[%run_scoped3A_114, %dma_wait3A_133, %dma_wait3A_134] : memref<2x128x128xf32, #tpu.memory_space<vmem>> -> memref<1x128x128xf32, #tpu.memory_space<vmem>>
        %dma_wait3A_136 = tpu.memref_squeeze %dma_wait3A_135 : memref<1x128x128xf32, #tpu.memory_space<vmem>> -> memref<128x128xf32, #tpu.memory_space<vmem>>
        %dma_wait3A_137 = arith.constant 0 : i32
        %dma_wait3A_138 = tpu.memref_slice %arg8[%add3A_102, %dma_wait3A_137] : memref<40x128xi32, #tpu.memory_space<vmem>> -> memref<1x128xi32, #tpu.memory_space<vmem>>
        %dma_wait3A_139 = tpu.memref_squeeze %dma_wait3A_138 : memref<1x128xi32, #tpu.memory_space<vmem>> -> memref<128xi32, #tpu.memory_space<vmem>>
        %dma_wait3A_140 = arith.constant 0 : i32
        %dma_wait3A_141 = arith.constant 0 : i32
        %dma_wait3A_142 = tpu.memref_slice %arg10[%dma_wait3A_140, %dma_wait3A_141] : memref<10240x128xf32, #tpu.memory_space<vmem_shared>> -> memref<10240x128xf32, #tpu.memory_space<vmem_shared>>
        tpu.wait_indirect_dma semaphore(%run_scoped3A_122 : memref<!tpu.dma_semaphore, #tpu.memory_space<semaphore_mem>>) src(%dma_wait3A_136 : memref<128x128xf32, #tpu.memory_space<vmem>>) dst(%dma_wait3A_142 : memref<10240x128xf32, #tpu.memory_space<vmem_shared>>)
        tpu.yield
      }) : () -> ()
      %add3A_115 = arith.constant 2 : i32
      %add3A_116 = arith.addi %add3A_102, %add3A_115 : i32
      %lt3A_117 = arith.constant 39 : i32
      %lt3A_118 = arith.cmpi slt, %add3A_116, %lt3A_117 : i32
      %convert_element_type3A_119 = arith.extui %lt3A_118 : i1 to i32
      %cond3A_120 = arith.constant 0 : i32
      %cond3A_121 = arith.cmpi ne, %convert_element_type3A_119, %cond3A_120 : i32
      scf.if %cond3A_121 {
        %add3A_122 = arith.constant 2 : i32
        %add3A_123 = arith.addi %add3A_102, %add3A_122 : i32
        %dma_start3A_124 = arith.constant 1 : i32
        %dma_start3A_125 = arith.constant 0 : i32
        %dma_start3A_126 = arith.constant 0 : i32
        %dma_start3A_127 = tpu.memref_slice %arg9[%dma_start3A_124, %dma_start3A_125, %dma_start3A_126] : memref<2x128x128xf32, #tpu.memory_space<vmem>> -> memref<1x128x128xf32, #tpu.memory_space<vmem>>
        %dma_start3A_128 = tpu.memref_squeeze %dma_start3A_127 : memref<1x128x128xf32, #tpu.memory_space<vmem>> -> memref<128x128xf32, #tpu.memory_space<vmem>>
        %dma_start3A_129 = arith.constant 0 : i32
        %dma_start3A_130 = tpu.memref_slice %arg7[%add3A_123, %dma_start3A_129] : memref<40x128xi32, #tpu.memory_space<vmem>> -> memref<1x128xi32, #tpu.memory_space<vmem>>
        %dma_start3A_131 = tpu.memref_squeeze %dma_start3A_130 : memref<1x128xi32, #tpu.memory_space<vmem>> -> memref<128xi32, #tpu.memory_space<vmem>>
        %dma_start3A_132 = arith.constant 0 : i32
        %dma_start3A_133 = arith.constant 0 : i32
        %dma_start3A_134 = tpu.memref_slice %arg2[%dma_start3A_132, %dma_start3A_133] : memref<10240x128xf32, #tpu.memory_space<hbm>> -> memref<10240x128xf32, #tpu.memory_space<hbm>>
        tpu.enqueue_indirect_dma source(%dma_start3A_134 : memref<10240x128xf32, #tpu.memory_space<hbm>>) target(%dma_start3A_128 : memref<128x128xf32, #tpu.memory_space<vmem>>) offsets(%dma_start3A_131 : memref<128xi32, #tpu.memory_space<vmem>>) semaphore(%arg12 : memref<!tpu.dma_semaphore, #tpu.memory_space<semaphore_mem>>)
      } else {
      }
    }
    %scan3A_62 = arith.constant 19 : i32
    %dma_wait3A = arith.constant 38 : i32
    %dma_wait3A_63 = arith.constant 0 : i32
    %dma_wait3A_64 = arith.constant 0 : i32
    %dma_wait3A_65 = arith.constant 0 : i32
    %dma_wait3A_66 = tpu.memref_slice %arg9[%dma_wait3A_63, %dma_wait3A_64, %dma_wait3A_65] : memref<2x128x128xf32, #tpu.memory_space<vmem>> -> memref<1x128x128xf32, #tpu.memory_space<vmem>>
    %dma_wait3A_67 = tpu.memref_squeeze %dma_wait3A_66 : memref<1x128x128xf32, #tpu.memory_space<vmem>> -> memref<128x128xf32, #tpu.memory_space<vmem>>
    %dma_wait3A_68 = arith.constant 0 : i32
    %dma_wait3A_69 = tpu.memref_slice %arg7[%dma_wait3A, %dma_wait3A_68] : memref<40x128xi32, #tpu.memory_space<vmem>> -> memref<1x128xi32, #tpu.memory_space<vmem>>
    %dma_wait3A_70 = tpu.memref_squeeze %dma_wait3A_69 : memref<1x128xi32, #tpu.memory_space<vmem>> -> memref<128xi32, #tpu.memory_space<vmem>>
    %dma_wait3A_71 = arith.constant 0 : i32
    %dma_wait3A_72 = arith.constant 0 : i32
    %dma_wait3A_73 = tpu.memref_slice %arg2[%dma_wait3A_71, %dma_wait3A_72] : memref<10240x128xf32, #tpu.memory_space<hbm>> -> memref<10240x128xf32, #tpu.memory_space<hbm>>
    tpu.wait_indirect_dma semaphore(%arg11 : memref<!tpu.dma_semaphore, #tpu.memory_space<semaphore_mem>>) src(%dma_wait3A_73 : memref<10240x128xf32, #tpu.memory_space<hbm>>) dst(%dma_wait3A_67 : memref<128x128xf32, #tpu.memory_space<vmem>>)
    %run_scoped3A = arith.constant 0 : i32
    %run_scoped3A_74 = arith.constant 38 : i32
    "tpu.region"() ({
      %run_scoped3A_80 = tpu.sem_alloc : memref<!tpu.dma_semaphore, #tpu.memory_space<semaphore_mem>>
      %dma_start3A_81 = arith.constant 0 : i32
      %dma_start3A_82 = arith.constant 0 : i32
      %dma_start3A_83 = tpu.memref_slice %arg9[%run_scoped3A, %dma_start3A_81, %dma_start3A_82] : memref<2x128x128xf32, #tpu.memory_space<vmem>> -> memref<1x128x128xf32, #tpu.memory_space<vmem>>
      %dma_start3A_84 = tpu.memref_squeeze %dma_start3A_83 : memref<1x128x128xf32, #tpu.memory_space<vmem>> -> memref<128x128xf32, #tpu.memory_space<vmem>>
      %dma_start3A_85 = arith.constant 0 : i32
      %dma_start3A_86 = tpu.memref_slice %arg8[%run_scoped3A_74, %dma_start3A_85] : memref<40x128xi32, #tpu.memory_space<vmem>> -> memref<1x128xi32, #tpu.memory_space<vmem>>
      %dma_start3A_87 = tpu.memref_squeeze %dma_start3A_86 : memref<1x128xi32, #tpu.memory_space<vmem>> -> memref<128xi32, #tpu.memory_space<vmem>>
      %dma_start3A_88 = arith.constant 0 : i32
      %dma_start3A_89 = arith.constant 0 : i32
      %dma_start3A_90 = tpu.memref_slice %arg10[%dma_start3A_88, %dma_start3A_89] : memref<10240x128xf32, #tpu.memory_space<vmem_shared>> -> memref<10240x128xf32, #tpu.memory_space<vmem_shared>>
      tpu.enqueue_indirect_dma source(%dma_start3A_84 : memref<128x128xf32, #tpu.memory_space<vmem>>) target(%dma_start3A_90 : memref<10240x128xf32, #tpu.memory_space<vmem_shared>>) offsets(%dma_start3A_87 : memref<128xi32, #tpu.memory_space<vmem>>) semaphore(%run_scoped3A_80 : memref<!tpu.dma_semaphore, #tpu.memory_space<semaphore_mem>>) {add = true}
      %dma_wait3A_91 = arith.constant 0 : i32
      %dma_wait3A_92 = arith.constant 0 : i32
      %dma_wait3A_93 = tpu.memref_slice %arg9[%run_scoped3A, %dma_wait3A_91, %dma_wait3A_92] : memref<2x128x128xf32, #tpu.memory_space<vmem>> -> memref<1x128x128xf32, #tpu.memory_space<vmem>>
      %dma_wait3A_94 = tpu.memref_squeeze %dma_wait3A_93 : memref<1x128x128xf32, #tpu.memory_space<vmem>> -> memref<128x128xf32, #tpu.memory_space<vmem>>
      %dma_wait3A_95 = arith.constant 0 : i32
      %dma_wait3A_96 = tpu.memref_slice %arg8[%run_scoped3A_74, %dma_wait3A_95] : memref<40x128xi32, #tpu.memory_space<vmem>> -> memref<1x128xi32, #tpu.memory_space<vmem>>
      %dma_wait3A_97 = tpu.memref_squeeze %dma_wait3A_96 : memref<1x128xi32, #tpu.memory_space<vmem>> -> memref<128xi32, #tpu.memory_space<vmem>>
      %dma_wait3A_98 = arith.constant 0 : i32
      %dma_wait3A_99 = arith.constant 0 : i32
      %dma_wait3A_100 = tpu.memref_slice %arg10[%dma_wait3A_98, %dma_wait3A_99] : memref<10240x128xf32, #tpu.memory_space<vmem_shared>> -> memref<10240x128xf32, #tpu.memory_space<vmem_shared>>
      tpu.wait_indirect_dma semaphore(%run_scoped3A_80 : memref<!tpu.dma_semaphore, #tpu.memory_space<semaphore_mem>>) src(%dma_wait3A_94 : memref<128x128xf32, #tpu.memory_space<vmem>>) dst(%dma_wait3A_100 : memref<10240x128xf32, #tpu.memory_space<vmem_shared>>)
      tpu.yield
    }) : () -> ()
    %barrier3A_75 = arith.constant 0 : index
    tpu.barrier barrier_id(%barrier3A_75)
    %mul3A_76 = arith.constant 640 : i32
    %mul3A_77 = arith.muli %arg1, %mul3A_76 : i32
    %mul3A_78 = arith.constant 640 : i32
    %mul3A_79 = arith.muli %arg1, %mul3A_78 : i32
    "tpu.region"() ({
      %run_scoped3A_80 = tpu.sem_alloc : memref<!tpu.dma_semaphore, #tpu.memory_space<semaphore_mem>>
      %dma_start3A_81 = arith.constant 0 : i32
      %dma_start3A_82 = tpu.memref_slice %arg6[%arg0, %mul3A_79, %dma_start3A_81] : memref<2x10240x128xf32, #tpu.memory_space<hbm>> -> memref<1x640x128xf32, #tpu.memory_space<hbm>>
      %dma_start3A_83 = tpu.memref_squeeze %dma_start3A_82 : memref<1x640x128xf32, #tpu.memory_space<hbm>> -> memref<640x128xf32, #tpu.memory_space<hbm>>
      %dma_start3A_84 = arith.constant 0 : i32
      %dma_start3A_85 = tpu.memref_slice %arg10[%mul3A_77, %dma_start3A_84] : memref<10240x128xf32, #tpu.memory_space<vmem_shared>> -> memref<640x128xf32, #tpu.memory_space<vmem_shared>>
      tpu.enqueue_dma source(%dma_start3A_85 : memref<640x128xf32, #tpu.memory_space<vmem_shared>>) target(%dma_start3A_83 : memref<640x128xf32, #tpu.memory_space<hbm>>) target_semaphore(%run_scoped3A_80 : memref<!tpu.dma_semaphore, #tpu.memory_space<semaphore_mem>>)
      %dma_wait3A_86 = arith.constant 0 : i32
      %dma_wait3A_87 = tpu.memref_slice %arg6[%arg0, %mul3A_79, %dma_wait3A_86] : memref<2x10240x128xf32, #tpu.memory_space<hbm>> -> memref<1x640x128xf32, #tpu.memory_space<hbm>>
      %dma_wait3A_88 = tpu.memref_squeeze %dma_wait3A_87 : memref<1x640x128xf32, #tpu.memory_space<hbm>> -> memref<640x128xf32, #tpu.memory_space<hbm>>
      %dma_wait3A_89 = arith.constant 0 : i32
      %dma_wait3A_90 = tpu.memref_slice %arg10[%mul3A_77, %dma_wait3A_89] : memref<10240x128xf32, #tpu.memory_space<vmem_shared>> -> memref<640x128xf32, #tpu.memory_space<vmem_shared>>
      tpu.wait_dma2 semaphore(%run_scoped3A_80 : memref<!tpu.dma_semaphore, #tpu.memory_space<semaphore_mem>>) src(%dma_wait3A_90 : memref<640x128xf32, #tpu.memory_space<vmem_shared>>) dst(%dma_wait3A_88 : memref<640x128xf32, #tpu.memory_space<hbm>>)
      tpu.yield
    }) : () -> ()
    return
  }
}

#map = affine_map<(d0, d1) -> (0, 0)>
#map1 = affine_map<(d0, d1) -> (0, 0, 0)>
module attributes {stable_mosaic.version = 14 : i64} {
  func.func @_sc_agg(%arg0: i32, %arg1: i32, %arg2: memref<10240x128xf32, #tpu.memory_space<hbm>>, %arg3: memref<32x79x128xi32, #tpu.memory_space<hbm>>, %arg4: memref<32x79x128xi32, #tpu.memory_space<hbm>>, %arg5: memref<10240x128xf32, #tpu.memory_space<hbm>>, %arg6: memref<2x10240x128xf32, #tpu.memory_space<hbm>>, %arg7: memref<40x128xi32, #tpu.memory_space<vmem>>, %arg8: memref<40x128xi32, #tpu.memory_space<vmem>>, %arg9: memref<2x128x128xf32, #tpu.memory_space<vmem>>, %arg10: memref<10240x128xf32, #tpu.memory_space<vmem_shared>>, %arg11: memref<!tpu.dma_semaphore, #tpu.memory_space<semaphore_mem>>, %arg12: memref<!tpu.dma_semaphore, #tpu.memory_space<semaphore_mem>>) attributes {dimension_semantics = [#tpu.dimension_semantics<core_parallel>, #tpu.dimension_semantics<subcore_parallel>], iteration_bounds = array<i64: 2, 16>, scalar_prefetch = 0 : i64, scratch_operands = 6 : i64, tpu.core_type = #tpu.core_type<sc_vector_subcore>, window_params = [{transform_indices = #map}, {transform_indices = #map1}, {transform_indices = #map1}, {transform_indices = #map}, {transform_indices = #map1}]} {
    %mul3A = arith.constant 2 : i32
    %mul3A_0 = arith.muli %arg1, %mul3A : i32
    %add3A = arith.addi %mul3A_0, %arg0 : i32
    %mul3A_1 = arith.constant 640 : i32
    %mul3A_2 = arith.muli %arg1, %mul3A_1 : i32
    %mul3A_3 = arith.constant 640 : i32
    %mul3A_4 = arith.muli %arg1, %mul3A_3 : i32
    "tpu.region"() ({
      %run_scoped3A_80 = tpu.sem_alloc : memref<!tpu.dma_semaphore, #tpu.memory_space<semaphore_mem>>
      %dma_start3A_81 = arith.constant 0 : i32
      %dma_start3A_82 = tpu.memref_slice %arg10[%mul3A_4, %dma_start3A_81] : memref<10240x128xf32, #tpu.memory_space<vmem_shared>> -> memref<640x128xf32, #tpu.memory_space<vmem_shared>>
      %dma_start3A_83 = arith.constant 0 : i32
      %dma_start3A_84 = tpu.memref_slice %arg5[%mul3A_2, %dma_start3A_83] : memref<10240x128xf32, #tpu.memory_space<hbm>> -> memref<640x128xf32, #tpu.memory_space<hbm>>
      tpu.enqueue_dma source(%dma_start3A_84 : memref<640x128xf32, #tpu.memory_space<hbm>>) target(%dma_start3A_82 : memref<640x128xf32, #tpu.memory_space<vmem_shared>>) target_semaphore(%run_scoped3A_80 : memref<!tpu.dma_semaphore, #tpu.memory_space<semaphore_mem>>)
      %dma_wait3A_85 = arith.constant 0 : i32
      %dma_wait3A_86 = tpu.memref_slice %arg10[%mul3A_4, %dma_wait3A_85] : memref<10240x128xf32, #tpu.memory_space<vmem_shared>> -> memref<640x128xf32, #tpu.memory_space<vmem_shared>>
      %dma_wait3A_87 = arith.constant 0 : i32
      %dma_wait3A_88 = tpu.memref_slice %arg5[%mul3A_2, %dma_wait3A_87] : memref<10240x128xf32, #tpu.memory_space<hbm>> -> memref<640x128xf32, #tpu.memory_space<hbm>>
      tpu.wait_dma2 semaphore(%run_scoped3A_80 : memref<!tpu.dma_semaphore, #tpu.memory_space<semaphore_mem>>) src(%dma_wait3A_88 : memref<640x128xf32, #tpu.memory_space<hbm>>) dst(%dma_wait3A_86 : memref<640x128xf32, #tpu.memory_space<vmem_shared>>)
      tpu.yield
    }) : () -> ()
    %barrier3A = arith.constant 0 : index
    tpu.barrier barrier_id(%barrier3A)
    "tpu.region"() ({
      %run_scoped3A_80 = tpu.sem_alloc : memref<!tpu.dma_semaphore, #tpu.memory_space<semaphore_mem>>
      %dma_start3A_81 = arith.constant 0 : i32
      %dma_start3A_82 = arith.constant 0 : i32
      %dma_start3A_83 = tpu.memref_slice %arg7[%dma_start3A_81, %dma_start3A_82] : memref<40x128xi32, #tpu.memory_space<vmem>> -> memref<40x128xi32, #tpu.memory_space<vmem>>
      %dma_start3A_84 = arith.constant 0 : i32
      %dma_start3A_85 = arith.constant 0 : i32
      %dma_start3A_86 = tpu.memref_slice %arg3[%add3A, %dma_start3A_84, %dma_start3A_85] : memref<32x79x128xi32, #tpu.memory_space<hbm>> -> memref<1x79x128xi32, #tpu.memory_space<hbm>>
      %dma_start3A_87 = tpu.memref_squeeze %dma_start3A_86 : memref<1x79x128xi32, #tpu.memory_space<hbm>> -> memref<79x128xi32, #tpu.memory_space<hbm>>
      %dma_start3A_88 = arith.constant 0 : i32
      %dma_start3A_89 = arith.constant 0 : i32
      %dma_start3A_90 = tpu.memref_slice %dma_start3A_87[%dma_start3A_88, %dma_start3A_89] : memref<79x128xi32, #tpu.memory_space<hbm>> -> memref<40x128xi32, #tpu.memory_space<hbm>>
      %dma_start3A_91 = arith.constant 0 : i32
      %dma_start3A_92 = arith.constant 0 : i32
      %dma_start3A_93 = tpu.memref_slice %arg7[%dma_start3A_91, %dma_start3A_92] : memref<40x128xi32, #tpu.memory_space<vmem>> -> memref<40x128xi32, #tpu.memory_space<vmem>>
      %dma_start3A_94 = arith.constant 0 : i32
      %dma_start3A_95 = arith.constant 0 : i32
      %dma_start3A_96 = tpu.memref_slice %arg3[%add3A, %dma_start3A_94, %dma_start3A_95] : memref<32x79x128xi32, #tpu.memory_space<hbm>> -> memref<1x79x128xi32, #tpu.memory_space<hbm>>
      %dma_start3A_97 = tpu.memref_squeeze %dma_start3A_96 : memref<1x79x128xi32, #tpu.memory_space<hbm>> -> memref<79x128xi32, #tpu.memory_space<hbm>>
      %dma_start3A_98 = arith.constant 0 : i32
      %dma_start3A_99 = arith.constant 0 : i32
      %dma_start3A_100 = tpu.memref_slice %dma_start3A_97[%dma_start3A_98, %dma_start3A_99] : memref<79x128xi32, #tpu.memory_space<hbm>> -> memref<40x128xi32, #tpu.memory_space<hbm>>
      tpu.enqueue_dma source(%dma_start3A_100 : memref<40x128xi32, #tpu.memory_space<hbm>>) target(%dma_start3A_93 : memref<40x128xi32, #tpu.memory_space<vmem>>) target_semaphore(%run_scoped3A_80 : memref<!tpu.dma_semaphore, #tpu.memory_space<semaphore_mem>>)
      %dma_wait3A_101 = arith.constant 0 : i32
      %dma_wait3A_102 = arith.constant 0 : i32
      %dma_wait3A_103 = tpu.memref_slice %arg7[%dma_wait3A_101, %dma_wait3A_102] : memref<40x128xi32, #tpu.memory_space<vmem>> -> memref<40x128xi32, #tpu.memory_space<vmem>>
      %dma_wait3A_104 = arith.constant 0 : i32
      %dma_wait3A_105 = arith.constant 0 : i32
      %dma_wait3A_106 = tpu.memref_slice %arg3[%add3A, %dma_wait3A_104, %dma_wait3A_105] : memref<32x79x128xi32, #tpu.memory_space<hbm>> -> memref<1x79x128xi32, #tpu.memory_space<hbm>>
      %dma_wait3A_107 = tpu.memref_squeeze %dma_wait3A_106 : memref<1x79x128xi32, #tpu.memory_space<hbm>> -> memref<79x128xi32, #tpu.memory_space<hbm>>
      %dma_wait3A_108 = arith.constant 0 : i32
      %dma_wait3A_109 = arith.constant 0 : i32
      %dma_wait3A_110 = tpu.memref_slice %dma_wait3A_107[%dma_wait3A_108, %dma_wait3A_109] : memref<79x128xi32, #tpu.memory_space<hbm>> -> memref<40x128xi32, #tpu.memory_space<hbm>>
      %dma_wait3A_111 = arith.constant 0 : i32
      %dma_wait3A_112 = arith.constant 0 : i32
      %dma_wait3A_113 = tpu.memref_slice %arg7[%dma_wait3A_111, %dma_wait3A_112] : memref<40x128xi32, #tpu.memory_space<vmem>> -> memref<40x128xi32, #tpu.memory_space<vmem>>
      %dma_wait3A_114 = arith.constant 0 : i32
      %dma_wait3A_115 = arith.constant 0 : i32
      %dma_wait3A_116 = tpu.memref_slice %arg3[%add3A, %dma_wait3A_114, %dma_wait3A_115] : memref<32x79x128xi32, #tpu.memory_space<hbm>> -> memref<1x79x128xi32, #tpu.memory_space<hbm>>
      %dma_wait3A_117 = tpu.memref_squeeze %dma_wait3A_116 : memref<1x79x128xi32, #tpu.memory_space<hbm>> -> memref<79x128xi32, #tpu.memory_space<hbm>>
      %dma_wait3A_118 = arith.constant 0 : i32
      %dma_wait3A_119 = arith.constant 0 : i32
      %dma_wait3A_120 = tpu.memref_slice %dma_wait3A_117[%dma_wait3A_118, %dma_wait3A_119] : memref<79x128xi32, #tpu.memory_space<hbm>> -> memref<40x128xi32, #tpu.memory_space<hbm>>
      tpu.wait_dma2 semaphore(%run_scoped3A_80 : memref<!tpu.dma_semaphore, #tpu.memory_space<semaphore_mem>>) src(%dma_wait3A_120 : memref<40x128xi32, #tpu.memory_space<hbm>>) dst(%dma_wait3A_113 : memref<40x128xi32, #tpu.memory_space<vmem>>)
      tpu.yield
    }) : () -> ()
    "tpu.region"() ({
      %run_scoped3A_80 = tpu.sem_alloc : memref<!tpu.dma_semaphore, #tpu.memory_space<semaphore_mem>>
      %dma_start3A_81 = arith.constant 0 : i32
      %dma_start3A_82 = arith.constant 0 : i32
      %dma_start3A_83 = tpu.memref_slice %arg8[%dma_start3A_81, %dma_start3A_82] : memref<40x128xi32, #tpu.memory_space<vmem>> -> memref<40x128xi32, #tpu.memory_space<vmem>>
      %dma_start3A_84 = arith.constant 0 : i32
      %dma_start3A_85 = arith.constant 0 : i32
      %dma_start3A_86 = tpu.memref_slice %arg4[%add3A, %dma_start3A_84, %dma_start3A_85] : memref<32x79x128xi32, #tpu.memory_space<hbm>> -> memref<1x79x128xi32, #tpu.memory_space<hbm>>
      %dma_start3A_87 = tpu.memref_squeeze %dma_start3A_86 : memref<1x79x128xi32, #tpu.memory_space<hbm>> -> memref<79x128xi32, #tpu.memory_space<hbm>>
      %dma_start3A_88 = arith.constant 0 : i32
      %dma_start3A_89 = arith.constant 0 : i32
      %dma_start3A_90 = tpu.memref_slice %dma_start3A_87[%dma_start3A_88, %dma_start3A_89] : memref<79x128xi32, #tpu.memory_space<hbm>> -> memref<40x128xi32, #tpu.memory_space<hbm>>
      %dma_start3A_91 = arith.constant 0 : i32
      %dma_start3A_92 = arith.constant 0 : i32
      %dma_start3A_93 = tpu.memref_slice %arg8[%dma_start3A_91, %dma_start3A_92] : memref<40x128xi32, #tpu.memory_space<vmem>> -> memref<40x128xi32, #tpu.memory_space<vmem>>
      %dma_start3A_94 = arith.constant 0 : i32
      %dma_start3A_95 = arith.constant 0 : i32
      %dma_start3A_96 = tpu.memref_slice %arg4[%add3A, %dma_start3A_94, %dma_start3A_95] : memref<32x79x128xi32, #tpu.memory_space<hbm>> -> memref<1x79x128xi32, #tpu.memory_space<hbm>>
      %dma_start3A_97 = tpu.memref_squeeze %dma_start3A_96 : memref<1x79x128xi32, #tpu.memory_space<hbm>> -> memref<79x128xi32, #tpu.memory_space<hbm>>
      %dma_start3A_98 = arith.constant 0 : i32
      %dma_start3A_99 = arith.constant 0 : i32
      %dma_start3A_100 = tpu.memref_slice %dma_start3A_97[%dma_start3A_98, %dma_start3A_99] : memref<79x128xi32, #tpu.memory_space<hbm>> -> memref<40x128xi32, #tpu.memory_space<hbm>>
      tpu.enqueue_dma source(%dma_start3A_100 : memref<40x128xi32, #tpu.memory_space<hbm>>) target(%dma_start3A_93 : memref<40x128xi32, #tpu.memory_space<vmem>>) target_semaphore(%run_scoped3A_80 : memref<!tpu.dma_semaphore, #tpu.memory_space<semaphore_mem>>)
      %dma_wait3A_101 = arith.constant 0 : i32
      %dma_wait3A_102 = arith.constant 0 : i32
      %dma_wait3A_103 = tpu.memref_slice %arg8[%dma_wait3A_101, %dma_wait3A_102] : memref<40x128xi32, #tpu.memory_space<vmem>> -> memref<40x128xi32, #tpu.memory_space<vmem>>
      %dma_wait3A_104 = arith.constant 0 : i32
      %dma_wait3A_105 = arith.constant 0 : i32
      %dma_wait3A_106 = tpu.memref_slice %arg4[%add3A, %dma_wait3A_104, %dma_wait3A_105] : memref<32x79x128xi32, #tpu.memory_space<hbm>> -> memref<1x79x128xi32, #tpu.memory_space<hbm>>
      %dma_wait3A_107 = tpu.memref_squeeze %dma_wait3A_106 : memref<1x79x128xi32, #tpu.memory_space<hbm>> -> memref<79x128xi32, #tpu.memory_space<hbm>>
      %dma_wait3A_108 = arith.constant 0 : i32
      %dma_wait3A_109 = arith.constant 0 : i32
      %dma_wait3A_110 = tpu.memref_slice %dma_wait3A_107[%dma_wait3A_108, %dma_wait3A_109] : memref<79x128xi32, #tpu.memory_space<hbm>> -> memref<40x128xi32, #tpu.memory_space<hbm>>
      %dma_wait3A_111 = arith.constant 0 : i32
      %dma_wait3A_112 = arith.constant 0 : i32
      %dma_wait3A_113 = tpu.memref_slice %arg8[%dma_wait3A_111, %dma_wait3A_112] : memref<40x128xi32, #tpu.memory_space<vmem>> -> memref<40x128xi32, #tpu.memory_space<vmem>>
      %dma_wait3A_114 = arith.constant 0 : i32
      %dma_wait3A_115 = arith.constant 0 : i32
      %dma_wait3A_116 = tpu.memref_slice %arg4[%add3A, %dma_wait3A_114, %dma_wait3A_115] : memref<32x79x128xi32, #tpu.memory_space<hbm>> -> memref<1x79x128xi32, #tpu.memory_space<hbm>>
      %dma_wait3A_117 = tpu.memref_squeeze %dma_wait3A_116 : memref<1x79x128xi32, #tpu.memory_space<hbm>> -> memref<79x128xi32, #tpu.memory_space<hbm>>
      %dma_wait3A_118 = arith.constant 0 : i32
      %dma_wait3A_119 = arith.constant 0 : i32
      %dma_wait3A_120 = tpu.memref_slice %dma_wait3A_117[%dma_wait3A_118, %dma_wait3A_119] : memref<79x128xi32, #tpu.memory_space<hbm>> -> memref<40x128xi32, #tpu.memory_space<hbm>>
      tpu.wait_dma2 semaphore(%run_scoped3A_80 : memref<!tpu.dma_semaphore, #tpu.memory_space<semaphore_mem>>) src(%dma_wait3A_120 : memref<40x128xi32, #tpu.memory_space<hbm>>) dst(%dma_wait3A_113 : memref<40x128xi32, #tpu.memory_space<vmem>>)
      tpu.yield
    }) : () -> ()
    %dma_start3A = arith.constant 0 : i32
    %dma_start3A_5 = arith.constant 0 : i32
    %dma_start3A_6 = arith.constant 0 : i32
    %dma_start3A_7 = arith.constant 0 : i32
    %dma_start3A_8 = tpu.memref_slice %arg9[%dma_start3A_5, %dma_start3A_6, %dma_start3A_7] : memref<2x128x128xf32, #tpu.memory_space<vmem>> -> memref<1x128x128xf32, #tpu.memory_space<vmem>>
    %dma_start3A_9 = tpu.memref_squeeze %dma_start3A_8 : memref<1x128x128xf32, #tpu.memory_space<vmem>> -> memref<128x128xf32, #tpu.memory_space<vmem>>
    %dma_start3A_10 = arith.constant 0 : i32
    %dma_start3A_11 = tpu.memref_slice %arg7[%dma_start3A, %dma_start3A_10] : memref<40x128xi32, #tpu.memory_space<vmem>> -> memref<1x128xi32, #tpu.memory_space<vmem>>
    %dma_start3A_12 = tpu.memref_squeeze %dma_start3A_11 : memref<1x128xi32, #tpu.memory_space<vmem>> -> memref<128xi32, #tpu.memory_space<vmem>>
    %dma_start3A_13 = arith.constant 0 : i32
    %dma_start3A_14 = arith.constant 0 : i32
    %dma_start3A_15 = tpu.memref_slice %arg2[%dma_start3A_13, %dma_start3A_14] : memref<10240x128xf32, #tpu.memory_space<hbm>> -> memref<10240x128xf32, #tpu.memory_space<hbm>>
    tpu.enqueue_indirect_dma source(%dma_start3A_15 : memref<10240x128xf32, #tpu.memory_space<hbm>>) target(%dma_start3A_9 : memref<128x128xf32, #tpu.memory_space<vmem>>) offsets(%dma_start3A_12 : memref<128xi32, #tpu.memory_space<vmem>>) semaphore(%arg11 : memref<!tpu.dma_semaphore, #tpu.memory_space<semaphore_mem>>)
    %dma_start3A_16 = arith.constant 1 : i32
    %dma_start3A_17 = arith.constant 1 : i32
    %dma_start3A_18 = arith.constant 0 : i32
    %dma_start3A_19 = arith.constant 0 : i32
    %dma_start3A_20 = tpu.memref_slice %arg9[%dma_start3A_17, %dma_start3A_18, %dma_start3A_19] : memref<2x128x128xf32, #tpu.memory_space<vmem>> -> memref<1x128x128xf32, #tpu.memory_space<vmem>>
    %dma_start3A_21 = tpu.memref_squeeze %dma_start3A_20 : memref<1x128x128xf32, #tpu.memory_space<vmem>> -> memref<128x128xf32, #tpu.memory_space<vmem>>
    %dma_start3A_22 = arith.constant 0 : i32
    %dma_start3A_23 = tpu.memref_slice %arg7[%dma_start3A_16, %dma_start3A_22] : memref<40x128xi32, #tpu.memory_space<vmem>> -> memref<1x128xi32, #tpu.memory_space<vmem>>
    %dma_start3A_24 = tpu.memref_squeeze %dma_start3A_23 : memref<1x128xi32, #tpu.memory_space<vmem>> -> memref<128xi32, #tpu.memory_space<vmem>>
    %dma_start3A_25 = arith.constant 0 : i32
    %dma_start3A_26 = arith.constant 0 : i32
    %dma_start3A_27 = tpu.memref_slice %arg2[%dma_start3A_25, %dma_start3A_26] : memref<10240x128xf32, #tpu.memory_space<hbm>> -> memref<10240x128xf32, #tpu.memory_space<hbm>>
    tpu.enqueue_indirect_dma source(%dma_start3A_27 : memref<10240x128xf32, #tpu.memory_space<hbm>>) target(%dma_start3A_21 : memref<128x128xf32, #tpu.memory_space<vmem>>) offsets(%dma_start3A_24 : memref<128xi32, #tpu.memory_space<vmem>>) semaphore(%arg12 : memref<!tpu.dma_semaphore, #tpu.memory_space<semaphore_mem>>)
    %scan3A = arith.constant 0 : i32
    %scan3A_28 = arith.constant 0 : i32
    %scan3A_29 = arith.constant 20 : i32
    %scan3A_30 = arith.addi %scan3A_28, %scan3A_29 : i32
    %scan3A_31 = arith.constant 1 : i32
    scf.for %scan3A_80 = %scan3A_28 to %scan3A_30 step %scan3A_31  : i32 {
      %mul3A_81 = arith.constant 2 : i32
      %mul3A_82 = arith.muli %scan3A_80, %mul3A_81 : i32
      %dma_wait3A_83 = arith.constant 0 : i32
      %dma_wait3A_84 = arith.constant 0 : i32
      %dma_wait3A_85 = arith.constant 0 : i32
      %dma_wait3A_86 = tpu.memref_slice %arg9[%dma_wait3A_83, %dma_wait3A_84, %dma_wait3A_85] : memref<2x128x128xf32, #tpu.memory_space<vmem>> -> memref<1x128x128xf32, #tpu.memory_space<vmem>>
      %dma_wait3A_87 = tpu.memref_squeeze %dma_wait3A_86 : memref<1x128x128xf32, #tpu.memory_space<vmem>> -> memref<128x128xf32, #tpu.memory_space<vmem>>
      %dma_wait3A_88 = arith.constant 0 : i32
      %dma_wait3A_89 = tpu.memref_slice %arg7[%mul3A_82, %dma_wait3A_88] : memref<40x128xi32, #tpu.memory_space<vmem>> -> memref<1x128xi32, #tpu.memory_space<vmem>>
      %dma_wait3A_90 = tpu.memref_squeeze %dma_wait3A_89 : memref<1x128xi32, #tpu.memory_space<vmem>> -> memref<128xi32, #tpu.memory_space<vmem>>
      %dma_wait3A_91 = arith.constant 0 : i32
      %dma_wait3A_92 = arith.constant 0 : i32
      %dma_wait3A_93 = tpu.memref_slice %arg2[%dma_wait3A_91, %dma_wait3A_92] : memref<10240x128xf32, #tpu.memory_space<hbm>> -> memref<10240x128xf32, #tpu.memory_space<hbm>>
      tpu.wait_indirect_dma semaphore(%arg11 : memref<!tpu.dma_semaphore, #tpu.memory_space<semaphore_mem>>) src(%dma_wait3A_93 : memref<10240x128xf32, #tpu.memory_space<hbm>>) dst(%dma_wait3A_87 : memref<128x128xf32, #tpu.memory_space<vmem>>)
      %run_scoped3A_94 = arith.constant 0 : i32
      "tpu.region"() ({
        %run_scoped3A_122 = tpu.sem_alloc : memref<!tpu.dma_semaphore, #tpu.memory_space<semaphore_mem>>
        %dma_start3A_123 = arith.constant 0 : i32
        %dma_start3A_124 = arith.constant 0 : i32
        %dma_start3A_125 = tpu.memref_slice %arg9[%run_scoped3A_94, %dma_start3A_123, %dma_start3A_124] : memref<2x128x128xf32, #tpu.memory_space<vmem>> -> memref<1x128x128xf32, #tpu.memory_space<vmem>>
        %dma_start3A_126 = tpu.memref_squeeze %dma_start3A_125 : memref<1x128x128xf32, #tpu.memory_space<vmem>> -> memref<128x128xf32, #tpu.memory_space<vmem>>
        %dma_start3A_127 = arith.constant 0 : i32
        %dma_start3A_128 = tpu.memref_slice %arg8[%mul3A_82, %dma_start3A_127] : memref<40x128xi32, #tpu.memory_space<vmem>> -> memref<1x128xi32, #tpu.memory_space<vmem>>
        %dma_start3A_129 = tpu.memref_squeeze %dma_start3A_128 : memref<1x128xi32, #tpu.memory_space<vmem>> -> memref<128xi32, #tpu.memory_space<vmem>>
        %dma_start3A_130 = arith.constant 0 : i32
        %dma_start3A_131 = arith.constant 0 : i32
        %dma_start3A_132 = tpu.memref_slice %arg10[%dma_start3A_130, %dma_start3A_131] : memref<10240x128xf32, #tpu.memory_space<vmem_shared>> -> memref<10240x128xf32, #tpu.memory_space<vmem_shared>>
        tpu.enqueue_indirect_dma source(%dma_start3A_126 : memref<128x128xf32, #tpu.memory_space<vmem>>) target(%dma_start3A_132 : memref<10240x128xf32, #tpu.memory_space<vmem_shared>>) offsets(%dma_start3A_129 : memref<128xi32, #tpu.memory_space<vmem>>) semaphore(%run_scoped3A_122 : memref<!tpu.dma_semaphore, #tpu.memory_space<semaphore_mem>>) {add = true}
        %dma_wait3A_133 = arith.constant 0 : i32
        %dma_wait3A_134 = arith.constant 0 : i32
        %dma_wait3A_135 = tpu.memref_slice %arg9[%run_scoped3A_94, %dma_wait3A_133, %dma_wait3A_134] : memref<2x128x128xf32, #tpu.memory_space<vmem>> -> memref<1x128x128xf32, #tpu.memory_space<vmem>>
        %dma_wait3A_136 = tpu.memref_squeeze %dma_wait3A_135 : memref<1x128x128xf32, #tpu.memory_space<vmem>> -> memref<128x128xf32, #tpu.memory_space<vmem>>
        %dma_wait3A_137 = arith.constant 0 : i32
        %dma_wait3A_138 = tpu.memref_slice %arg8[%mul3A_82, %dma_wait3A_137] : memref<40x128xi32, #tpu.memory_space<vmem>> -> memref<1x128xi32, #tpu.memory_space<vmem>>
        %dma_wait3A_139 = tpu.memref_squeeze %dma_wait3A_138 : memref<1x128xi32, #tpu.memory_space<vmem>> -> memref<128xi32, #tpu.memory_space<vmem>>
        %dma_wait3A_140 = arith.constant 0 : i32
        %dma_wait3A_141 = arith.constant 0 : i32
        %dma_wait3A_142 = tpu.memref_slice %arg10[%dma_wait3A_140, %dma_wait3A_141] : memref<10240x128xf32, #tpu.memory_space<vmem_shared>> -> memref<10240x128xf32, #tpu.memory_space<vmem_shared>>
        tpu.wait_indirect_dma semaphore(%run_scoped3A_122 : memref<!tpu.dma_semaphore, #tpu.memory_space<semaphore_mem>>) src(%dma_wait3A_136 : memref<128x128xf32, #tpu.memory_space<vmem>>) dst(%dma_wait3A_142 : memref<10240x128xf32, #tpu.memory_space<vmem_shared>>)
        tpu.yield
      }) : () -> ()
      %add3A_95 = arith.constant 2 : i32
      %add3A_96 = arith.addi %mul3A_82, %add3A_95 : i32
      %lt3A = arith.constant 40 : i32
      %lt3A_97 = arith.cmpi slt, %add3A_96, %lt3A : i32
      %convert_element_type3A = arith.extui %lt3A_97 : i1 to i32
      %cond3A = arith.constant 0 : i32
      %cond3A_98 = arith.cmpi ne, %convert_element_type3A, %cond3A : i32
      scf.if %cond3A_98 {
        %add3A_122 = arith.constant 2 : i32
        %add3A_123 = arith.addi %mul3A_82, %add3A_122 : i32
        %dma_start3A_124 = arith.constant 0 : i32
        %dma_start3A_125 = arith.constant 0 : i32
        %dma_start3A_126 = arith.constant 0 : i32
        %dma_start3A_127 = tpu.memref_slice %arg9[%dma_start3A_124, %dma_start3A_125, %dma_start3A_126] : memref<2x128x128xf32, #tpu.memory_space<vmem>> -> memref<1x128x128xf32, #tpu.memory_space<vmem>>
        %dma_start3A_128 = tpu.memref_squeeze %dma_start3A_127 : memref<1x128x128xf32, #tpu.memory_space<vmem>> -> memref<128x128xf32, #tpu.memory_space<vmem>>
        %dma_start3A_129 = arith.constant 0 : i32
        %dma_start3A_130 = tpu.memref_slice %arg7[%add3A_123, %dma_start3A_129] : memref<40x128xi32, #tpu.memory_space<vmem>> -> memref<1x128xi32, #tpu.memory_space<vmem>>
        %dma_start3A_131 = tpu.memref_squeeze %dma_start3A_130 : memref<1x128xi32, #tpu.memory_space<vmem>> -> memref<128xi32, #tpu.memory_space<vmem>>
        %dma_start3A_132 = arith.constant 0 : i32
        %dma_start3A_133 = arith.constant 0 : i32
        %dma_start3A_134 = tpu.memref_slice %arg2[%dma_start3A_132, %dma_start3A_133] : memref<10240x128xf32, #tpu.memory_space<hbm>> -> memref<10240x128xf32, #tpu.memory_space<hbm>>
        tpu.enqueue_indirect_dma source(%dma_start3A_134 : memref<10240x128xf32, #tpu.memory_space<hbm>>) target(%dma_start3A_128 : memref<128x128xf32, #tpu.memory_space<vmem>>) offsets(%dma_start3A_131 : memref<128xi32, #tpu.memory_space<vmem>>) semaphore(%arg11 : memref<!tpu.dma_semaphore, #tpu.memory_space<semaphore_mem>>)
      } else {
      }
      %mul3A_99 = arith.constant 2 : i32
      %mul3A_100 = arith.muli %scan3A_80, %mul3A_99 : i32
      %add3A_101 = arith.constant 1 : i32
      %add3A_102 = arith.addi %mul3A_100, %add3A_101 : i32
      %dma_wait3A_103 = arith.constant 1 : i32
      %dma_wait3A_104 = arith.constant 0 : i32
      %dma_wait3A_105 = arith.constant 0 : i32
      %dma_wait3A_106 = tpu.memref_slice %arg9[%dma_wait3A_103, %dma_wait3A_104, %dma_wait3A_105] : memref<2x128x128xf32, #tpu.memory_space<vmem>> -> memref<1x128x128xf32, #tpu.memory_space<vmem>>
      %dma_wait3A_107 = tpu.memref_squeeze %dma_wait3A_106 : memref<1x128x128xf32, #tpu.memory_space<vmem>> -> memref<128x128xf32, #tpu.memory_space<vmem>>
      %dma_wait3A_108 = arith.constant 0 : i32
      %dma_wait3A_109 = tpu.memref_slice %arg7[%add3A_102, %dma_wait3A_108] : memref<40x128xi32, #tpu.memory_space<vmem>> -> memref<1x128xi32, #tpu.memory_space<vmem>>
      %dma_wait3A_110 = tpu.memref_squeeze %dma_wait3A_109 : memref<1x128xi32, #tpu.memory_space<vmem>> -> memref<128xi32, #tpu.memory_space<vmem>>
      %dma_wait3A_111 = arith.constant 0 : i32
      %dma_wait3A_112 = arith.constant 0 : i32
      %dma_wait3A_113 = tpu.memref_slice %arg2[%dma_wait3A_111, %dma_wait3A_112] : memref<10240x128xf32, #tpu.memory_space<hbm>> -> memref<10240x128xf32, #tpu.memory_space<hbm>>
      tpu.wait_indirect_dma semaphore(%arg12 : memref<!tpu.dma_semaphore, #tpu.memory_space<semaphore_mem>>) src(%dma_wait3A_113 : memref<10240x128xf32, #tpu.memory_space<hbm>>) dst(%dma_wait3A_107 : memref<128x128xf32, #tpu.memory_space<vmem>>)
      %run_scoped3A_114 = arith.constant 1 : i32
      "tpu.region"() ({
        %run_scoped3A_122 = tpu.sem_alloc : memref<!tpu.dma_semaphore, #tpu.memory_space<semaphore_mem>>
        %dma_start3A_123 = arith.constant 0 : i32
        %dma_start3A_124 = arith.constant 0 : i32
        %dma_start3A_125 = tpu.memref_slice %arg9[%run_scoped3A_114, %dma_start3A_123, %dma_start3A_124] : memref<2x128x128xf32, #tpu.memory_space<vmem>> -> memref<1x128x128xf32, #tpu.memory_space<vmem>>
        %dma_start3A_126 = tpu.memref_squeeze %dma_start3A_125 : memref<1x128x128xf32, #tpu.memory_space<vmem>> -> memref<128x128xf32, #tpu.memory_space<vmem>>
        %dma_start3A_127 = arith.constant 0 : i32
        %dma_start3A_128 = tpu.memref_slice %arg8[%add3A_102, %dma_start3A_127] : memref<40x128xi32, #tpu.memory_space<vmem>> -> memref<1x128xi32, #tpu.memory_space<vmem>>
        %dma_start3A_129 = tpu.memref_squeeze %dma_start3A_128 : memref<1x128xi32, #tpu.memory_space<vmem>> -> memref<128xi32, #tpu.memory_space<vmem>>
        %dma_start3A_130 = arith.constant 0 : i32
        %dma_start3A_131 = arith.constant 0 : i32
        %dma_start3A_132 = tpu.memref_slice %arg10[%dma_start3A_130, %dma_start3A_131] : memref<10240x128xf32, #tpu.memory_space<vmem_shared>> -> memref<10240x128xf32, #tpu.memory_space<vmem_shared>>
        tpu.enqueue_indirect_dma source(%dma_start3A_126 : memref<128x128xf32, #tpu.memory_space<vmem>>) target(%dma_start3A_132 : memref<10240x128xf32, #tpu.memory_space<vmem_shared>>) offsets(%dma_start3A_129 : memref<128xi32, #tpu.memory_space<vmem>>) semaphore(%run_scoped3A_122 : memref<!tpu.dma_semaphore, #tpu.memory_space<semaphore_mem>>) {add = true}
        %dma_wait3A_133 = arith.constant 0 : i32
        %dma_wait3A_134 = arith.constant 0 : i32
        %dma_wait3A_135 = tpu.memref_slice %arg9[%run_scoped3A_114, %dma_wait3A_133, %dma_wait3A_134] : memref<2x128x128xf32, #tpu.memory_space<vmem>> -> memref<1x128x128xf32, #tpu.memory_space<vmem>>
        %dma_wait3A_136 = tpu.memref_squeeze %dma_wait3A_135 : memref<1x128x128xf32, #tpu.memory_space<vmem>> -> memref<128x128xf32, #tpu.memory_space<vmem>>
        %dma_wait3A_137 = arith.constant 0 : i32
        %dma_wait3A_138 = tpu.memref_slice %arg8[%add3A_102, %dma_wait3A_137] : memref<40x128xi32, #tpu.memory_space<vmem>> -> memref<1x128xi32, #tpu.memory_space<vmem>>
        %dma_wait3A_139 = tpu.memref_squeeze %dma_wait3A_138 : memref<1x128xi32, #tpu.memory_space<vmem>> -> memref<128xi32, #tpu.memory_space<vmem>>
        %dma_wait3A_140 = arith.constant 0 : i32
        %dma_wait3A_141 = arith.constant 0 : i32
        %dma_wait3A_142 = tpu.memref_slice %arg10[%dma_wait3A_140, %dma_wait3A_141] : memref<10240x128xf32, #tpu.memory_space<vmem_shared>> -> memref<10240x128xf32, #tpu.memory_space<vmem_shared>>
        tpu.wait_indirect_dma semaphore(%run_scoped3A_122 : memref<!tpu.dma_semaphore, #tpu.memory_space<semaphore_mem>>) src(%dma_wait3A_136 : memref<128x128xf32, #tpu.memory_space<vmem>>) dst(%dma_wait3A_142 : memref<10240x128xf32, #tpu.memory_space<vmem_shared>>)
        tpu.yield
      }) : () -> ()
      %add3A_115 = arith.constant 2 : i32
      %add3A_116 = arith.addi %add3A_102, %add3A_115 : i32
      %lt3A_117 = arith.constant 40 : i32
      %lt3A_118 = arith.cmpi slt, %add3A_116, %lt3A_117 : i32
      %convert_element_type3A_119 = arith.extui %lt3A_118 : i1 to i32
      %cond3A_120 = arith.constant 0 : i32
      %cond3A_121 = arith.cmpi ne, %convert_element_type3A_119, %cond3A_120 : i32
      scf.if %cond3A_121 {
        %add3A_122 = arith.constant 2 : i32
        %add3A_123 = arith.addi %add3A_102, %add3A_122 : i32
        %dma_start3A_124 = arith.constant 1 : i32
        %dma_start3A_125 = arith.constant 0 : i32
        %dma_start3A_126 = arith.constant 0 : i32
        %dma_start3A_127 = tpu.memref_slice %arg9[%dma_start3A_124, %dma_start3A_125, %dma_start3A_126] : memref<2x128x128xf32, #tpu.memory_space<vmem>> -> memref<1x128x128xf32, #tpu.memory_space<vmem>>
        %dma_start3A_128 = tpu.memref_squeeze %dma_start3A_127 : memref<1x128x128xf32, #tpu.memory_space<vmem>> -> memref<128x128xf32, #tpu.memory_space<vmem>>
        %dma_start3A_129 = arith.constant 0 : i32
        %dma_start3A_130 = tpu.memref_slice %arg7[%add3A_123, %dma_start3A_129] : memref<40x128xi32, #tpu.memory_space<vmem>> -> memref<1x128xi32, #tpu.memory_space<vmem>>
        %dma_start3A_131 = tpu.memref_squeeze %dma_start3A_130 : memref<1x128xi32, #tpu.memory_space<vmem>> -> memref<128xi32, #tpu.memory_space<vmem>>
        %dma_start3A_132 = arith.constant 0 : i32
        %dma_start3A_133 = arith.constant 0 : i32
        %dma_start3A_134 = tpu.memref_slice %arg2[%dma_start3A_132, %dma_start3A_133] : memref<10240x128xf32, #tpu.memory_space<hbm>> -> memref<10240x128xf32, #tpu.memory_space<hbm>>
        tpu.enqueue_indirect_dma source(%dma_start3A_134 : memref<10240x128xf32, #tpu.memory_space<hbm>>) target(%dma_start3A_128 : memref<128x128xf32, #tpu.memory_space<vmem>>) offsets(%dma_start3A_131 : memref<128xi32, #tpu.memory_space<vmem>>) semaphore(%arg12 : memref<!tpu.dma_semaphore, #tpu.memory_space<semaphore_mem>>)
      } else {
      }
    }
    %scan3A_32 = arith.constant 20 : i32
    "tpu.region"() ({
      %run_scoped3A_80 = tpu.sem_alloc : memref<!tpu.dma_semaphore, #tpu.memory_space<semaphore_mem>>
      %dma_start3A_81 = arith.constant 0 : i32
      %dma_start3A_82 = arith.constant 0 : i32
      %dma_start3A_83 = tpu.memref_slice %arg7[%dma_start3A_81, %dma_start3A_82] : memref<40x128xi32, #tpu.memory_space<vmem>> -> memref<39x128xi32, #tpu.memory_space<vmem>>
      %dma_start3A_84 = arith.constant 0 : i32
      %dma_start3A_85 = arith.constant 0 : i32
      %dma_start3A_86 = tpu.memref_slice %arg3[%add3A, %dma_start3A_84, %dma_start3A_85] : memref<32x79x128xi32, #tpu.memory_space<hbm>> -> memref<1x79x128xi32, #tpu.memory_space<hbm>>
      %dma_start3A_87 = tpu.memref_squeeze %dma_start3A_86 : memref<1x79x128xi32, #tpu.memory_space<hbm>> -> memref<79x128xi32, #tpu.memory_space<hbm>>
      %dma_start3A_88 = arith.constant 40 : i32
      %dma_start3A_89 = arith.constant 0 : i32
      %dma_start3A_90 = tpu.memref_slice %dma_start3A_87[%dma_start3A_88, %dma_start3A_89] : memref<79x128xi32, #tpu.memory_space<hbm>> -> memref<39x128xi32, #tpu.memory_space<hbm>>
      %dma_start3A_91 = arith.constant 0 : i32
      %dma_start3A_92 = arith.constant 0 : i32
      %dma_start3A_93 = tpu.memref_slice %arg7[%dma_start3A_91, %dma_start3A_92] : memref<40x128xi32, #tpu.memory_space<vmem>> -> memref<39x128xi32, #tpu.memory_space<vmem>>
      %dma_start3A_94 = arith.constant 0 : i32
      %dma_start3A_95 = arith.constant 0 : i32
      %dma_start3A_96 = tpu.memref_slice %arg3[%add3A, %dma_start3A_94, %dma_start3A_95] : memref<32x79x128xi32, #tpu.memory_space<hbm>> -> memref<1x79x128xi32, #tpu.memory_space<hbm>>
      %dma_start3A_97 = tpu.memref_squeeze %dma_start3A_96 : memref<1x79x128xi32, #tpu.memory_space<hbm>> -> memref<79x128xi32, #tpu.memory_space<hbm>>
      %dma_start3A_98 = arith.constant 40 : i32
      %dma_start3A_99 = arith.constant 0 : i32
      %dma_start3A_100 = tpu.memref_slice %dma_start3A_97[%dma_start3A_98, %dma_start3A_99] : memref<79x128xi32, #tpu.memory_space<hbm>> -> memref<39x128xi32, #tpu.memory_space<hbm>>
      tpu.enqueue_dma source(%dma_start3A_100 : memref<39x128xi32, #tpu.memory_space<hbm>>) target(%dma_start3A_93 : memref<39x128xi32, #tpu.memory_space<vmem>>) target_semaphore(%run_scoped3A_80 : memref<!tpu.dma_semaphore, #tpu.memory_space<semaphore_mem>>)
      %dma_wait3A_101 = arith.constant 0 : i32
      %dma_wait3A_102 = arith.constant 0 : i32
      %dma_wait3A_103 = tpu.memref_slice %arg7[%dma_wait3A_101, %dma_wait3A_102] : memref<40x128xi32, #tpu.memory_space<vmem>> -> memref<39x128xi32, #tpu.memory_space<vmem>>
      %dma_wait3A_104 = arith.constant 0 : i32
      %dma_wait3A_105 = arith.constant 0 : i32
      %dma_wait3A_106 = tpu.memref_slice %arg3[%add3A, %dma_wait3A_104, %dma_wait3A_105] : memref<32x79x128xi32, #tpu.memory_space<hbm>> -> memref<1x79x128xi32, #tpu.memory_space<hbm>>
      %dma_wait3A_107 = tpu.memref_squeeze %dma_wait3A_106 : memref<1x79x128xi32, #tpu.memory_space<hbm>> -> memref<79x128xi32, #tpu.memory_space<hbm>>
      %dma_wait3A_108 = arith.constant 40 : i32
      %dma_wait3A_109 = arith.constant 0 : i32
      %dma_wait3A_110 = tpu.memref_slice %dma_wait3A_107[%dma_wait3A_108, %dma_wait3A_109] : memref<79x128xi32, #tpu.memory_space<hbm>> -> memref<39x128xi32, #tpu.memory_space<hbm>>
      %dma_wait3A_111 = arith.constant 0 : i32
      %dma_wait3A_112 = arith.constant 0 : i32
      %dma_wait3A_113 = tpu.memref_slice %arg7[%dma_wait3A_111, %dma_wait3A_112] : memref<40x128xi32, #tpu.memory_space<vmem>> -> memref<39x128xi32, #tpu.memory_space<vmem>>
      %dma_wait3A_114 = arith.constant 0 : i32
      %dma_wait3A_115 = arith.constant 0 : i32
      %dma_wait3A_116 = tpu.memref_slice %arg3[%add3A, %dma_wait3A_114, %dma_wait3A_115] : memref<32x79x128xi32, #tpu.memory_space<hbm>> -> memref<1x79x128xi32, #tpu.memory_space<hbm>>
      %dma_wait3A_117 = tpu.memref_squeeze %dma_wait3A_116 : memref<1x79x128xi32, #tpu.memory_space<hbm>> -> memref<79x128xi32, #tpu.memory_space<hbm>>
      %dma_wait3A_118 = arith.constant 40 : i32
      %dma_wait3A_119 = arith.constant 0 : i32
      %dma_wait3A_120 = tpu.memref_slice %dma_wait3A_117[%dma_wait3A_118, %dma_wait3A_119] : memref<79x128xi32, #tpu.memory_space<hbm>> -> memref<39x128xi32, #tpu.memory_space<hbm>>
      tpu.wait_dma2 semaphore(%run_scoped3A_80 : memref<!tpu.dma_semaphore, #tpu.memory_space<semaphore_mem>>) src(%dma_wait3A_120 : memref<39x128xi32, #tpu.memory_space<hbm>>) dst(%dma_wait3A_113 : memref<39x128xi32, #tpu.memory_space<vmem>>)
      tpu.yield
    }) : () -> ()
    "tpu.region"() ({
      %run_scoped3A_80 = tpu.sem_alloc : memref<!tpu.dma_semaphore, #tpu.memory_space<semaphore_mem>>
      %dma_start3A_81 = arith.constant 0 : i32
      %dma_start3A_82 = arith.constant 0 : i32
      %dma_start3A_83 = tpu.memref_slice %arg8[%dma_start3A_81, %dma_start3A_82] : memref<40x128xi32, #tpu.memory_space<vmem>> -> memref<39x128xi32, #tpu.memory_space<vmem>>
      %dma_start3A_84 = arith.constant 0 : i32
      %dma_start3A_85 = arith.constant 0 : i32
      %dma_start3A_86 = tpu.memref_slice %arg4[%add3A, %dma_start3A_84, %dma_start3A_85] : memref<32x79x128xi32, #tpu.memory_space<hbm>> -> memref<1x79x128xi32, #tpu.memory_space<hbm>>
      %dma_start3A_87 = tpu.memref_squeeze %dma_start3A_86 : memref<1x79x128xi32, #tpu.memory_space<hbm>> -> memref<79x128xi32, #tpu.memory_space<hbm>>
      %dma_start3A_88 = arith.constant 40 : i32
      %dma_start3A_89 = arith.constant 0 : i32
      %dma_start3A_90 = tpu.memref_slice %dma_start3A_87[%dma_start3A_88, %dma_start3A_89] : memref<79x128xi32, #tpu.memory_space<hbm>> -> memref<39x128xi32, #tpu.memory_space<hbm>>
      %dma_start3A_91 = arith.constant 0 : i32
      %dma_start3A_92 = arith.constant 0 : i32
      %dma_start3A_93 = tpu.memref_slice %arg8[%dma_start3A_91, %dma_start3A_92] : memref<40x128xi32, #tpu.memory_space<vmem>> -> memref<39x128xi32, #tpu.memory_space<vmem>>
      %dma_start3A_94 = arith.constant 0 : i32
      %dma_start3A_95 = arith.constant 0 : i32
      %dma_start3A_96 = tpu.memref_slice %arg4[%add3A, %dma_start3A_94, %dma_start3A_95] : memref<32x79x128xi32, #tpu.memory_space<hbm>> -> memref<1x79x128xi32, #tpu.memory_space<hbm>>
      %dma_start3A_97 = tpu.memref_squeeze %dma_start3A_96 : memref<1x79x128xi32, #tpu.memory_space<hbm>> -> memref<79x128xi32, #tpu.memory_space<hbm>>
      %dma_start3A_98 = arith.constant 40 : i32
      %dma_start3A_99 = arith.constant 0 : i32
      %dma_start3A_100 = tpu.memref_slice %dma_start3A_97[%dma_start3A_98, %dma_start3A_99] : memref<79x128xi32, #tpu.memory_space<hbm>> -> memref<39x128xi32, #tpu.memory_space<hbm>>
      tpu.enqueue_dma source(%dma_start3A_100 : memref<39x128xi32, #tpu.memory_space<hbm>>) target(%dma_start3A_93 : memref<39x128xi32, #tpu.memory_space<vmem>>) target_semaphore(%run_scoped3A_80 : memref<!tpu.dma_semaphore, #tpu.memory_space<semaphore_mem>>)
      %dma_wait3A_101 = arith.constant 0 : i32
      %dma_wait3A_102 = arith.constant 0 : i32
      %dma_wait3A_103 = tpu.memref_slice %arg8[%dma_wait3A_101, %dma_wait3A_102] : memref<40x128xi32, #tpu.memory_space<vmem>> -> memref<39x128xi32, #tpu.memory_space<vmem>>
      %dma_wait3A_104 = arith.constant 0 : i32
      %dma_wait3A_105 = arith.constant 0 : i32
      %dma_wait3A_106 = tpu.memref_slice %arg4[%add3A, %dma_wait3A_104, %dma_wait3A_105] : memref<32x79x128xi32, #tpu.memory_space<hbm>> -> memref<1x79x128xi32, #tpu.memory_space<hbm>>
      %dma_wait3A_107 = tpu.memref_squeeze %dma_wait3A_106 : memref<1x79x128xi32, #tpu.memory_space<hbm>> -> memref<79x128xi32, #tpu.memory_space<hbm>>
      %dma_wait3A_108 = arith.constant 40 : i32
      %dma_wait3A_109 = arith.constant 0 : i32
      %dma_wait3A_110 = tpu.memref_slice %dma_wait3A_107[%dma_wait3A_108, %dma_wait3A_109] : memref<79x128xi32, #tpu.memory_space<hbm>> -> memref<39x128xi32, #tpu.memory_space<hbm>>
      %dma_wait3A_111 = arith.constant 0 : i32
      %dma_wait3A_112 = arith.constant 0 : i32
      %dma_wait3A_113 = tpu.memref_slice %arg8[%dma_wait3A_111, %dma_wait3A_112] : memref<40x128xi32, #tpu.memory_space<vmem>> -> memref<39x128xi32, #tpu.memory_space<vmem>>
      %dma_wait3A_114 = arith.constant 0 : i32
      %dma_wait3A_115 = arith.constant 0 : i32
      %dma_wait3A_116 = tpu.memref_slice %arg4[%add3A, %dma_wait3A_114, %dma_wait3A_115] : memref<32x79x128xi32, #tpu.memory_space<hbm>> -> memref<1x79x128xi32, #tpu.memory_space<hbm>>
      %dma_wait3A_117 = tpu.memref_squeeze %dma_wait3A_116 : memref<1x79x128xi32, #tpu.memory_space<hbm>> -> memref<79x128xi32, #tpu.memory_space<hbm>>
      %dma_wait3A_118 = arith.constant 40 : i32
      %dma_wait3A_119 = arith.constant 0 : i32
      %dma_wait3A_120 = tpu.memref_slice %dma_wait3A_117[%dma_wait3A_118, %dma_wait3A_119] : memref<79x128xi32, #tpu.memory_space<hbm>> -> memref<39x128xi32, #tpu.memory_space<hbm>>
      tpu.wait_dma2 semaphore(%run_scoped3A_80 : memref<!tpu.dma_semaphore, #tpu.memory_space<semaphore_mem>>) src(%dma_wait3A_120 : memref<39x128xi32, #tpu.memory_space<hbm>>) dst(%dma_wait3A_113 : memref<39x128xi32, #tpu.memory_space<vmem>>)
      tpu.yield
    }) : () -> ()
    %dma_start3A_33 = arith.constant 0 : i32
    %dma_start3A_34 = arith.constant 0 : i32
    %dma_start3A_35 = arith.constant 0 : i32
    %dma_start3A_36 = arith.constant 0 : i32
    %dma_start3A_37 = tpu.memref_slice %arg9[%dma_start3A_34, %dma_start3A_35, %dma_start3A_36] : memref<2x128x128xf32, #tpu.memory_space<vmem>> -> memref<1x128x128xf32, #tpu.memory_space<vmem>>
    %dma_start3A_38 = tpu.memref_squeeze %dma_start3A_37 : memref<1x128x128xf32, #tpu.memory_space<vmem>> -> memref<128x128xf32, #tpu.memory_space<vmem>>
    %dma_start3A_39 = arith.constant 0 : i32
    %dma_start3A_40 = tpu.memref_slice %arg7[%dma_start3A_33, %dma_start3A_39] : memref<40x128xi32, #tpu.memory_space<vmem>> -> memref<1x128xi32, #tpu.memory_space<vmem>>
    %dma_start3A_41 = tpu.memref_squeeze %dma_start3A_40 : memref<1x128xi32, #tpu.memory_space<vmem>> -> memref<128xi32, #tpu.memory_space<vmem>>
    %dma_start3A_42 = arith.constant 0 : i32
    %dma_start3A_43 = arith.constant 0 : i32
    %dma_start3A_44 = tpu.memref_slice %arg2[%dma_start3A_42, %dma_start3A_43] : memref<10240x128xf32, #tpu.memory_space<hbm>> -> memref<10240x128xf32, #tpu.memory_space<hbm>>
    tpu.enqueue_indirect_dma source(%dma_start3A_44 : memref<10240x128xf32, #tpu.memory_space<hbm>>) target(%dma_start3A_38 : memref<128x128xf32, #tpu.memory_space<vmem>>) offsets(%dma_start3A_41 : memref<128xi32, #tpu.memory_space<vmem>>) semaphore(%arg11 : memref<!tpu.dma_semaphore, #tpu.memory_space<semaphore_mem>>)
    %dma_start3A_45 = arith.constant 1 : i32
    %dma_start3A_46 = arith.constant 1 : i32
    %dma_start3A_47 = arith.constant 0 : i32
    %dma_start3A_48 = arith.constant 0 : i32
    %dma_start3A_49 = tpu.memref_slice %arg9[%dma_start3A_46, %dma_start3A_47, %dma_start3A_48] : memref<2x128x128xf32, #tpu.memory_space<vmem>> -> memref<1x128x128xf32, #tpu.memory_space<vmem>>
    %dma_start3A_50 = tpu.memref_squeeze %dma_start3A_49 : memref<1x128x128xf32, #tpu.memory_space<vmem>> -> memref<128x128xf32, #tpu.memory_space<vmem>>
    %dma_start3A_51 = arith.constant 0 : i32
    %dma_start3A_52 = tpu.memref_slice %arg7[%dma_start3A_45, %dma_start3A_51] : memref<40x128xi32, #tpu.memory_space<vmem>> -> memref<1x128xi32, #tpu.memory_space<vmem>>
    %dma_start3A_53 = tpu.memref_squeeze %dma_start3A_52 : memref<1x128xi32, #tpu.memory_space<vmem>> -> memref<128xi32, #tpu.memory_space<vmem>>
    %dma_start3A_54 = arith.constant 0 : i32
    %dma_start3A_55 = arith.constant 0 : i32
    %dma_start3A_56 = tpu.memref_slice %arg2[%dma_start3A_54, %dma_start3A_55] : memref<10240x128xf32, #tpu.memory_space<hbm>> -> memref<10240x128xf32, #tpu.memory_space<hbm>>
    tpu.enqueue_indirect_dma source(%dma_start3A_56 : memref<10240x128xf32, #tpu.memory_space<hbm>>) target(%dma_start3A_50 : memref<128x128xf32, #tpu.memory_space<vmem>>) offsets(%dma_start3A_53 : memref<128xi32, #tpu.memory_space<vmem>>) semaphore(%arg12 : memref<!tpu.dma_semaphore, #tpu.memory_space<semaphore_mem>>)
    %scan3A_57 = arith.constant 0 : i32
    %scan3A_58 = arith.constant 0 : i32
    %scan3A_59 = arith.constant 19 : i32
    %scan3A_60 = arith.addi %scan3A_58, %scan3A_59 : i32
    %scan3A_61 = arith.constant 1 : i32
    scf.for %scan3A_80 = %scan3A_58 to %scan3A_60 step %scan3A_61  : i32 {
      %mul3A_81 = arith.constant 2 : i32
      %mul3A_82 = arith.muli %scan3A_80, %mul3A_81 : i32
      %dma_wait3A_83 = arith.constant 0 : i32
      %dma_wait3A_84 = arith.constant 0 : i32
      %dma_wait3A_85 = arith.constant 0 : i32
      %dma_wait3A_86 = tpu.memref_slice %arg9[%dma_wait3A_83, %dma_wait3A_84, %dma_wait3A_85] : memref<2x128x128xf32, #tpu.memory_space<vmem>> -> memref<1x128x128xf32, #tpu.memory_space<vmem>>
      %dma_wait3A_87 = tpu.memref_squeeze %dma_wait3A_86 : memref<1x128x128xf32, #tpu.memory_space<vmem>> -> memref<128x128xf32, #tpu.memory_space<vmem>>
      %dma_wait3A_88 = arith.constant 0 : i32
      %dma_wait3A_89 = tpu.memref_slice %arg7[%mul3A_82, %dma_wait3A_88] : memref<40x128xi32, #tpu.memory_space<vmem>> -> memref<1x128xi32, #tpu.memory_space<vmem>>
      %dma_wait3A_90 = tpu.memref_squeeze %dma_wait3A_89 : memref<1x128xi32, #tpu.memory_space<vmem>> -> memref<128xi32, #tpu.memory_space<vmem>>
      %dma_wait3A_91 = arith.constant 0 : i32
      %dma_wait3A_92 = arith.constant 0 : i32
      %dma_wait3A_93 = tpu.memref_slice %arg2[%dma_wait3A_91, %dma_wait3A_92] : memref<10240x128xf32, #tpu.memory_space<hbm>> -> memref<10240x128xf32, #tpu.memory_space<hbm>>
      tpu.wait_indirect_dma semaphore(%arg11 : memref<!tpu.dma_semaphore, #tpu.memory_space<semaphore_mem>>) src(%dma_wait3A_93 : memref<10240x128xf32, #tpu.memory_space<hbm>>) dst(%dma_wait3A_87 : memref<128x128xf32, #tpu.memory_space<vmem>>)
      %run_scoped3A_94 = arith.constant 0 : i32
      "tpu.region"() ({
        %run_scoped3A_122 = tpu.sem_alloc : memref<!tpu.dma_semaphore, #tpu.memory_space<semaphore_mem>>
        %dma_start3A_123 = arith.constant 0 : i32
        %dma_start3A_124 = arith.constant 0 : i32
        %dma_start3A_125 = tpu.memref_slice %arg9[%run_scoped3A_94, %dma_start3A_123, %dma_start3A_124] : memref<2x128x128xf32, #tpu.memory_space<vmem>> -> memref<1x128x128xf32, #tpu.memory_space<vmem>>
        %dma_start3A_126 = tpu.memref_squeeze %dma_start3A_125 : memref<1x128x128xf32, #tpu.memory_space<vmem>> -> memref<128x128xf32, #tpu.memory_space<vmem>>
        %dma_start3A_127 = arith.constant 0 : i32
        %dma_start3A_128 = tpu.memref_slice %arg8[%mul3A_82, %dma_start3A_127] : memref<40x128xi32, #tpu.memory_space<vmem>> -> memref<1x128xi32, #tpu.memory_space<vmem>>
        %dma_start3A_129 = tpu.memref_squeeze %dma_start3A_128 : memref<1x128xi32, #tpu.memory_space<vmem>> -> memref<128xi32, #tpu.memory_space<vmem>>
        %dma_start3A_130 = arith.constant 0 : i32
        %dma_start3A_131 = arith.constant 0 : i32
        %dma_start3A_132 = tpu.memref_slice %arg10[%dma_start3A_130, %dma_start3A_131] : memref<10240x128xf32, #tpu.memory_space<vmem_shared>> -> memref<10240x128xf32, #tpu.memory_space<vmem_shared>>
        tpu.enqueue_indirect_dma source(%dma_start3A_126 : memref<128x128xf32, #tpu.memory_space<vmem>>) target(%dma_start3A_132 : memref<10240x128xf32, #tpu.memory_space<vmem_shared>>) offsets(%dma_start3A_129 : memref<128xi32, #tpu.memory_space<vmem>>) semaphore(%run_scoped3A_122 : memref<!tpu.dma_semaphore, #tpu.memory_space<semaphore_mem>>) {add = true}
        %dma_wait3A_133 = arith.constant 0 : i32
        %dma_wait3A_134 = arith.constant 0 : i32
        %dma_wait3A_135 = tpu.memref_slice %arg9[%run_scoped3A_94, %dma_wait3A_133, %dma_wait3A_134] : memref<2x128x128xf32, #tpu.memory_space<vmem>> -> memref<1x128x128xf32, #tpu.memory_space<vmem>>
        %dma_wait3A_136 = tpu.memref_squeeze %dma_wait3A_135 : memref<1x128x128xf32, #tpu.memory_space<vmem>> -> memref<128x128xf32, #tpu.memory_space<vmem>>
        %dma_wait3A_137 = arith.constant 0 : i32
        %dma_wait3A_138 = tpu.memref_slice %arg8[%mul3A_82, %dma_wait3A_137] : memref<40x128xi32, #tpu.memory_space<vmem>> -> memref<1x128xi32, #tpu.memory_space<vmem>>
        %dma_wait3A_139 = tpu.memref_squeeze %dma_wait3A_138 : memref<1x128xi32, #tpu.memory_space<vmem>> -> memref<128xi32, #tpu.memory_space<vmem>>
        %dma_wait3A_140 = arith.constant 0 : i32
        %dma_wait3A_141 = arith.constant 0 : i32
        %dma_wait3A_142 = tpu.memref_slice %arg10[%dma_wait3A_140, %dma_wait3A_141] : memref<10240x128xf32, #tpu.memory_space<vmem_shared>> -> memref<10240x128xf32, #tpu.memory_space<vmem_shared>>
        tpu.wait_indirect_dma semaphore(%run_scoped3A_122 : memref<!tpu.dma_semaphore, #tpu.memory_space<semaphore_mem>>) src(%dma_wait3A_136 : memref<128x128xf32, #tpu.memory_space<vmem>>) dst(%dma_wait3A_142 : memref<10240x128xf32, #tpu.memory_space<vmem_shared>>)
        tpu.yield
      }) : () -> ()
      %add3A_95 = arith.constant 2 : i32
      %add3A_96 = arith.addi %mul3A_82, %add3A_95 : i32
      %lt3A = arith.constant 39 : i32
      %lt3A_97 = arith.cmpi slt, %add3A_96, %lt3A : i32
      %convert_element_type3A = arith.extui %lt3A_97 : i1 to i32
      %cond3A = arith.constant 0 : i32
      %cond3A_98 = arith.cmpi ne, %convert_element_type3A, %cond3A : i32
      scf.if %cond3A_98 {
        %add3A_122 = arith.constant 2 : i32
        %add3A_123 = arith.addi %mul3A_82, %add3A_122 : i32
        %dma_start3A_124 = arith.constant 0 : i32
        %dma_start3A_125 = arith.constant 0 : i32
        %dma_start3A_126 = arith.constant 0 : i32
        %dma_start3A_127 = tpu.memref_slice %arg9[%dma_start3A_124, %dma_start3A_125, %dma_start3A_126] : memref<2x128x128xf32, #tpu.memory_space<vmem>> -> memref<1x128x128xf32, #tpu.memory_space<vmem>>
        %dma_start3A_128 = tpu.memref_squeeze %dma_start3A_127 : memref<1x128x128xf32, #tpu.memory_space<vmem>> -> memref<128x128xf32, #tpu.memory_space<vmem>>
        %dma_start3A_129 = arith.constant 0 : i32
        %dma_start3A_130 = tpu.memref_slice %arg7[%add3A_123, %dma_start3A_129] : memref<40x128xi32, #tpu.memory_space<vmem>> -> memref<1x128xi32, #tpu.memory_space<vmem>>
        %dma_start3A_131 = tpu.memref_squeeze %dma_start3A_130 : memref<1x128xi32, #tpu.memory_space<vmem>> -> memref<128xi32, #tpu.memory_space<vmem>>
        %dma_start3A_132 = arith.constant 0 : i32
        %dma_start3A_133 = arith.constant 0 : i32
        %dma_start3A_134 = tpu.memref_slice %arg2[%dma_start3A_132, %dma_start3A_133] : memref<10240x128xf32, #tpu.memory_space<hbm>> -> memref<10240x128xf32, #tpu.memory_space<hbm>>
        tpu.enqueue_indirect_dma source(%dma_start3A_134 : memref<10240x128xf32, #tpu.memory_space<hbm>>) target(%dma_start3A_128 : memref<128x128xf32, #tpu.memory_space<vmem>>) offsets(%dma_start3A_131 : memref<128xi32, #tpu.memory_space<vmem>>) semaphore(%arg11 : memref<!tpu.dma_semaphore, #tpu.memory_space<semaphore_mem>>)
      } else {
      }
      %mul3A_99 = arith.constant 2 : i32
      %mul3A_100 = arith.muli %scan3A_80, %mul3A_99 : i32
      %add3A_101 = arith.constant 1 : i32
      %add3A_102 = arith.addi %mul3A_100, %add3A_101 : i32
      %dma_wait3A_103 = arith.constant 1 : i32
      %dma_wait3A_104 = arith.constant 0 : i32
      %dma_wait3A_105 = arith.constant 0 : i32
      %dma_wait3A_106 = tpu.memref_slice %arg9[%dma_wait3A_103, %dma_wait3A_104, %dma_wait3A_105] : memref<2x128x128xf32, #tpu.memory_space<vmem>> -> memref<1x128x128xf32, #tpu.memory_space<vmem>>
      %dma_wait3A_107 = tpu.memref_squeeze %dma_wait3A_106 : memref<1x128x128xf32, #tpu.memory_space<vmem>> -> memref<128x128xf32, #tpu.memory_space<vmem>>
      %dma_wait3A_108 = arith.constant 0 : i32
      %dma_wait3A_109 = tpu.memref_slice %arg7[%add3A_102, %dma_wait3A_108] : memref<40x128xi32, #tpu.memory_space<vmem>> -> memref<1x128xi32, #tpu.memory_space<vmem>>
      %dma_wait3A_110 = tpu.memref_squeeze %dma_wait3A_109 : memref<1x128xi32, #tpu.memory_space<vmem>> -> memref<128xi32, #tpu.memory_space<vmem>>
      %dma_wait3A_111 = arith.constant 0 : i32
      %dma_wait3A_112 = arith.constant 0 : i32
      %dma_wait3A_113 = tpu.memref_slice %arg2[%dma_wait3A_111, %dma_wait3A_112] : memref<10240x128xf32, #tpu.memory_space<hbm>> -> memref<10240x128xf32, #tpu.memory_space<hbm>>
      tpu.wait_indirect_dma semaphore(%arg12 : memref<!tpu.dma_semaphore, #tpu.memory_space<semaphore_mem>>) src(%dma_wait3A_113 : memref<10240x128xf32, #tpu.memory_space<hbm>>) dst(%dma_wait3A_107 : memref<128x128xf32, #tpu.memory_space<vmem>>)
      %run_scoped3A_114 = arith.constant 1 : i32
      "tpu.region"() ({
        %run_scoped3A_122 = tpu.sem_alloc : memref<!tpu.dma_semaphore, #tpu.memory_space<semaphore_mem>>
        %dma_start3A_123 = arith.constant 0 : i32
        %dma_start3A_124 = arith.constant 0 : i32
        %dma_start3A_125 = tpu.memref_slice %arg9[%run_scoped3A_114, %dma_start3A_123, %dma_start3A_124] : memref<2x128x128xf32, #tpu.memory_space<vmem>> -> memref<1x128x128xf32, #tpu.memory_space<vmem>>
        %dma_start3A_126 = tpu.memref_squeeze %dma_start3A_125 : memref<1x128x128xf32, #tpu.memory_space<vmem>> -> memref<128x128xf32, #tpu.memory_space<vmem>>
        %dma_start3A_127 = arith.constant 0 : i32
        %dma_start3A_128 = tpu.memref_slice %arg8[%add3A_102, %dma_start3A_127] : memref<40x128xi32, #tpu.memory_space<vmem>> -> memref<1x128xi32, #tpu.memory_space<vmem>>
        %dma_start3A_129 = tpu.memref_squeeze %dma_start3A_128 : memref<1x128xi32, #tpu.memory_space<vmem>> -> memref<128xi32, #tpu.memory_space<vmem>>
        %dma_start3A_130 = arith.constant 0 : i32
        %dma_start3A_131 = arith.constant 0 : i32
        %dma_start3A_132 = tpu.memref_slice %arg10[%dma_start3A_130, %dma_start3A_131] : memref<10240x128xf32, #tpu.memory_space<vmem_shared>> -> memref<10240x128xf32, #tpu.memory_space<vmem_shared>>
        tpu.enqueue_indirect_dma source(%dma_start3A_126 : memref<128x128xf32, #tpu.memory_space<vmem>>) target(%dma_start3A_132 : memref<10240x128xf32, #tpu.memory_space<vmem_shared>>) offsets(%dma_start3A_129 : memref<128xi32, #tpu.memory_space<vmem>>) semaphore(%run_scoped3A_122 : memref<!tpu.dma_semaphore, #tpu.memory_space<semaphore_mem>>) {add = true}
        %dma_wait3A_133 = arith.constant 0 : i32
        %dma_wait3A_134 = arith.constant 0 : i32
        %dma_wait3A_135 = tpu.memref_slice %arg9[%run_scoped3A_114, %dma_wait3A_133, %dma_wait3A_134] : memref<2x128x128xf32, #tpu.memory_space<vmem>> -> memref<1x128x128xf32, #tpu.memory_space<vmem>>
        %dma_wait3A_136 = tpu.memref_squeeze %dma_wait3A_135 : memref<1x128x128xf32, #tpu.memory_space<vmem>> -> memref<128x128xf32, #tpu.memory_space<vmem>>
        %dma_wait3A_137 = arith.constant 0 : i32
        %dma_wait3A_138 = tpu.memref_slice %arg8[%add3A_102, %dma_wait3A_137] : memref<40x128xi32, #tpu.memory_space<vmem>> -> memref<1x128xi32, #tpu.memory_space<vmem>>
        %dma_wait3A_139 = tpu.memref_squeeze %dma_wait3A_138 : memref<1x128xi32, #tpu.memory_space<vmem>> -> memref<128xi32, #tpu.memory_space<vmem>>
        %dma_wait3A_140 = arith.constant 0 : i32
        %dma_wait3A_141 = arith.constant 0 : i32
        %dma_wait3A_142 = tpu.memref_slice %arg10[%dma_wait3A_140, %dma_wait3A_141] : memref<10240x128xf32, #tpu.memory_space<vmem_shared>> -> memref<10240x128xf32, #tpu.memory_space<vmem_shared>>
        tpu.wait_indirect_dma semaphore(%run_scoped3A_122 : memref<!tpu.dma_semaphore, #tpu.memory_space<semaphore_mem>>) src(%dma_wait3A_136 : memref<128x128xf32, #tpu.memory_space<vmem>>) dst(%dma_wait3A_142 : memref<10240x128xf32, #tpu.memory_space<vmem_shared>>)
        tpu.yield
      }) : () -> ()
      %add3A_115 = arith.constant 2 : i32
      %add3A_116 = arith.addi %add3A_102, %add3A_115 : i32
      %lt3A_117 = arith.constant 39 : i32
      %lt3A_118 = arith.cmpi slt, %add3A_116, %lt3A_117 : i32
      %convert_element_type3A_119 = arith.extui %lt3A_118 : i1 to i32
      %cond3A_120 = arith.constant 0 : i32
      %cond3A_121 = arith.cmpi ne, %convert_element_type3A_119, %cond3A_120 : i32
      scf.if %cond3A_121 {
        %add3A_122 = arith.constant 2 : i32
        %add3A_123 = arith.addi %add3A_102, %add3A_122 : i32
        %dma_start3A_124 = arith.constant 1 : i32
        %dma_start3A_125 = arith.constant 0 : i32
        %dma_start3A_126 = arith.constant 0 : i32
        %dma_start3A_127 = tpu.memref_slice %arg9[%dma_start3A_124, %dma_start3A_125, %dma_start3A_126] : memref<2x128x128xf32, #tpu.memory_space<vmem>> -> memref<1x128x128xf32, #tpu.memory_space<vmem>>
        %dma_start3A_128 = tpu.memref_squeeze %dma_start3A_127 : memref<1x128x128xf32, #tpu.memory_space<vmem>> -> memref<128x128xf32, #tpu.memory_space<vmem>>
        %dma_start3A_129 = arith.constant 0 : i32
        %dma_start3A_130 = tpu.memref_slice %arg7[%add3A_123, %dma_start3A_129] : memref<40x128xi32, #tpu.memory_space<vmem>> -> memref<1x128xi32, #tpu.memory_space<vmem>>
        %dma_start3A_131 = tpu.memref_squeeze %dma_start3A_130 : memref<1x128xi32, #tpu.memory_space<vmem>> -> memref<128xi32, #tpu.memory_space<vmem>>
        %dma_start3A_132 = arith.constant 0 : i32
        %dma_start3A_133 = arith.constant 0 : i32
        %dma_start3A_134 = tpu.memref_slice %arg2[%dma_start3A_132, %dma_start3A_133] : memref<10240x128xf32, #tpu.memory_space<hbm>> -> memref<10240x128xf32, #tpu.memory_space<hbm>>
        tpu.enqueue_indirect_dma source(%dma_start3A_134 : memref<10240x128xf32, #tpu.memory_space<hbm>>) target(%dma_start3A_128 : memref<128x128xf32, #tpu.memory_space<vmem>>) offsets(%dma_start3A_131 : memref<128xi32, #tpu.memory_space<vmem>>) semaphore(%arg12 : memref<!tpu.dma_semaphore, #tpu.memory_space<semaphore_mem>>)
      } else {
      }
    }
    %scan3A_62 = arith.constant 19 : i32
    %dma_wait3A = arith.constant 38 : i32
    %dma_wait3A_63 = arith.constant 0 : i32
    %dma_wait3A_64 = arith.constant 0 : i32
    %dma_wait3A_65 = arith.constant 0 : i32
    %dma_wait3A_66 = tpu.memref_slice %arg9[%dma_wait3A_63, %dma_wait3A_64, %dma_wait3A_65] : memref<2x128x128xf32, #tpu.memory_space<vmem>> -> memref<1x128x128xf32, #tpu.memory_space<vmem>>
    %dma_wait3A_67 = tpu.memref_squeeze %dma_wait3A_66 : memref<1x128x128xf32, #tpu.memory_space<vmem>> -> memref<128x128xf32, #tpu.memory_space<vmem>>
    %dma_wait3A_68 = arith.constant 0 : i32
    %dma_wait3A_69 = tpu.memref_slice %arg7[%dma_wait3A, %dma_wait3A_68] : memref<40x128xi32, #tpu.memory_space<vmem>> -> memref<1x128xi32, #tpu.memory_space<vmem>>
    %dma_wait3A_70 = tpu.memref_squeeze %dma_wait3A_69 : memref<1x128xi32, #tpu.memory_space<vmem>> -> memref<128xi32, #tpu.memory_space<vmem>>
    %dma_wait3A_71 = arith.constant 0 : i32
    %dma_wait3A_72 = arith.constant 0 : i32
    %dma_wait3A_73 = tpu.memref_slice %arg2[%dma_wait3A_71, %dma_wait3A_72] : memref<10240x128xf32, #tpu.memory_space<hbm>> -> memref<10240x128xf32, #tpu.memory_space<hbm>>
    tpu.wait_indirect_dma semaphore(%arg11 : memref<!tpu.dma_semaphore, #tpu.memory_space<semaphore_mem>>) src(%dma_wait3A_73 : memref<10240x128xf32, #tpu.memory_space<hbm>>) dst(%dma_wait3A_67 : memref<128x128xf32, #tpu.memory_space<vmem>>)
    %run_scoped3A = arith.constant 0 : i32
    %run_scoped3A_74 = arith.constant 38 : i32
    "tpu.region"() ({
      %run_scoped3A_80 = tpu.sem_alloc : memref<!tpu.dma_semaphore, #tpu.memory_space<semaphore_mem>>
      %dma_start3A_81 = arith.constant 0 : i32
      %dma_start3A_82 = arith.constant 0 : i32
      %dma_start3A_83 = tpu.memref_slice %arg9[%run_scoped3A, %dma_start3A_81, %dma_start3A_82] : memref<2x128x128xf32, #tpu.memory_space<vmem>> -> memref<1x128x128xf32, #tpu.memory_space<vmem>>
      %dma_start3A_84 = tpu.memref_squeeze %dma_start3A_83 : memref<1x128x128xf32, #tpu.memory_space<vmem>> -> memref<128x128xf32, #tpu.memory_space<vmem>>
      %dma_start3A_85 = arith.constant 0 : i32
      %dma_start3A_86 = tpu.memref_slice %arg8[%run_scoped3A_74, %dma_start3A_85] : memref<40x128xi32, #tpu.memory_space<vmem>> -> memref<1x128xi32, #tpu.memory_space<vmem>>
      %dma_start3A_87 = tpu.memref_squeeze %dma_start3A_86 : memref<1x128xi32, #tpu.memory_space<vmem>> -> memref<128xi32, #tpu.memory_space<vmem>>
      %dma_start3A_88 = arith.constant 0 : i32
      %dma_start3A_89 = arith.constant 0 : i32
      %dma_start3A_90 = tpu.memref_slice %arg10[%dma_start3A_88, %dma_start3A_89] : memref<10240x128xf32, #tpu.memory_space<vmem_shared>> -> memref<10240x128xf32, #tpu.memory_space<vmem_shared>>
      tpu.enqueue_indirect_dma source(%dma_start3A_84 : memref<128x128xf32, #tpu.memory_space<vmem>>) target(%dma_start3A_90 : memref<10240x128xf32, #tpu.memory_space<vmem_shared>>) offsets(%dma_start3A_87 : memref<128xi32, #tpu.memory_space<vmem>>) semaphore(%run_scoped3A_80 : memref<!tpu.dma_semaphore, #tpu.memory_space<semaphore_mem>>) {add = true}
      %dma_wait3A_91 = arith.constant 0 : i32
      %dma_wait3A_92 = arith.constant 0 : i32
      %dma_wait3A_93 = tpu.memref_slice %arg9[%run_scoped3A, %dma_wait3A_91, %dma_wait3A_92] : memref<2x128x128xf32, #tpu.memory_space<vmem>> -> memref<1x128x128xf32, #tpu.memory_space<vmem>>
      %dma_wait3A_94 = tpu.memref_squeeze %dma_wait3A_93 : memref<1x128x128xf32, #tpu.memory_space<vmem>> -> memref<128x128xf32, #tpu.memory_space<vmem>>
      %dma_wait3A_95 = arith.constant 0 : i32
      %dma_wait3A_96 = tpu.memref_slice %arg8[%run_scoped3A_74, %dma_wait3A_95] : memref<40x128xi32, #tpu.memory_space<vmem>> -> memref<1x128xi32, #tpu.memory_space<vmem>>
      %dma_wait3A_97 = tpu.memref_squeeze %dma_wait3A_96 : memref<1x128xi32, #tpu.memory_space<vmem>> -> memref<128xi32, #tpu.memory_space<vmem>>
      %dma_wait3A_98 = arith.constant 0 : i32
      %dma_wait3A_99 = arith.constant 0 : i32
      %dma_wait3A_100 = tpu.memref_slice %arg10[%dma_wait3A_98, %dma_wait3A_99] : memref<10240x128xf32, #tpu.memory_space<vmem_shared>> -> memref<10240x128xf32, #tpu.memory_space<vmem_shared>>
      tpu.wait_indirect_dma semaphore(%run_scoped3A_80 : memref<!tpu.dma_semaphore, #tpu.memory_space<semaphore_mem>>) src(%dma_wait3A_94 : memref<128x128xf32, #tpu.memory_space<vmem>>) dst(%dma_wait3A_100 : memref<10240x128xf32, #tpu.memory_space<vmem_shared>>)
      tpu.yield
    }) : () -> ()
    %barrier3A_75 = arith.constant 0 : index
    tpu.barrier barrier_id(%barrier3A_75)
    %mul3A_76 = arith.constant 640 : i32
    %mul3A_77 = arith.muli %arg1, %mul3A_76 : i32
    %mul3A_78 = arith.constant 640 : i32
    %mul3A_79 = arith.muli %arg1, %mul3A_78 : i32
    "tpu.region"() ({
      %run_scoped3A_80 = tpu.sem_alloc : memref<!tpu.dma_semaphore, #tpu.memory_space<semaphore_mem>>
      %dma_start3A_81 = arith.constant 0 : i32
      %dma_start3A_82 = tpu.memref_slice %arg6[%arg0, %mul3A_79, %dma_start3A_81] : memref<2x10240x128xf32, #tpu.memory_space<hbm>> -> memref<1x640x128xf32, #tpu.memory_space<hbm>>
      %dma_start3A_83 = tpu.memref_squeeze %dma_start3A_82 : memref<1x640x128xf32, #tpu.memory_space<hbm>> -> memref<640x128xf32, #tpu.memory_space<hbm>>
      %dma_start3A_84 = arith.constant 0 : i32
      %dma_start3A_85 = tpu.memref_slice %arg10[%mul3A_77, %dma_start3A_84] : memref<10240x128xf32, #tpu.memory_space<vmem_shared>> -> memref<640x128xf32, #tpu.memory_space<vmem_shared>>
      tpu.enqueue_dma source(%dma_start3A_85 : memref<640x128xf32, #tpu.memory_space<vmem_shared>>) target(%dma_start3A_83 : memref<640x128xf32, #tpu.memory_space<hbm>>) target_semaphore(%run_scoped3A_80 : memref<!tpu.dma_semaphore, #tpu.memory_space<semaphore_mem>>)
      %dma_wait3A_86 = arith.constant 0 : i32
      %dma_wait3A_87 = tpu.memref_slice %arg6[%arg0, %mul3A_79, %dma_wait3A_86] : memref<2x10240x128xf32, #tpu.memory_space<hbm>> -> memref<1x640x128xf32, #tpu.memory_space<hbm>>
      %dma_wait3A_88 = tpu.memref_squeeze %dma_wait3A_87 : memref<1x640x128xf32, #tpu.memory_space<hbm>> -> memref<640x128xf32, #tpu.memory_space<hbm>>
      %dma_wait3A_89 = arith.constant 0 : i32
      %dma_wait3A_90 = tpu.memref_slice %arg10[%mul3A_77, %dma_wait3A_89] : memref<10240x128xf32, #tpu.memory_space<vmem_shared>> -> memref<640x128xf32, #tpu.memory_space<vmem_shared>>
      tpu.wait_dma2 semaphore(%run_scoped3A_80 : memref<!tpu.dma_semaphore, #tpu.memory_space<semaphore_mem>>) src(%dma_wait3A_90 : memref<640x128xf32, #tpu.memory_space<vmem_shared>>) dst(%dma_wait3A_88 : memref<640x128xf32, #tpu.memory_space<hbm>>)
      tpu.yield
    }) : () -> ()
    return
  }
}

#map = affine_map<(d0, d1) -> (0, 0)>
#map1 = affine_map<(d0, d1) -> (0, 0, 0)>
module attributes {stable_mosaic.version = 14 : i64} {
  func.func @_sc_agg(%arg0: i32, %arg1: i32, %arg2: memref<10240x128xf32, #tpu.memory_space<hbm>>, %arg3: memref<32x79x128xi32, #tpu.memory_space<hbm>>, %arg4: memref<32x79x128xi32, #tpu.memory_space<hbm>>, %arg5: memref<10240x128xf32, #tpu.memory_space<hbm>>, %arg6: memref<2x10240x128xf32, #tpu.memory_space<hbm>>, %arg7: memref<40x128xi32, #tpu.memory_space<vmem>>, %arg8: memref<40x128xi32, #tpu.memory_space<vmem>>, %arg9: memref<2x128x128xf32, #tpu.memory_space<vmem>>, %arg10: memref<10240x128xf32, #tpu.memory_space<vmem_shared>>, %arg11: memref<!tpu.dma_semaphore, #tpu.memory_space<semaphore_mem>>, %arg12: memref<!tpu.dma_semaphore, #tpu.memory_space<semaphore_mem>>) attributes {dimension_semantics = [#tpu.dimension_semantics<core_parallel>, #tpu.dimension_semantics<subcore_parallel>], iteration_bounds = array<i64: 2, 16>, scalar_prefetch = 0 : i64, scratch_operands = 6 : i64, tpu.core_type = #tpu.core_type<sc_vector_subcore>, window_params = [{transform_indices = #map}, {transform_indices = #map1}, {transform_indices = #map1}, {transform_indices = #map}, {transform_indices = #map1}]} {
    %mul3A = arith.constant 2 : i32
    %mul3A_0 = arith.muli %arg1, %mul3A : i32
    %add3A = arith.addi %mul3A_0, %arg0 : i32
    %mul3A_1 = arith.constant 640 : i32
    %mul3A_2 = arith.muli %arg1, %mul3A_1 : i32
    %mul3A_3 = arith.constant 640 : i32
    %mul3A_4 = arith.muli %arg1, %mul3A_3 : i32
    "tpu.region"() ({
      %run_scoped3A_80 = tpu.sem_alloc : memref<!tpu.dma_semaphore, #tpu.memory_space<semaphore_mem>>
      %dma_start3A_81 = arith.constant 0 : i32
      %dma_start3A_82 = tpu.memref_slice %arg10[%mul3A_4, %dma_start3A_81] : memref<10240x128xf32, #tpu.memory_space<vmem_shared>> -> memref<640x128xf32, #tpu.memory_space<vmem_shared>>
      %dma_start3A_83 = arith.constant 0 : i32
      %dma_start3A_84 = tpu.memref_slice %arg5[%mul3A_2, %dma_start3A_83] : memref<10240x128xf32, #tpu.memory_space<hbm>> -> memref<640x128xf32, #tpu.memory_space<hbm>>
      tpu.enqueue_dma source(%dma_start3A_84 : memref<640x128xf32, #tpu.memory_space<hbm>>) target(%dma_start3A_82 : memref<640x128xf32, #tpu.memory_space<vmem_shared>>) target_semaphore(%run_scoped3A_80 : memref<!tpu.dma_semaphore, #tpu.memory_space<semaphore_mem>>)
      %dma_wait3A_85 = arith.constant 0 : i32
      %dma_wait3A_86 = tpu.memref_slice %arg10[%mul3A_4, %dma_wait3A_85] : memref<10240x128xf32, #tpu.memory_space<vmem_shared>> -> memref<640x128xf32, #tpu.memory_space<vmem_shared>>
      %dma_wait3A_87 = arith.constant 0 : i32
      %dma_wait3A_88 = tpu.memref_slice %arg5[%mul3A_2, %dma_wait3A_87] : memref<10240x128xf32, #tpu.memory_space<hbm>> -> memref<640x128xf32, #tpu.memory_space<hbm>>
      tpu.wait_dma2 semaphore(%run_scoped3A_80 : memref<!tpu.dma_semaphore, #tpu.memory_space<semaphore_mem>>) src(%dma_wait3A_88 : memref<640x128xf32, #tpu.memory_space<hbm>>) dst(%dma_wait3A_86 : memref<640x128xf32, #tpu.memory_space<vmem_shared>>)
      tpu.yield
    }) : () -> ()
    %barrier3A = arith.constant 0 : index
    tpu.barrier barrier_id(%barrier3A)
    "tpu.region"() ({
      %run_scoped3A_80 = tpu.sem_alloc : memref<!tpu.dma_semaphore, #tpu.memory_space<semaphore_mem>>
      %dma_start3A_81 = arith.constant 0 : i32
      %dma_start3A_82 = arith.constant 0 : i32
      %dma_start3A_83 = tpu.memref_slice %arg7[%dma_start3A_81, %dma_start3A_82] : memref<40x128xi32, #tpu.memory_space<vmem>> -> memref<40x128xi32, #tpu.memory_space<vmem>>
      %dma_start3A_84 = arith.constant 0 : i32
      %dma_start3A_85 = arith.constant 0 : i32
      %dma_start3A_86 = tpu.memref_slice %arg3[%add3A, %dma_start3A_84, %dma_start3A_85] : memref<32x79x128xi32, #tpu.memory_space<hbm>> -> memref<1x79x128xi32, #tpu.memory_space<hbm>>
      %dma_start3A_87 = tpu.memref_squeeze %dma_start3A_86 : memref<1x79x128xi32, #tpu.memory_space<hbm>> -> memref<79x128xi32, #tpu.memory_space<hbm>>
      %dma_start3A_88 = arith.constant 0 : i32
      %dma_start3A_89 = arith.constant 0 : i32
      %dma_start3A_90 = tpu.memref_slice %dma_start3A_87[%dma_start3A_88, %dma_start3A_89] : memref<79x128xi32, #tpu.memory_space<hbm>> -> memref<40x128xi32, #tpu.memory_space<hbm>>
      %dma_start3A_91 = arith.constant 0 : i32
      %dma_start3A_92 = arith.constant 0 : i32
      %dma_start3A_93 = tpu.memref_slice %arg7[%dma_start3A_91, %dma_start3A_92] : memref<40x128xi32, #tpu.memory_space<vmem>> -> memref<40x128xi32, #tpu.memory_space<vmem>>
      %dma_start3A_94 = arith.constant 0 : i32
      %dma_start3A_95 = arith.constant 0 : i32
      %dma_start3A_96 = tpu.memref_slice %arg3[%add3A, %dma_start3A_94, %dma_start3A_95] : memref<32x79x128xi32, #tpu.memory_space<hbm>> -> memref<1x79x128xi32, #tpu.memory_space<hbm>>
      %dma_start3A_97 = tpu.memref_squeeze %dma_start3A_96 : memref<1x79x128xi32, #tpu.memory_space<hbm>> -> memref<79x128xi32, #tpu.memory_space<hbm>>
      %dma_start3A_98 = arith.constant 0 : i32
      %dma_start3A_99 = arith.constant 0 : i32
      %dma_start3A_100 = tpu.memref_slice %dma_start3A_97[%dma_start3A_98, %dma_start3A_99] : memref<79x128xi32, #tpu.memory_space<hbm>> -> memref<40x128xi32, #tpu.memory_space<hbm>>
      tpu.enqueue_dma source(%dma_start3A_100 : memref<40x128xi32, #tpu.memory_space<hbm>>) target(%dma_start3A_93 : memref<40x128xi32, #tpu.memory_space<vmem>>) target_semaphore(%run_scoped3A_80 : memref<!tpu.dma_semaphore, #tpu.memory_space<semaphore_mem>>)
      %dma_wait3A_101 = arith.constant 0 : i32
      %dma_wait3A_102 = arith.constant 0 : i32
      %dma_wait3A_103 = tpu.memref_slice %arg7[%dma_wait3A_101, %dma_wait3A_102] : memref<40x128xi32, #tpu.memory_space<vmem>> -> memref<40x128xi32, #tpu.memory_space<vmem>>
      %dma_wait3A_104 = arith.constant 0 : i32
      %dma_wait3A_105 = arith.constant 0 : i32
      %dma_wait3A_106 = tpu.memref_slice %arg3[%add3A, %dma_wait3A_104, %dma_wait3A_105] : memref<32x79x128xi32, #tpu.memory_space<hbm>> -> memref<1x79x128xi32, #tpu.memory_space<hbm>>
      %dma_wait3A_107 = tpu.memref_squeeze %dma_wait3A_106 : memref<1x79x128xi32, #tpu.memory_space<hbm>> -> memref<79x128xi32, #tpu.memory_space<hbm>>
      %dma_wait3A_108 = arith.constant 0 : i32
      %dma_wait3A_109 = arith.constant 0 : i32
      %dma_wait3A_110 = tpu.memref_slice %dma_wait3A_107[%dma_wait3A_108, %dma_wait3A_109] : memref<79x128xi32, #tpu.memory_space<hbm>> -> memref<40x128xi32, #tpu.memory_space<hbm>>
      %dma_wait3A_111 = arith.constant 0 : i32
      %dma_wait3A_112 = arith.constant 0 : i32
      %dma_wait3A_113 = tpu.memref_slice %arg7[%dma_wait3A_111, %dma_wait3A_112] : memref<40x128xi32, #tpu.memory_space<vmem>> -> memref<40x128xi32, #tpu.memory_space<vmem>>
      %dma_wait3A_114 = arith.constant 0 : i32
      %dma_wait3A_115 = arith.constant 0 : i32
      %dma_wait3A_116 = tpu.memref_slice %arg3[%add3A, %dma_wait3A_114, %dma_wait3A_115] : memref<32x79x128xi32, #tpu.memory_space<hbm>> -> memref<1x79x128xi32, #tpu.memory_space<hbm>>
      %dma_wait3A_117 = tpu.memref_squeeze %dma_wait3A_116 : memref<1x79x128xi32, #tpu.memory_space<hbm>> -> memref<79x128xi32, #tpu.memory_space<hbm>>
      %dma_wait3A_118 = arith.constant 0 : i32
      %dma_wait3A_119 = arith.constant 0 : i32
      %dma_wait3A_120 = tpu.memref_slice %dma_wait3A_117[%dma_wait3A_118, %dma_wait3A_119] : memref<79x128xi32, #tpu.memory_space<hbm>> -> memref<40x128xi32, #tpu.memory_space<hbm>>
      tpu.wait_dma2 semaphore(%run_scoped3A_80 : memref<!tpu.dma_semaphore, #tpu.memory_space<semaphore_mem>>) src(%dma_wait3A_120 : memref<40x128xi32, #tpu.memory_space<hbm>>) dst(%dma_wait3A_113 : memref<40x128xi32, #tpu.memory_space<vmem>>)
      tpu.yield
    }) : () -> ()
    "tpu.region"() ({
      %run_scoped3A_80 = tpu.sem_alloc : memref<!tpu.dma_semaphore, #tpu.memory_space<semaphore_mem>>
      %dma_start3A_81 = arith.constant 0 : i32
      %dma_start3A_82 = arith.constant 0 : i32
      %dma_start3A_83 = tpu.memref_slice %arg8[%dma_start3A_81, %dma_start3A_82] : memref<40x128xi32, #tpu.memory_space<vmem>> -> memref<40x128xi32, #tpu.memory_space<vmem>>
      %dma_start3A_84 = arith.constant 0 : i32
      %dma_start3A_85 = arith.constant 0 : i32
      %dma_start3A_86 = tpu.memref_slice %arg4[%add3A, %dma_start3A_84, %dma_start3A_85] : memref<32x79x128xi32, #tpu.memory_space<hbm>> -> memref<1x79x128xi32, #tpu.memory_space<hbm>>
      %dma_start3A_87 = tpu.memref_squeeze %dma_start3A_86 : memref<1x79x128xi32, #tpu.memory_space<hbm>> -> memref<79x128xi32, #tpu.memory_space<hbm>>
      %dma_start3A_88 = arith.constant 0 : i32
      %dma_start3A_89 = arith.constant 0 : i32
      %dma_start3A_90 = tpu.memref_slice %dma_start3A_87[%dma_start3A_88, %dma_start3A_89] : memref<79x128xi32, #tpu.memory_space<hbm>> -> memref<40x128xi32, #tpu.memory_space<hbm>>
      %dma_start3A_91 = arith.constant 0 : i32
      %dma_start3A_92 = arith.constant 0 : i32
      %dma_start3A_93 = tpu.memref_slice %arg8[%dma_start3A_91, %dma_start3A_92] : memref<40x128xi32, #tpu.memory_space<vmem>> -> memref<40x128xi32, #tpu.memory_space<vmem>>
      %dma_start3A_94 = arith.constant 0 : i32
      %dma_start3A_95 = arith.constant 0 : i32
      %dma_start3A_96 = tpu.memref_slice %arg4[%add3A, %dma_start3A_94, %dma_start3A_95] : memref<32x79x128xi32, #tpu.memory_space<hbm>> -> memref<1x79x128xi32, #tpu.memory_space<hbm>>
      %dma_start3A_97 = tpu.memref_squeeze %dma_start3A_96 : memref<1x79x128xi32, #tpu.memory_space<hbm>> -> memref<79x128xi32, #tpu.memory_space<hbm>>
      %dma_start3A_98 = arith.constant 0 : i32
      %dma_start3A_99 = arith.constant 0 : i32
      %dma_start3A_100 = tpu.memref_slice %dma_start3A_97[%dma_start3A_98, %dma_start3A_99] : memref<79x128xi32, #tpu.memory_space<hbm>> -> memref<40x128xi32, #tpu.memory_space<hbm>>
      tpu.enqueue_dma source(%dma_start3A_100 : memref<40x128xi32, #tpu.memory_space<hbm>>) target(%dma_start3A_93 : memref<40x128xi32, #tpu.memory_space<vmem>>) target_semaphore(%run_scoped3A_80 : memref<!tpu.dma_semaphore, #tpu.memory_space<semaphore_mem>>)
      %dma_wait3A_101 = arith.constant 0 : i32
      %dma_wait3A_102 = arith.constant 0 : i32
      %dma_wait3A_103 = tpu.memref_slice %arg8[%dma_wait3A_101, %dma_wait3A_102] : memref<40x128xi32, #tpu.memory_space<vmem>> -> memref<40x128xi32, #tpu.memory_space<vmem>>
      %dma_wait3A_104 = arith.constant 0 : i32
      %dma_wait3A_105 = arith.constant 0 : i32
      %dma_wait3A_106 = tpu.memref_slice %arg4[%add3A, %dma_wait3A_104, %dma_wait3A_105] : memref<32x79x128xi32, #tpu.memory_space<hbm>> -> memref<1x79x128xi32, #tpu.memory_space<hbm>>
      %dma_wait3A_107 = tpu.memref_squeeze %dma_wait3A_106 : memref<1x79x128xi32, #tpu.memory_space<hbm>> -> memref<79x128xi32, #tpu.memory_space<hbm>>
      %dma_wait3A_108 = arith.constant 0 : i32
      %dma_wait3A_109 = arith.constant 0 : i32
      %dma_wait3A_110 = tpu.memref_slice %dma_wait3A_107[%dma_wait3A_108, %dma_wait3A_109] : memref<79x128xi32, #tpu.memory_space<hbm>> -> memref<40x128xi32, #tpu.memory_space<hbm>>
      %dma_wait3A_111 = arith.constant 0 : i32
      %dma_wait3A_112 = arith.constant 0 : i32
      %dma_wait3A_113 = tpu.memref_slice %arg8[%dma_wait3A_111, %dma_wait3A_112] : memref<40x128xi32, #tpu.memory_space<vmem>> -> memref<40x128xi32, #tpu.memory_space<vmem>>
      %dma_wait3A_114 = arith.constant 0 : i32
      %dma_wait3A_115 = arith.constant 0 : i32
      %dma_wait3A_116 = tpu.memref_slice %arg4[%add3A, %dma_wait3A_114, %dma_wait3A_115] : memref<32x79x128xi32, #tpu.memory_space<hbm>> -> memref<1x79x128xi32, #tpu.memory_space<hbm>>
      %dma_wait3A_117 = tpu.memref_squeeze %dma_wait3A_116 : memref<1x79x128xi32, #tpu.memory_space<hbm>> -> memref<79x128xi32, #tpu.memory_space<hbm>>
      %dma_wait3A_118 = arith.constant 0 : i32
      %dma_wait3A_119 = arith.constant 0 : i32
      %dma_wait3A_120 = tpu.memref_slice %dma_wait3A_117[%dma_wait3A_118, %dma_wait3A_119] : memref<79x128xi32, #tpu.memory_space<hbm>> -> memref<40x128xi32, #tpu.memory_space<hbm>>
      tpu.wait_dma2 semaphore(%run_scoped3A_80 : memref<!tpu.dma_semaphore, #tpu.memory_space<semaphore_mem>>) src(%dma_wait3A_120 : memref<40x128xi32, #tpu.memory_space<hbm>>) dst(%dma_wait3A_113 : memref<40x128xi32, #tpu.memory_space<vmem>>)
      tpu.yield
    }) : () -> ()
    %dma_start3A = arith.constant 0 : i32
    %dma_start3A_5 = arith.constant 0 : i32
    %dma_start3A_6 = arith.constant 0 : i32
    %dma_start3A_7 = arith.constant 0 : i32
    %dma_start3A_8 = tpu.memref_slice %arg9[%dma_start3A_5, %dma_start3A_6, %dma_start3A_7] : memref<2x128x128xf32, #tpu.memory_space<vmem>> -> memref<1x128x128xf32, #tpu.memory_space<vmem>>
    %dma_start3A_9 = tpu.memref_squeeze %dma_start3A_8 : memref<1x128x128xf32, #tpu.memory_space<vmem>> -> memref<128x128xf32, #tpu.memory_space<vmem>>
    %dma_start3A_10 = arith.constant 0 : i32
    %dma_start3A_11 = tpu.memref_slice %arg7[%dma_start3A, %dma_start3A_10] : memref<40x128xi32, #tpu.memory_space<vmem>> -> memref<1x128xi32, #tpu.memory_space<vmem>>
    %dma_start3A_12 = tpu.memref_squeeze %dma_start3A_11 : memref<1x128xi32, #tpu.memory_space<vmem>> -> memref<128xi32, #tpu.memory_space<vmem>>
    %dma_start3A_13 = arith.constant 0 : i32
    %dma_start3A_14 = arith.constant 0 : i32
    %dma_start3A_15 = tpu.memref_slice %arg2[%dma_start3A_13, %dma_start3A_14] : memref<10240x128xf32, #tpu.memory_space<hbm>> -> memref<10240x128xf32, #tpu.memory_space<hbm>>
    tpu.enqueue_indirect_dma source(%dma_start3A_15 : memref<10240x128xf32, #tpu.memory_space<hbm>>) target(%dma_start3A_9 : memref<128x128xf32, #tpu.memory_space<vmem>>) offsets(%dma_start3A_12 : memref<128xi32, #tpu.memory_space<vmem>>) semaphore(%arg11 : memref<!tpu.dma_semaphore, #tpu.memory_space<semaphore_mem>>)
    %dma_start3A_16 = arith.constant 1 : i32
    %dma_start3A_17 = arith.constant 1 : i32
    %dma_start3A_18 = arith.constant 0 : i32
    %dma_start3A_19 = arith.constant 0 : i32
    %dma_start3A_20 = tpu.memref_slice %arg9[%dma_start3A_17, %dma_start3A_18, %dma_start3A_19] : memref<2x128x128xf32, #tpu.memory_space<vmem>> -> memref<1x128x128xf32, #tpu.memory_space<vmem>>
    %dma_start3A_21 = tpu.memref_squeeze %dma_start3A_20 : memref<1x128x128xf32, #tpu.memory_space<vmem>> -> memref<128x128xf32, #tpu.memory_space<vmem>>
    %dma_start3A_22 = arith.constant 0 : i32
    %dma_start3A_23 = tpu.memref_slice %arg7[%dma_start3A_16, %dma_start3A_22] : memref<40x128xi32, #tpu.memory_space<vmem>> -> memref<1x128xi32, #tpu.memory_space<vmem>>
    %dma_start3A_24 = tpu.memref_squeeze %dma_start3A_23 : memref<1x128xi32, #tpu.memory_space<vmem>> -> memref<128xi32, #tpu.memory_space<vmem>>
    %dma_start3A_25 = arith.constant 0 : i32
    %dma_start3A_26 = arith.constant 0 : i32
    %dma_start3A_27 = tpu.memref_slice %arg2[%dma_start3A_25, %dma_start3A_26] : memref<10240x128xf32, #tpu.memory_space<hbm>> -> memref<10240x128xf32, #tpu.memory_space<hbm>>
    tpu.enqueue_indirect_dma source(%dma_start3A_27 : memref<10240x128xf32, #tpu.memory_space<hbm>>) target(%dma_start3A_21 : memref<128x128xf32, #tpu.memory_space<vmem>>) offsets(%dma_start3A_24 : memref<128xi32, #tpu.memory_space<vmem>>) semaphore(%arg12 : memref<!tpu.dma_semaphore, #tpu.memory_space<semaphore_mem>>)
    %scan3A = arith.constant 0 : i32
    %scan3A_28 = arith.constant 0 : i32
    %scan3A_29 = arith.constant 20 : i32
    %scan3A_30 = arith.addi %scan3A_28, %scan3A_29 : i32
    %scan3A_31 = arith.constant 1 : i32
    scf.for %scan3A_80 = %scan3A_28 to %scan3A_30 step %scan3A_31  : i32 {
      %mul3A_81 = arith.constant 2 : i32
      %mul3A_82 = arith.muli %scan3A_80, %mul3A_81 : i32
      %dma_wait3A_83 = arith.constant 0 : i32
      %dma_wait3A_84 = arith.constant 0 : i32
      %dma_wait3A_85 = arith.constant 0 : i32
      %dma_wait3A_86 = tpu.memref_slice %arg9[%dma_wait3A_83, %dma_wait3A_84, %dma_wait3A_85] : memref<2x128x128xf32, #tpu.memory_space<vmem>> -> memref<1x128x128xf32, #tpu.memory_space<vmem>>
      %dma_wait3A_87 = tpu.memref_squeeze %dma_wait3A_86 : memref<1x128x128xf32, #tpu.memory_space<vmem>> -> memref<128x128xf32, #tpu.memory_space<vmem>>
      %dma_wait3A_88 = arith.constant 0 : i32
      %dma_wait3A_89 = tpu.memref_slice %arg7[%mul3A_82, %dma_wait3A_88] : memref<40x128xi32, #tpu.memory_space<vmem>> -> memref<1x128xi32, #tpu.memory_space<vmem>>
      %dma_wait3A_90 = tpu.memref_squeeze %dma_wait3A_89 : memref<1x128xi32, #tpu.memory_space<vmem>> -> memref<128xi32, #tpu.memory_space<vmem>>
      %dma_wait3A_91 = arith.constant 0 : i32
      %dma_wait3A_92 = arith.constant 0 : i32
      %dma_wait3A_93 = tpu.memref_slice %arg2[%dma_wait3A_91, %dma_wait3A_92] : memref<10240x128xf32, #tpu.memory_space<hbm>> -> memref<10240x128xf32, #tpu.memory_space<hbm>>
      tpu.wait_indirect_dma semaphore(%arg11 : memref<!tpu.dma_semaphore, #tpu.memory_space<semaphore_mem>>) src(%dma_wait3A_93 : memref<10240x128xf32, #tpu.memory_space<hbm>>) dst(%dma_wait3A_87 : memref<128x128xf32, #tpu.memory_space<vmem>>)
      %run_scoped3A_94 = arith.constant 0 : i32
      "tpu.region"() ({
        %run_scoped3A_122 = tpu.sem_alloc : memref<!tpu.dma_semaphore, #tpu.memory_space<semaphore_mem>>
        %dma_start3A_123 = arith.constant 0 : i32
        %dma_start3A_124 = arith.constant 0 : i32
        %dma_start3A_125 = tpu.memref_slice %arg9[%run_scoped3A_94, %dma_start3A_123, %dma_start3A_124] : memref<2x128x128xf32, #tpu.memory_space<vmem>> -> memref<1x128x128xf32, #tpu.memory_space<vmem>>
        %dma_start3A_126 = tpu.memref_squeeze %dma_start3A_125 : memref<1x128x128xf32, #tpu.memory_space<vmem>> -> memref<128x128xf32, #tpu.memory_space<vmem>>
        %dma_start3A_127 = arith.constant 0 : i32
        %dma_start3A_128 = tpu.memref_slice %arg8[%mul3A_82, %dma_start3A_127] : memref<40x128xi32, #tpu.memory_space<vmem>> -> memref<1x128xi32, #tpu.memory_space<vmem>>
        %dma_start3A_129 = tpu.memref_squeeze %dma_start3A_128 : memref<1x128xi32, #tpu.memory_space<vmem>> -> memref<128xi32, #tpu.memory_space<vmem>>
        %dma_start3A_130 = arith.constant 0 : i32
        %dma_start3A_131 = arith.constant 0 : i32
        %dma_start3A_132 = tpu.memref_slice %arg10[%dma_start3A_130, %dma_start3A_131] : memref<10240x128xf32, #tpu.memory_space<vmem_shared>> -> memref<10240x128xf32, #tpu.memory_space<vmem_shared>>
        tpu.enqueue_indirect_dma source(%dma_start3A_126 : memref<128x128xf32, #tpu.memory_space<vmem>>) target(%dma_start3A_132 : memref<10240x128xf32, #tpu.memory_space<vmem_shared>>) offsets(%dma_start3A_129 : memref<128xi32, #tpu.memory_space<vmem>>) semaphore(%run_scoped3A_122 : memref<!tpu.dma_semaphore, #tpu.memory_space<semaphore_mem>>) {add = true}
        %dma_wait3A_133 = arith.constant 0 : i32
        %dma_wait3A_134 = arith.constant 0 : i32
        %dma_wait3A_135 = tpu.memref_slice %arg9[%run_scoped3A_94, %dma_wait3A_133, %dma_wait3A_134] : memref<2x128x128xf32, #tpu.memory_space<vmem>> -> memref<1x128x128xf32, #tpu.memory_space<vmem>>
        %dma_wait3A_136 = tpu.memref_squeeze %dma_wait3A_135 : memref<1x128x128xf32, #tpu.memory_space<vmem>> -> memref<128x128xf32, #tpu.memory_space<vmem>>
        %dma_wait3A_137 = arith.constant 0 : i32
        %dma_wait3A_138 = tpu.memref_slice %arg8[%mul3A_82, %dma_wait3A_137] : memref<40x128xi32, #tpu.memory_space<vmem>> -> memref<1x128xi32, #tpu.memory_space<vmem>>
        %dma_wait3A_139 = tpu.memref_squeeze %dma_wait3A_138 : memref<1x128xi32, #tpu.memory_space<vmem>> -> memref<128xi32, #tpu.memory_space<vmem>>
        %dma_wait3A_140 = arith.constant 0 : i32
        %dma_wait3A_141 = arith.constant 0 : i32
        %dma_wait3A_142 = tpu.memref_slice %arg10[%dma_wait3A_140, %dma_wait3A_141] : memref<10240x128xf32, #tpu.memory_space<vmem_shared>> -> memref<10240x128xf32, #tpu.memory_space<vmem_shared>>
        tpu.wait_indirect_dma semaphore(%run_scoped3A_122 : memref<!tpu.dma_semaphore, #tpu.memory_space<semaphore_mem>>) src(%dma_wait3A_136 : memref<128x128xf32, #tpu.memory_space<vmem>>) dst(%dma_wait3A_142 : memref<10240x128xf32, #tpu.memory_space<vmem_shared>>)
        tpu.yield
      }) : () -> ()
      %add3A_95 = arith.constant 2 : i32
      %add3A_96 = arith.addi %mul3A_82, %add3A_95 : i32
      %lt3A = arith.constant 40 : i32
      %lt3A_97 = arith.cmpi slt, %add3A_96, %lt3A : i32
      %convert_element_type3A = arith.extui %lt3A_97 : i1 to i32
      %cond3A = arith.constant 0 : i32
      %cond3A_98 = arith.cmpi ne, %convert_element_type3A, %cond3A : i32
      scf.if %cond3A_98 {
        %add3A_122 = arith.constant 2 : i32
        %add3A_123 = arith.addi %mul3A_82, %add3A_122 : i32
        %dma_start3A_124 = arith.constant 0 : i32
        %dma_start3A_125 = arith.constant 0 : i32
        %dma_start3A_126 = arith.constant 0 : i32
        %dma_start3A_127 = tpu.memref_slice %arg9[%dma_start3A_124, %dma_start3A_125, %dma_start3A_126] : memref<2x128x128xf32, #tpu.memory_space<vmem>> -> memref<1x128x128xf32, #tpu.memory_space<vmem>>
        %dma_start3A_128 = tpu.memref_squeeze %dma_start3A_127 : memref<1x128x128xf32, #tpu.memory_space<vmem>> -> memref<128x128xf32, #tpu.memory_space<vmem>>
        %dma_start3A_129 = arith.constant 0 : i32
        %dma_start3A_130 = tpu.memref_slice %arg7[%add3A_123, %dma_start3A_129] : memref<40x128xi32, #tpu.memory_space<vmem>> -> memref<1x128xi32, #tpu.memory_space<vmem>>
        %dma_start3A_131 = tpu.memref_squeeze %dma_start3A_130 : memref<1x128xi32, #tpu.memory_space<vmem>> -> memref<128xi32, #tpu.memory_space<vmem>>
        %dma_start3A_132 = arith.constant 0 : i32
        %dma_start3A_133 = arith.constant 0 : i32
        %dma_start3A_134 = tpu.memref_slice %arg2[%dma_start3A_132, %dma_start3A_133] : memref<10240x128xf32, #tpu.memory_space<hbm>> -> memref<10240x128xf32, #tpu.memory_space<hbm>>
        tpu.enqueue_indirect_dma source(%dma_start3A_134 : memref<10240x128xf32, #tpu.memory_space<hbm>>) target(%dma_start3A_128 : memref<128x128xf32, #tpu.memory_space<vmem>>) offsets(%dma_start3A_131 : memref<128xi32, #tpu.memory_space<vmem>>) semaphore(%arg11 : memref<!tpu.dma_semaphore, #tpu.memory_space<semaphore_mem>>)
      } else {
      }
      %mul3A_99 = arith.constant 2 : i32
      %mul3A_100 = arith.muli %scan3A_80, %mul3A_99 : i32
      %add3A_101 = arith.constant 1 : i32
      %add3A_102 = arith.addi %mul3A_100, %add3A_101 : i32
      %dma_wait3A_103 = arith.constant 1 : i32
      %dma_wait3A_104 = arith.constant 0 : i32
      %dma_wait3A_105 = arith.constant 0 : i32
      %dma_wait3A_106 = tpu.memref_slice %arg9[%dma_wait3A_103, %dma_wait3A_104, %dma_wait3A_105] : memref<2x128x128xf32, #tpu.memory_space<vmem>> -> memref<1x128x128xf32, #tpu.memory_space<vmem>>
      %dma_wait3A_107 = tpu.memref_squeeze %dma_wait3A_106 : memref<1x128x128xf32, #tpu.memory_space<vmem>> -> memref<128x128xf32, #tpu.memory_space<vmem>>
      %dma_wait3A_108 = arith.constant 0 : i32
      %dma_wait3A_109 = tpu.memref_slice %arg7[%add3A_102, %dma_wait3A_108] : memref<40x128xi32, #tpu.memory_space<vmem>> -> memref<1x128xi32, #tpu.memory_space<vmem>>
      %dma_wait3A_110 = tpu.memref_squeeze %dma_wait3A_109 : memref<1x128xi32, #tpu.memory_space<vmem>> -> memref<128xi32, #tpu.memory_space<vmem>>
      %dma_wait3A_111 = arith.constant 0 : i32
      %dma_wait3A_112 = arith.constant 0 : i32
      %dma_wait3A_113 = tpu.memref_slice %arg2[%dma_wait3A_111, %dma_wait3A_112] : memref<10240x128xf32, #tpu.memory_space<hbm>> -> memref<10240x128xf32, #tpu.memory_space<hbm>>
      tpu.wait_indirect_dma semaphore(%arg12 : memref<!tpu.dma_semaphore, #tpu.memory_space<semaphore_mem>>) src(%dma_wait3A_113 : memref<10240x128xf32, #tpu.memory_space<hbm>>) dst(%dma_wait3A_107 : memref<128x128xf32, #tpu.memory_space<vmem>>)
      %run_scoped3A_114 = arith.constant 1 : i32
      "tpu.region"() ({
        %run_scoped3A_122 = tpu.sem_alloc : memref<!tpu.dma_semaphore, #tpu.memory_space<semaphore_mem>>
        %dma_start3A_123 = arith.constant 0 : i32
        %dma_start3A_124 = arith.constant 0 : i32
        %dma_start3A_125 = tpu.memref_slice %arg9[%run_scoped3A_114, %dma_start3A_123, %dma_start3A_124] : memref<2x128x128xf32, #tpu.memory_space<vmem>> -> memref<1x128x128xf32, #tpu.memory_space<vmem>>
        %dma_start3A_126 = tpu.memref_squeeze %dma_start3A_125 : memref<1x128x128xf32, #tpu.memory_space<vmem>> -> memref<128x128xf32, #tpu.memory_space<vmem>>
        %dma_start3A_127 = arith.constant 0 : i32
        %dma_start3A_128 = tpu.memref_slice %arg8[%add3A_102, %dma_start3A_127] : memref<40x128xi32, #tpu.memory_space<vmem>> -> memref<1x128xi32, #tpu.memory_space<vmem>>
        %dma_start3A_129 = tpu.memref_squeeze %dma_start3A_128 : memref<1x128xi32, #tpu.memory_space<vmem>> -> memref<128xi32, #tpu.memory_space<vmem>>
        %dma_start3A_130 = arith.constant 0 : i32
        %dma_start3A_131 = arith.constant 0 : i32
        %dma_start3A_132 = tpu.memref_slice %arg10[%dma_start3A_130, %dma_start3A_131] : memref<10240x128xf32, #tpu.memory_space<vmem_shared>> -> memref<10240x128xf32, #tpu.memory_space<vmem_shared>>
        tpu.enqueue_indirect_dma source(%dma_start3A_126 : memref<128x128xf32, #tpu.memory_space<vmem>>) target(%dma_start3A_132 : memref<10240x128xf32, #tpu.memory_space<vmem_shared>>) offsets(%dma_start3A_129 : memref<128xi32, #tpu.memory_space<vmem>>) semaphore(%run_scoped3A_122 : memref<!tpu.dma_semaphore, #tpu.memory_space<semaphore_mem>>) {add = true}
        %dma_wait3A_133 = arith.constant 0 : i32
        %dma_wait3A_134 = arith.constant 0 : i32
        %dma_wait3A_135 = tpu.memref_slice %arg9[%run_scoped3A_114, %dma_wait3A_133, %dma_wait3A_134] : memref<2x128x128xf32, #tpu.memory_space<vmem>> -> memref<1x128x128xf32, #tpu.memory_space<vmem>>
        %dma_wait3A_136 = tpu.memref_squeeze %dma_wait3A_135 : memref<1x128x128xf32, #tpu.memory_space<vmem>> -> memref<128x128xf32, #tpu.memory_space<vmem>>
        %dma_wait3A_137 = arith.constant 0 : i32
        %dma_wait3A_138 = tpu.memref_slice %arg8[%add3A_102, %dma_wait3A_137] : memref<40x128xi32, #tpu.memory_space<vmem>> -> memref<1x128xi32, #tpu.memory_space<vmem>>
        %dma_wait3A_139 = tpu.memref_squeeze %dma_wait3A_138 : memref<1x128xi32, #tpu.memory_space<vmem>> -> memref<128xi32, #tpu.memory_space<vmem>>
        %dma_wait3A_140 = arith.constant 0 : i32
        %dma_wait3A_141 = arith.constant 0 : i32
        %dma_wait3A_142 = tpu.memref_slice %arg10[%dma_wait3A_140, %dma_wait3A_141] : memref<10240x128xf32, #tpu.memory_space<vmem_shared>> -> memref<10240x128xf32, #tpu.memory_space<vmem_shared>>
        tpu.wait_indirect_dma semaphore(%run_scoped3A_122 : memref<!tpu.dma_semaphore, #tpu.memory_space<semaphore_mem>>) src(%dma_wait3A_136 : memref<128x128xf32, #tpu.memory_space<vmem>>) dst(%dma_wait3A_142 : memref<10240x128xf32, #tpu.memory_space<vmem_shared>>)
        tpu.yield
      }) : () -> ()
      %add3A_115 = arith.constant 2 : i32
      %add3A_116 = arith.addi %add3A_102, %add3A_115 : i32
      %lt3A_117 = arith.constant 40 : i32
      %lt3A_118 = arith.cmpi slt, %add3A_116, %lt3A_117 : i32
      %convert_element_type3A_119 = arith.extui %lt3A_118 : i1 to i32
      %cond3A_120 = arith.constant 0 : i32
      %cond3A_121 = arith.cmpi ne, %convert_element_type3A_119, %cond3A_120 : i32
      scf.if %cond3A_121 {
        %add3A_122 = arith.constant 2 : i32
        %add3A_123 = arith.addi %add3A_102, %add3A_122 : i32
        %dma_start3A_124 = arith.constant 1 : i32
        %dma_start3A_125 = arith.constant 0 : i32
        %dma_start3A_126 = arith.constant 0 : i32
        %dma_start3A_127 = tpu.memref_slice %arg9[%dma_start3A_124, %dma_start3A_125, %dma_start3A_126] : memref<2x128x128xf32, #tpu.memory_space<vmem>> -> memref<1x128x128xf32, #tpu.memory_space<vmem>>
        %dma_start3A_128 = tpu.memref_squeeze %dma_start3A_127 : memref<1x128x128xf32, #tpu.memory_space<vmem>> -> memref<128x128xf32, #tpu.memory_space<vmem>>
        %dma_start3A_129 = arith.constant 0 : i32
        %dma_start3A_130 = tpu.memref_slice %arg7[%add3A_123, %dma_start3A_129] : memref<40x128xi32, #tpu.memory_space<vmem>> -> memref<1x128xi32, #tpu.memory_space<vmem>>
        %dma_start3A_131 = tpu.memref_squeeze %dma_start3A_130 : memref<1x128xi32, #tpu.memory_space<vmem>> -> memref<128xi32, #tpu.memory_space<vmem>>
        %dma_start3A_132 = arith.constant 0 : i32
        %dma_start3A_133 = arith.constant 0 : i32
        %dma_start3A_134 = tpu.memref_slice %arg2[%dma_start3A_132, %dma_start3A_133] : memref<10240x128xf32, #tpu.memory_space<hbm>> -> memref<10240x128xf32, #tpu.memory_space<hbm>>
        tpu.enqueue_indirect_dma source(%dma_start3A_134 : memref<10240x128xf32, #tpu.memory_space<hbm>>) target(%dma_start3A_128 : memref<128x128xf32, #tpu.memory_space<vmem>>) offsets(%dma_start3A_131 : memref<128xi32, #tpu.memory_space<vmem>>) semaphore(%arg12 : memref<!tpu.dma_semaphore, #tpu.memory_space<semaphore_mem>>)
      } else {
      }
    }
    %scan3A_32 = arith.constant 20 : i32
    "tpu.region"() ({
      %run_scoped3A_80 = tpu.sem_alloc : memref<!tpu.dma_semaphore, #tpu.memory_space<semaphore_mem>>
      %dma_start3A_81 = arith.constant 0 : i32
      %dma_start3A_82 = arith.constant 0 : i32
      %dma_start3A_83 = tpu.memref_slice %arg7[%dma_start3A_81, %dma_start3A_82] : memref<40x128xi32, #tpu.memory_space<vmem>> -> memref<39x128xi32, #tpu.memory_space<vmem>>
      %dma_start3A_84 = arith.constant 0 : i32
      %dma_start3A_85 = arith.constant 0 : i32
      %dma_start3A_86 = tpu.memref_slice %arg3[%add3A, %dma_start3A_84, %dma_start3A_85] : memref<32x79x128xi32, #tpu.memory_space<hbm>> -> memref<1x79x128xi32, #tpu.memory_space<hbm>>
      %dma_start3A_87 = tpu.memref_squeeze %dma_start3A_86 : memref<1x79x128xi32, #tpu.memory_space<hbm>> -> memref<79x128xi32, #tpu.memory_space<hbm>>
      %dma_start3A_88 = arith.constant 40 : i32
      %dma_start3A_89 = arith.constant 0 : i32
      %dma_start3A_90 = tpu.memref_slice %dma_start3A_87[%dma_start3A_88, %dma_start3A_89] : memref<79x128xi32, #tpu.memory_space<hbm>> -> memref<39x128xi32, #tpu.memory_space<hbm>>
      %dma_start3A_91 = arith.constant 0 : i32
      %dma_start3A_92 = arith.constant 0 : i32
      %dma_start3A_93 = tpu.memref_slice %arg7[%dma_start3A_91, %dma_start3A_92] : memref<40x128xi32, #tpu.memory_space<vmem>> -> memref<39x128xi32, #tpu.memory_space<vmem>>
      %dma_start3A_94 = arith.constant 0 : i32
      %dma_start3A_95 = arith.constant 0 : i32
      %dma_start3A_96 = tpu.memref_slice %arg3[%add3A, %dma_start3A_94, %dma_start3A_95] : memref<32x79x128xi32, #tpu.memory_space<hbm>> -> memref<1x79x128xi32, #tpu.memory_space<hbm>>
      %dma_start3A_97 = tpu.memref_squeeze %dma_start3A_96 : memref<1x79x128xi32, #tpu.memory_space<hbm>> -> memref<79x128xi32, #tpu.memory_space<hbm>>
      %dma_start3A_98 = arith.constant 40 : i32
      %dma_start3A_99 = arith.constant 0 : i32
      %dma_start3A_100 = tpu.memref_slice %dma_start3A_97[%dma_start3A_98, %dma_start3A_99] : memref<79x128xi32, #tpu.memory_space<hbm>> -> memref<39x128xi32, #tpu.memory_space<hbm>>
      tpu.enqueue_dma source(%dma_start3A_100 : memref<39x128xi32, #tpu.memory_space<hbm>>) target(%dma_start3A_93 : memref<39x128xi32, #tpu.memory_space<vmem>>) target_semaphore(%run_scoped3A_80 : memref<!tpu.dma_semaphore, #tpu.memory_space<semaphore_mem>>)
      %dma_wait3A_101 = arith.constant 0 : i32
      %dma_wait3A_102 = arith.constant 0 : i32
      %dma_wait3A_103 = tpu.memref_slice %arg7[%dma_wait3A_101, %dma_wait3A_102] : memref<40x128xi32, #tpu.memory_space<vmem>> -> memref<39x128xi32, #tpu.memory_space<vmem>>
      %dma_wait3A_104 = arith.constant 0 : i32
      %dma_wait3A_105 = arith.constant 0 : i32
      %dma_wait3A_106 = tpu.memref_slice %arg3[%add3A, %dma_wait3A_104, %dma_wait3A_105] : memref<32x79x128xi32, #tpu.memory_space<hbm>> -> memref<1x79x128xi32, #tpu.memory_space<hbm>>
      %dma_wait3A_107 = tpu.memref_squeeze %dma_wait3A_106 : memref<1x79x128xi32, #tpu.memory_space<hbm>> -> memref<79x128xi32, #tpu.memory_space<hbm>>
      %dma_wait3A_108 = arith.constant 40 : i32
      %dma_wait3A_109 = arith.constant 0 : i32
      %dma_wait3A_110 = tpu.memref_slice %dma_wait3A_107[%dma_wait3A_108, %dma_wait3A_109] : memref<79x128xi32, #tpu.memory_space<hbm>> -> memref<39x128xi32, #tpu.memory_space<hbm>>
      %dma_wait3A_111 = arith.constant 0 : i32
      %dma_wait3A_112 = arith.constant 0 : i32
      %dma_wait3A_113 = tpu.memref_slice %arg7[%dma_wait3A_111, %dma_wait3A_112] : memref<40x128xi32, #tpu.memory_space<vmem>> -> memref<39x128xi32, #tpu.memory_space<vmem>>
      %dma_wait3A_114 = arith.constant 0 : i32
      %dma_wait3A_115 = arith.constant 0 : i32
      %dma_wait3A_116 = tpu.memref_slice %arg3[%add3A, %dma_wait3A_114, %dma_wait3A_115] : memref<32x79x128xi32, #tpu.memory_space<hbm>> -> memref<1x79x128xi32, #tpu.memory_space<hbm>>
      %dma_wait3A_117 = tpu.memref_squeeze %dma_wait3A_116 : memref<1x79x128xi32, #tpu.memory_space<hbm>> -> memref<79x128xi32, #tpu.memory_space<hbm>>
      %dma_wait3A_118 = arith.constant 40 : i32
      %dma_wait3A_119 = arith.constant 0 : i32
      %dma_wait3A_120 = tpu.memref_slice %dma_wait3A_117[%dma_wait3A_118, %dma_wait3A_119] : memref<79x128xi32, #tpu.memory_space<hbm>> -> memref<39x128xi32, #tpu.memory_space<hbm>>
      tpu.wait_dma2 semaphore(%run_scoped3A_80 : memref<!tpu.dma_semaphore, #tpu.memory_space<semaphore_mem>>) src(%dma_wait3A_120 : memref<39x128xi32, #tpu.memory_space<hbm>>) dst(%dma_wait3A_113 : memref<39x128xi32, #tpu.memory_space<vmem>>)
      tpu.yield
    }) : () -> ()
    "tpu.region"() ({
      %run_scoped3A_80 = tpu.sem_alloc : memref<!tpu.dma_semaphore, #tpu.memory_space<semaphore_mem>>
      %dma_start3A_81 = arith.constant 0 : i32
      %dma_start3A_82 = arith.constant 0 : i32
      %dma_start3A_83 = tpu.memref_slice %arg8[%dma_start3A_81, %dma_start3A_82] : memref<40x128xi32, #tpu.memory_space<vmem>> -> memref<39x128xi32, #tpu.memory_space<vmem>>
      %dma_start3A_84 = arith.constant 0 : i32
      %dma_start3A_85 = arith.constant 0 : i32
      %dma_start3A_86 = tpu.memref_slice %arg4[%add3A, %dma_start3A_84, %dma_start3A_85] : memref<32x79x128xi32, #tpu.memory_space<hbm>> -> memref<1x79x128xi32, #tpu.memory_space<hbm>>
      %dma_start3A_87 = tpu.memref_squeeze %dma_start3A_86 : memref<1x79x128xi32, #tpu.memory_space<hbm>> -> memref<79x128xi32, #tpu.memory_space<hbm>>
      %dma_start3A_88 = arith.constant 40 : i32
      %dma_start3A_89 = arith.constant 0 : i32
      %dma_start3A_90 = tpu.memref_slice %dma_start3A_87[%dma_start3A_88, %dma_start3A_89] : memref<79x128xi32, #tpu.memory_space<hbm>> -> memref<39x128xi32, #tpu.memory_space<hbm>>
      %dma_start3A_91 = arith.constant 0 : i32
      %dma_start3A_92 = arith.constant 0 : i32
      %dma_start3A_93 = tpu.memref_slice %arg8[%dma_start3A_91, %dma_start3A_92] : memref<40x128xi32, #tpu.memory_space<vmem>> -> memref<39x128xi32, #tpu.memory_space<vmem>>
      %dma_start3A_94 = arith.constant 0 : i32
      %dma_start3A_95 = arith.constant 0 : i32
      %dma_start3A_96 = tpu.memref_slice %arg4[%add3A, %dma_start3A_94, %dma_start3A_95] : memref<32x79x128xi32, #tpu.memory_space<hbm>> -> memref<1x79x128xi32, #tpu.memory_space<hbm>>
      %dma_start3A_97 = tpu.memref_squeeze %dma_start3A_96 : memref<1x79x128xi32, #tpu.memory_space<hbm>> -> memref<79x128xi32, #tpu.memory_space<hbm>>
      %dma_start3A_98 = arith.constant 40 : i32
      %dma_start3A_99 = arith.constant 0 : i32
      %dma_start3A_100 = tpu.memref_slice %dma_start3A_97[%dma_start3A_98, %dma_start3A_99] : memref<79x128xi32, #tpu.memory_space<hbm>> -> memref<39x128xi32, #tpu.memory_space<hbm>>
      tpu.enqueue_dma source(%dma_start3A_100 : memref<39x128xi32, #tpu.memory_space<hbm>>) target(%dma_start3A_93 : memref<39x128xi32, #tpu.memory_space<vmem>>) target_semaphore(%run_scoped3A_80 : memref<!tpu.dma_semaphore, #tpu.memory_space<semaphore_mem>>)
      %dma_wait3A_101 = arith.constant 0 : i32
      %dma_wait3A_102 = arith.constant 0 : i32
      %dma_wait3A_103 = tpu.memref_slice %arg8[%dma_wait3A_101, %dma_wait3A_102] : memref<40x128xi32, #tpu.memory_space<vmem>> -> memref<39x128xi32, #tpu.memory_space<vmem>>
      %dma_wait3A_104 = arith.constant 0 : i32
      %dma_wait3A_105 = arith.constant 0 : i32
      %dma_wait3A_106 = tpu.memref_slice %arg4[%add3A, %dma_wait3A_104, %dma_wait3A_105] : memref<32x79x128xi32, #tpu.memory_space<hbm>> -> memref<1x79x128xi32, #tpu.memory_space<hbm>>
      %dma_wait3A_107 = tpu.memref_squeeze %dma_wait3A_106 : memref<1x79x128xi32, #tpu.memory_space<hbm>> -> memref<79x128xi32, #tpu.memory_space<hbm>>
      %dma_wait3A_108 = arith.constant 40 : i32
      %dma_wait3A_109 = arith.constant 0 : i32
      %dma_wait3A_110 = tpu.memref_slice %dma_wait3A_107[%dma_wait3A_108, %dma_wait3A_109] : memref<79x128xi32, #tpu.memory_space<hbm>> -> memref<39x128xi32, #tpu.memory_space<hbm>>
      %dma_wait3A_111 = arith.constant 0 : i32
      %dma_wait3A_112 = arith.constant 0 : i32
      %dma_wait3A_113 = tpu.memref_slice %arg8[%dma_wait3A_111, %dma_wait3A_112] : memref<40x128xi32, #tpu.memory_space<vmem>> -> memref<39x128xi32, #tpu.memory_space<vmem>>
      %dma_wait3A_114 = arith.constant 0 : i32
      %dma_wait3A_115 = arith.constant 0 : i32
      %dma_wait3A_116 = tpu.memref_slice %arg4[%add3A, %dma_wait3A_114, %dma_wait3A_115] : memref<32x79x128xi32, #tpu.memory_space<hbm>> -> memref<1x79x128xi32, #tpu.memory_space<hbm>>
      %dma_wait3A_117 = tpu.memref_squeeze %dma_wait3A_116 : memref<1x79x128xi32, #tpu.memory_space<hbm>> -> memref<79x128xi32, #tpu.memory_space<hbm>>
      %dma_wait3A_118 = arith.constant 40 : i32
      %dma_wait3A_119 = arith.constant 0 : i32
      %dma_wait3A_120 = tpu.memref_slice %dma_wait3A_117[%dma_wait3A_118, %dma_wait3A_119] : memref<79x128xi32, #tpu.memory_space<hbm>> -> memref<39x128xi32, #tpu.memory_space<hbm>>
      tpu.wait_dma2 semaphore(%run_scoped3A_80 : memref<!tpu.dma_semaphore, #tpu.memory_space<semaphore_mem>>) src(%dma_wait3A_120 : memref<39x128xi32, #tpu.memory_space<hbm>>) dst(%dma_wait3A_113 : memref<39x128xi32, #tpu.memory_space<vmem>>)
      tpu.yield
    }) : () -> ()
    %dma_start3A_33 = arith.constant 0 : i32
    %dma_start3A_34 = arith.constant 0 : i32
    %dma_start3A_35 = arith.constant 0 : i32
    %dma_start3A_36 = arith.constant 0 : i32
    %dma_start3A_37 = tpu.memref_slice %arg9[%dma_start3A_34, %dma_start3A_35, %dma_start3A_36] : memref<2x128x128xf32, #tpu.memory_space<vmem>> -> memref<1x128x128xf32, #tpu.memory_space<vmem>>
    %dma_start3A_38 = tpu.memref_squeeze %dma_start3A_37 : memref<1x128x128xf32, #tpu.memory_space<vmem>> -> memref<128x128xf32, #tpu.memory_space<vmem>>
    %dma_start3A_39 = arith.constant 0 : i32
    %dma_start3A_40 = tpu.memref_slice %arg7[%dma_start3A_33, %dma_start3A_39] : memref<40x128xi32, #tpu.memory_space<vmem>> -> memref<1x128xi32, #tpu.memory_space<vmem>>
    %dma_start3A_41 = tpu.memref_squeeze %dma_start3A_40 : memref<1x128xi32, #tpu.memory_space<vmem>> -> memref<128xi32, #tpu.memory_space<vmem>>
    %dma_start3A_42 = arith.constant 0 : i32
    %dma_start3A_43 = arith.constant 0 : i32
    %dma_start3A_44 = tpu.memref_slice %arg2[%dma_start3A_42, %dma_start3A_43] : memref<10240x128xf32, #tpu.memory_space<hbm>> -> memref<10240x128xf32, #tpu.memory_space<hbm>>
    tpu.enqueue_indirect_dma source(%dma_start3A_44 : memref<10240x128xf32, #tpu.memory_space<hbm>>) target(%dma_start3A_38 : memref<128x128xf32, #tpu.memory_space<vmem>>) offsets(%dma_start3A_41 : memref<128xi32, #tpu.memory_space<vmem>>) semaphore(%arg11 : memref<!tpu.dma_semaphore, #tpu.memory_space<semaphore_mem>>)
    %dma_start3A_45 = arith.constant 1 : i32
    %dma_start3A_46 = arith.constant 1 : i32
    %dma_start3A_47 = arith.constant 0 : i32
    %dma_start3A_48 = arith.constant 0 : i32
    %dma_start3A_49 = tpu.memref_slice %arg9[%dma_start3A_46, %dma_start3A_47, %dma_start3A_48] : memref<2x128x128xf32, #tpu.memory_space<vmem>> -> memref<1x128x128xf32, #tpu.memory_space<vmem>>
    %dma_start3A_50 = tpu.memref_squeeze %dma_start3A_49 : memref<1x128x128xf32, #tpu.memory_space<vmem>> -> memref<128x128xf32, #tpu.memory_space<vmem>>
    %dma_start3A_51 = arith.constant 0 : i32
    %dma_start3A_52 = tpu.memref_slice %arg7[%dma_start3A_45, %dma_start3A_51] : memref<40x128xi32, #tpu.memory_space<vmem>> -> memref<1x128xi32, #tpu.memory_space<vmem>>
    %dma_start3A_53 = tpu.memref_squeeze %dma_start3A_52 : memref<1x128xi32, #tpu.memory_space<vmem>> -> memref<128xi32, #tpu.memory_space<vmem>>
    %dma_start3A_54 = arith.constant 0 : i32
    %dma_start3A_55 = arith.constant 0 : i32
    %dma_start3A_56 = tpu.memref_slice %arg2[%dma_start3A_54, %dma_start3A_55] : memref<10240x128xf32, #tpu.memory_space<hbm>> -> memref<10240x128xf32, #tpu.memory_space<hbm>>
    tpu.enqueue_indirect_dma source(%dma_start3A_56 : memref<10240x128xf32, #tpu.memory_space<hbm>>) target(%dma_start3A_50 : memref<128x128xf32, #tpu.memory_space<vmem>>) offsets(%dma_start3A_53 : memref<128xi32, #tpu.memory_space<vmem>>) semaphore(%arg12 : memref<!tpu.dma_semaphore, #tpu.memory_space<semaphore_mem>>)
    %scan3A_57 = arith.constant 0 : i32
    %scan3A_58 = arith.constant 0 : i32
    %scan3A_59 = arith.constant 19 : i32
    %scan3A_60 = arith.addi %scan3A_58, %scan3A_59 : i32
    %scan3A_61 = arith.constant 1 : i32
    scf.for %scan3A_80 = %scan3A_58 to %scan3A_60 step %scan3A_61  : i32 {
      %mul3A_81 = arith.constant 2 : i32
      %mul3A_82 = arith.muli %scan3A_80, %mul3A_81 : i32
      %dma_wait3A_83 = arith.constant 0 : i32
      %dma_wait3A_84 = arith.constant 0 : i32
      %dma_wait3A_85 = arith.constant 0 : i32
      %dma_wait3A_86 = tpu.memref_slice %arg9[%dma_wait3A_83, %dma_wait3A_84, %dma_wait3A_85] : memref<2x128x128xf32, #tpu.memory_space<vmem>> -> memref<1x128x128xf32, #tpu.memory_space<vmem>>
      %dma_wait3A_87 = tpu.memref_squeeze %dma_wait3A_86 : memref<1x128x128xf32, #tpu.memory_space<vmem>> -> memref<128x128xf32, #tpu.memory_space<vmem>>
      %dma_wait3A_88 = arith.constant 0 : i32
      %dma_wait3A_89 = tpu.memref_slice %arg7[%mul3A_82, %dma_wait3A_88] : memref<40x128xi32, #tpu.memory_space<vmem>> -> memref<1x128xi32, #tpu.memory_space<vmem>>
      %dma_wait3A_90 = tpu.memref_squeeze %dma_wait3A_89 : memref<1x128xi32, #tpu.memory_space<vmem>> -> memref<128xi32, #tpu.memory_space<vmem>>
      %dma_wait3A_91 = arith.constant 0 : i32
      %dma_wait3A_92 = arith.constant 0 : i32
      %dma_wait3A_93 = tpu.memref_slice %arg2[%dma_wait3A_91, %dma_wait3A_92] : memref<10240x128xf32, #tpu.memory_space<hbm>> -> memref<10240x128xf32, #tpu.memory_space<hbm>>
      tpu.wait_indirect_dma semaphore(%arg11 : memref<!tpu.dma_semaphore, #tpu.memory_space<semaphore_mem>>) src(%dma_wait3A_93 : memref<10240x128xf32, #tpu.memory_space<hbm>>) dst(%dma_wait3A_87 : memref<128x128xf32, #tpu.memory_space<vmem>>)
      %run_scoped3A_94 = arith.constant 0 : i32
      "tpu.region"() ({
        %run_scoped3A_122 = tpu.sem_alloc : memref<!tpu.dma_semaphore, #tpu.memory_space<semaphore_mem>>
        %dma_start3A_123 = arith.constant 0 : i32
        %dma_start3A_124 = arith.constant 0 : i32
        %dma_start3A_125 = tpu.memref_slice %arg9[%run_scoped3A_94, %dma_start3A_123, %dma_start3A_124] : memref<2x128x128xf32, #tpu.memory_space<vmem>> -> memref<1x128x128xf32, #tpu.memory_space<vmem>>
        %dma_start3A_126 = tpu.memref_squeeze %dma_start3A_125 : memref<1x128x128xf32, #tpu.memory_space<vmem>> -> memref<128x128xf32, #tpu.memory_space<vmem>>
        %dma_start3A_127 = arith.constant 0 : i32
        %dma_start3A_128 = tpu.memref_slice %arg8[%mul3A_82, %dma_start3A_127] : memref<40x128xi32, #tpu.memory_space<vmem>> -> memref<1x128xi32, #tpu.memory_space<vmem>>
        %dma_start3A_129 = tpu.memref_squeeze %dma_start3A_128 : memref<1x128xi32, #tpu.memory_space<vmem>> -> memref<128xi32, #tpu.memory_space<vmem>>
        %dma_start3A_130 = arith.constant 0 : i32
        %dma_start3A_131 = arith.constant 0 : i32
        %dma_start3A_132 = tpu.memref_slice %arg10[%dma_start3A_130, %dma_start3A_131] : memref<10240x128xf32, #tpu.memory_space<vmem_shared>> -> memref<10240x128xf32, #tpu.memory_space<vmem_shared>>
        tpu.enqueue_indirect_dma source(%dma_start3A_126 : memref<128x128xf32, #tpu.memory_space<vmem>>) target(%dma_start3A_132 : memref<10240x128xf32, #tpu.memory_space<vmem_shared>>) offsets(%dma_start3A_129 : memref<128xi32, #tpu.memory_space<vmem>>) semaphore(%run_scoped3A_122 : memref<!tpu.dma_semaphore, #tpu.memory_space<semaphore_mem>>) {add = true}
        %dma_wait3A_133 = arith.constant 0 : i32
        %dma_wait3A_134 = arith.constant 0 : i32
        %dma_wait3A_135 = tpu.memref_slice %arg9[%run_scoped3A_94, %dma_wait3A_133, %dma_wait3A_134] : memref<2x128x128xf32, #tpu.memory_space<vmem>> -> memref<1x128x128xf32, #tpu.memory_space<vmem>>
        %dma_wait3A_136 = tpu.memref_squeeze %dma_wait3A_135 : memref<1x128x128xf32, #tpu.memory_space<vmem>> -> memref<128x128xf32, #tpu.memory_space<vmem>>
        %dma_wait3A_137 = arith.constant 0 : i32
        %dma_wait3A_138 = tpu.memref_slice %arg8[%mul3A_82, %dma_wait3A_137] : memref<40x128xi32, #tpu.memory_space<vmem>> -> memref<1x128xi32, #tpu.memory_space<vmem>>
        %dma_wait3A_139 = tpu.memref_squeeze %dma_wait3A_138 : memref<1x128xi32, #tpu.memory_space<vmem>> -> memref<128xi32, #tpu.memory_space<vmem>>
        %dma_wait3A_140 = arith.constant 0 : i32
        %dma_wait3A_141 = arith.constant 0 : i32
        %dma_wait3A_142 = tpu.memref_slice %arg10[%dma_wait3A_140, %dma_wait3A_141] : memref<10240x128xf32, #tpu.memory_space<vmem_shared>> -> memref<10240x128xf32, #tpu.memory_space<vmem_shared>>
        tpu.wait_indirect_dma semaphore(%run_scoped3A_122 : memref<!tpu.dma_semaphore, #tpu.memory_space<semaphore_mem>>) src(%dma_wait3A_136 : memref<128x128xf32, #tpu.memory_space<vmem>>) dst(%dma_wait3A_142 : memref<10240x128xf32, #tpu.memory_space<vmem_shared>>)
        tpu.yield
      }) : () -> ()
      %add3A_95 = arith.constant 2 : i32
      %add3A_96 = arith.addi %mul3A_82, %add3A_95 : i32
      %lt3A = arith.constant 39 : i32
      %lt3A_97 = arith.cmpi slt, %add3A_96, %lt3A : i32
      %convert_element_type3A = arith.extui %lt3A_97 : i1 to i32
      %cond3A = arith.constant 0 : i32
      %cond3A_98 = arith.cmpi ne, %convert_element_type3A, %cond3A : i32
      scf.if %cond3A_98 {
        %add3A_122 = arith.constant 2 : i32
        %add3A_123 = arith.addi %mul3A_82, %add3A_122 : i32
        %dma_start3A_124 = arith.constant 0 : i32
        %dma_start3A_125 = arith.constant 0 : i32
        %dma_start3A_126 = arith.constant 0 : i32
        %dma_start3A_127 = tpu.memref_slice %arg9[%dma_start3A_124, %dma_start3A_125, %dma_start3A_126] : memref<2x128x128xf32, #tpu.memory_space<vmem>> -> memref<1x128x128xf32, #tpu.memory_space<vmem>>
        %dma_start3A_128 = tpu.memref_squeeze %dma_start3A_127 : memref<1x128x128xf32, #tpu.memory_space<vmem>> -> memref<128x128xf32, #tpu.memory_space<vmem>>
        %dma_start3A_129 = arith.constant 0 : i32
        %dma_start3A_130 = tpu.memref_slice %arg7[%add3A_123, %dma_start3A_129] : memref<40x128xi32, #tpu.memory_space<vmem>> -> memref<1x128xi32, #tpu.memory_space<vmem>>
        %dma_start3A_131 = tpu.memref_squeeze %dma_start3A_130 : memref<1x128xi32, #tpu.memory_space<vmem>> -> memref<128xi32, #tpu.memory_space<vmem>>
        %dma_start3A_132 = arith.constant 0 : i32
        %dma_start3A_133 = arith.constant 0 : i32
        %dma_start3A_134 = tpu.memref_slice %arg2[%dma_start3A_132, %dma_start3A_133] : memref<10240x128xf32, #tpu.memory_space<hbm>> -> memref<10240x128xf32, #tpu.memory_space<hbm>>
        tpu.enqueue_indirect_dma source(%dma_start3A_134 : memref<10240x128xf32, #tpu.memory_space<hbm>>) target(%dma_start3A_128 : memref<128x128xf32, #tpu.memory_space<vmem>>) offsets(%dma_start3A_131 : memref<128xi32, #tpu.memory_space<vmem>>) semaphore(%arg11 : memref<!tpu.dma_semaphore, #tpu.memory_space<semaphore_mem>>)
      } else {
      }
      %mul3A_99 = arith.constant 2 : i32
      %mul3A_100 = arith.muli %scan3A_80, %mul3A_99 : i32
      %add3A_101 = arith.constant 1 : i32
      %add3A_102 = arith.addi %mul3A_100, %add3A_101 : i32
      %dma_wait3A_103 = arith.constant 1 : i32
      %dma_wait3A_104 = arith.constant 0 : i32
      %dma_wait3A_105 = arith.constant 0 : i32
      %dma_wait3A_106 = tpu.memref_slice %arg9[%dma_wait3A_103, %dma_wait3A_104, %dma_wait3A_105] : memref<2x128x128xf32, #tpu.memory_space<vmem>> -> memref<1x128x128xf32, #tpu.memory_space<vmem>>
      %dma_wait3A_107 = tpu.memref_squeeze %dma_wait3A_106 : memref<1x128x128xf32, #tpu.memory_space<vmem>> -> memref<128x128xf32, #tpu.memory_space<vmem>>
      %dma_wait3A_108 = arith.constant 0 : i32
      %dma_wait3A_109 = tpu.memref_slice %arg7[%add3A_102, %dma_wait3A_108] : memref<40x128xi32, #tpu.memory_space<vmem>> -> memref<1x128xi32, #tpu.memory_space<vmem>>
      %dma_wait3A_110 = tpu.memref_squeeze %dma_wait3A_109 : memref<1x128xi32, #tpu.memory_space<vmem>> -> memref<128xi32, #tpu.memory_space<vmem>>
      %dma_wait3A_111 = arith.constant 0 : i32
      %dma_wait3A_112 = arith.constant 0 : i32
      %dma_wait3A_113 = tpu.memref_slice %arg2[%dma_wait3A_111, %dma_wait3A_112] : memref<10240x128xf32, #tpu.memory_space<hbm>> -> memref<10240x128xf32, #tpu.memory_space<hbm>>
      tpu.wait_indirect_dma semaphore(%arg12 : memref<!tpu.dma_semaphore, #tpu.memory_space<semaphore_mem>>) src(%dma_wait3A_113 : memref<10240x128xf32, #tpu.memory_space<hbm>>) dst(%dma_wait3A_107 : memref<128x128xf32, #tpu.memory_space<vmem>>)
      %run_scoped3A_114 = arith.constant 1 : i32
      "tpu.region"() ({
        %run_scoped3A_122 = tpu.sem_alloc : memref<!tpu.dma_semaphore, #tpu.memory_space<semaphore_mem>>
        %dma_start3A_123 = arith.constant 0 : i32
        %dma_start3A_124 = arith.constant 0 : i32
        %dma_start3A_125 = tpu.memref_slice %arg9[%run_scoped3A_114, %dma_start3A_123, %dma_start3A_124] : memref<2x128x128xf32, #tpu.memory_space<vmem>> -> memref<1x128x128xf32, #tpu.memory_space<vmem>>
        %dma_start3A_126 = tpu.memref_squeeze %dma_start3A_125 : memref<1x128x128xf32, #tpu.memory_space<vmem>> -> memref<128x128xf32, #tpu.memory_space<vmem>>
        %dma_start3A_127 = arith.constant 0 : i32
        %dma_start3A_128 = tpu.memref_slice %arg8[%add3A_102, %dma_start3A_127] : memref<40x128xi32, #tpu.memory_space<vmem>> -> memref<1x128xi32, #tpu.memory_space<vmem>>
        %dma_start3A_129 = tpu.memref_squeeze %dma_start3A_128 : memref<1x128xi32, #tpu.memory_space<vmem>> -> memref<128xi32, #tpu.memory_space<vmem>>
        %dma_start3A_130 = arith.constant 0 : i32
        %dma_start3A_131 = arith.constant 0 : i32
        %dma_start3A_132 = tpu.memref_slice %arg10[%dma_start3A_130, %dma_start3A_131] : memref<10240x128xf32, #tpu.memory_space<vmem_shared>> -> memref<10240x128xf32, #tpu.memory_space<vmem_shared>>
        tpu.enqueue_indirect_dma source(%dma_start3A_126 : memref<128x128xf32, #tpu.memory_space<vmem>>) target(%dma_start3A_132 : memref<10240x128xf32, #tpu.memory_space<vmem_shared>>) offsets(%dma_start3A_129 : memref<128xi32, #tpu.memory_space<vmem>>) semaphore(%run_scoped3A_122 : memref<!tpu.dma_semaphore, #tpu.memory_space<semaphore_mem>>) {add = true}
        %dma_wait3A_133 = arith.constant 0 : i32
        %dma_wait3A_134 = arith.constant 0 : i32
        %dma_wait3A_135 = tpu.memref_slice %arg9[%run_scoped3A_114, %dma_wait3A_133, %dma_wait3A_134] : memref<2x128x128xf32, #tpu.memory_space<vmem>> -> memref<1x128x128xf32, #tpu.memory_space<vmem>>
        %dma_wait3A_136 = tpu.memref_squeeze %dma_wait3A_135 : memref<1x128x128xf32, #tpu.memory_space<vmem>> -> memref<128x128xf32, #tpu.memory_space<vmem>>
        %dma_wait3A_137 = arith.constant 0 : i32
        %dma_wait3A_138 = tpu.memref_slice %arg8[%add3A_102, %dma_wait3A_137] : memref<40x128xi32, #tpu.memory_space<vmem>> -> memref<1x128xi32, #tpu.memory_space<vmem>>
        %dma_wait3A_139 = tpu.memref_squeeze %dma_wait3A_138 : memref<1x128xi32, #tpu.memory_space<vmem>> -> memref<128xi32, #tpu.memory_space<vmem>>
        %dma_wait3A_140 = arith.constant 0 : i32
        %dma_wait3A_141 = arith.constant 0 : i32
        %dma_wait3A_142 = tpu.memref_slice %arg10[%dma_wait3A_140, %dma_wait3A_141] : memref<10240x128xf32, #tpu.memory_space<vmem_shared>> -> memref<10240x128xf32, #tpu.memory_space<vmem_shared>>
        tpu.wait_indirect_dma semaphore(%run_scoped3A_122 : memref<!tpu.dma_semaphore, #tpu.memory_space<semaphore_mem>>) src(%dma_wait3A_136 : memref<128x128xf32, #tpu.memory_space<vmem>>) dst(%dma_wait3A_142 : memref<10240x128xf32, #tpu.memory_space<vmem_shared>>)
        tpu.yield
      }) : () -> ()
      %add3A_115 = arith.constant 2 : i32
      %add3A_116 = arith.addi %add3A_102, %add3A_115 : i32
      %lt3A_117 = arith.constant 39 : i32
      %lt3A_118 = arith.cmpi slt, %add3A_116, %lt3A_117 : i32
      %convert_element_type3A_119 = arith.extui %lt3A_118 : i1 to i32
      %cond3A_120 = arith.constant 0 : i32
      %cond3A_121 = arith.cmpi ne, %convert_element_type3A_119, %cond3A_120 : i32
      scf.if %cond3A_121 {
        %add3A_122 = arith.constant 2 : i32
        %add3A_123 = arith.addi %add3A_102, %add3A_122 : i32
        %dma_start3A_124 = arith.constant 1 : i32
        %dma_start3A_125 = arith.constant 0 : i32
        %dma_start3A_126 = arith.constant 0 : i32
        %dma_start3A_127 = tpu.memref_slice %arg9[%dma_start3A_124, %dma_start3A_125, %dma_start3A_126] : memref<2x128x128xf32, #tpu.memory_space<vmem>> -> memref<1x128x128xf32, #tpu.memory_space<vmem>>
        %dma_start3A_128 = tpu.memref_squeeze %dma_start3A_127 : memref<1x128x128xf32, #tpu.memory_space<vmem>> -> memref<128x128xf32, #tpu.memory_space<vmem>>
        %dma_start3A_129 = arith.constant 0 : i32
        %dma_start3A_130 = tpu.memref_slice %arg7[%add3A_123, %dma_start3A_129] : memref<40x128xi32, #tpu.memory_space<vmem>> -> memref<1x128xi32, #tpu.memory_space<vmem>>
        %dma_start3A_131 = tpu.memref_squeeze %dma_start3A_130 : memref<1x128xi32, #tpu.memory_space<vmem>> -> memref<128xi32, #tpu.memory_space<vmem>>
        %dma_start3A_132 = arith.constant 0 : i32
        %dma_start3A_133 = arith.constant 0 : i32
        %dma_start3A_134 = tpu.memref_slice %arg2[%dma_start3A_132, %dma_start3A_133] : memref<10240x128xf32, #tpu.memory_space<hbm>> -> memref<10240x128xf32, #tpu.memory_space<hbm>>
        tpu.enqueue_indirect_dma source(%dma_start3A_134 : memref<10240x128xf32, #tpu.memory_space<hbm>>) target(%dma_start3A_128 : memref<128x128xf32, #tpu.memory_space<vmem>>) offsets(%dma_start3A_131 : memref<128xi32, #tpu.memory_space<vmem>>) semaphore(%arg12 : memref<!tpu.dma_semaphore, #tpu.memory_space<semaphore_mem>>)
      } else {
      }
    }
    %scan3A_62 = arith.constant 19 : i32
    %dma_wait3A = arith.constant 38 : i32
    %dma_wait3A_63 = arith.constant 0 : i32
    %dma_wait3A_64 = arith.constant 0 : i32
    %dma_wait3A_65 = arith.constant 0 : i32
    %dma_wait3A_66 = tpu.memref_slice %arg9[%dma_wait3A_63, %dma_wait3A_64, %dma_wait3A_65] : memref<2x128x128xf32, #tpu.memory_space<vmem>> -> memref<1x128x128xf32, #tpu.memory_space<vmem>>
    %dma_wait3A_67 = tpu.memref_squeeze %dma_wait3A_66 : memref<1x128x128xf32, #tpu.memory_space<vmem>> -> memref<128x128xf32, #tpu.memory_space<vmem>>
    %dma_wait3A_68 = arith.constant 0 : i32
    %dma_wait3A_69 = tpu.memref_slice %arg7[%dma_wait3A, %dma_wait3A_68] : memref<40x128xi32, #tpu.memory_space<vmem>> -> memref<1x128xi32, #tpu.memory_space<vmem>>
    %dma_wait3A_70 = tpu.memref_squeeze %dma_wait3A_69 : memref<1x128xi32, #tpu.memory_space<vmem>> -> memref<128xi32, #tpu.memory_space<vmem>>
    %dma_wait3A_71 = arith.constant 0 : i32
    %dma_wait3A_72 = arith.constant 0 : i32
    %dma_wait3A_73 = tpu.memref_slice %arg2[%dma_wait3A_71, %dma_wait3A_72] : memref<10240x128xf32, #tpu.memory_space<hbm>> -> memref<10240x128xf32, #tpu.memory_space<hbm>>
    tpu.wait_indirect_dma semaphore(%arg11 : memref<!tpu.dma_semaphore, #tpu.memory_space<semaphore_mem>>) src(%dma_wait3A_73 : memref<10240x128xf32, #tpu.memory_space<hbm>>) dst(%dma_wait3A_67 : memref<128x128xf32, #tpu.memory_space<vmem>>)
    %run_scoped3A = arith.constant 0 : i32
    %run_scoped3A_74 = arith.constant 38 : i32
    "tpu.region"() ({
      %run_scoped3A_80 = tpu.sem_alloc : memref<!tpu.dma_semaphore, #tpu.memory_space<semaphore_mem>>
      %dma_start3A_81 = arith.constant 0 : i32
      %dma_start3A_82 = arith.constant 0 : i32
      %dma_start3A_83 = tpu.memref_slice %arg9[%run_scoped3A, %dma_start3A_81, %dma_start3A_82] : memref<2x128x128xf32, #tpu.memory_space<vmem>> -> memref<1x128x128xf32, #tpu.memory_space<vmem>>
      %dma_start3A_84 = tpu.memref_squeeze %dma_start3A_83 : memref<1x128x128xf32, #tpu.memory_space<vmem>> -> memref<128x128xf32, #tpu.memory_space<vmem>>
      %dma_start3A_85 = arith.constant 0 : i32
      %dma_start3A_86 = tpu.memref_slice %arg8[%run_scoped3A_74, %dma_start3A_85] : memref<40x128xi32, #tpu.memory_space<vmem>> -> memref<1x128xi32, #tpu.memory_space<vmem>>
      %dma_start3A_87 = tpu.memref_squeeze %dma_start3A_86 : memref<1x128xi32, #tpu.memory_space<vmem>> -> memref<128xi32, #tpu.memory_space<vmem>>
      %dma_start3A_88 = arith.constant 0 : i32
      %dma_start3A_89 = arith.constant 0 : i32
      %dma_start3A_90 = tpu.memref_slice %arg10[%dma_start3A_88, %dma_start3A_89] : memref<10240x128xf32, #tpu.memory_space<vmem_shared>> -> memref<10240x128xf32, #tpu.memory_space<vmem_shared>>
      tpu.enqueue_indirect_dma source(%dma_start3A_84 : memref<128x128xf32, #tpu.memory_space<vmem>>) target(%dma_start3A_90 : memref<10240x128xf32, #tpu.memory_space<vmem_shared>>) offsets(%dma_start3A_87 : memref<128xi32, #tpu.memory_space<vmem>>) semaphore(%run_scoped3A_80 : memref<!tpu.dma_semaphore, #tpu.memory_space<semaphore_mem>>) {add = true}
      %dma_wait3A_91 = arith.constant 0 : i32
      %dma_wait3A_92 = arith.constant 0 : i32
      %dma_wait3A_93 = tpu.memref_slice %arg9[%run_scoped3A, %dma_wait3A_91, %dma_wait3A_92] : memref<2x128x128xf32, #tpu.memory_space<vmem>> -> memref<1x128x128xf32, #tpu.memory_space<vmem>>
      %dma_wait3A_94 = tpu.memref_squeeze %dma_wait3A_93 : memref<1x128x128xf32, #tpu.memory_space<vmem>> -> memref<128x128xf32, #tpu.memory_space<vmem>>
      %dma_wait3A_95 = arith.constant 0 : i32
      %dma_wait3A_96 = tpu.memref_slice %arg8[%run_scoped3A_74, %dma_wait3A_95] : memref<40x128xi32, #tpu.memory_space<vmem>> -> memref<1x128xi32, #tpu.memory_space<vmem>>
      %dma_wait3A_97 = tpu.memref_squeeze %dma_wait3A_96 : memref<1x128xi32, #tpu.memory_space<vmem>> -> memref<128xi32, #tpu.memory_space<vmem>>
      %dma_wait3A_98 = arith.constant 0 : i32
      %dma_wait3A_99 = arith.constant 0 : i32
      %dma_wait3A_100 = tpu.memref_slice %arg10[%dma_wait3A_98, %dma_wait3A_99] : memref<10240x128xf32, #tpu.memory_space<vmem_shared>> -> memref<10240x128xf32, #tpu.memory_space<vmem_shared>>
      tpu.wait_indirect_dma semaphore(%run_scoped3A_80 : memref<!tpu.dma_semaphore, #tpu.memory_space<semaphore_mem>>) src(%dma_wait3A_94 : memref<128x128xf32, #tpu.memory_space<vmem>>) dst(%dma_wait3A_100 : memref<10240x128xf32, #tpu.memory_space<vmem_shared>>)
      tpu.yield
    }) : () -> ()
    %barrier3A_75 = arith.constant 0 : index
    tpu.barrier barrier_id(%barrier3A_75)
    %mul3A_76 = arith.constant 640 : i32
    %mul3A_77 = arith.muli %arg1, %mul3A_76 : i32
    %mul3A_78 = arith.constant 640 : i32
    %mul3A_79 = arith.muli %arg1, %mul3A_78 : i32
    "tpu.region"() ({
      %run_scoped3A_80 = tpu.sem_alloc : memref<!tpu.dma_semaphore, #tpu.memory_space<semaphore_mem>>
      %dma_start3A_81 = arith.constant 0 : i32
      %dma_start3A_82 = tpu.memref_slice %arg6[%arg0, %mul3A_79, %dma_start3A_81] : memref<2x10240x128xf32, #tpu.memory_space<hbm>> -> memref<1x640x128xf32, #tpu.memory_space<hbm>>
      %dma_start3A_83 = tpu.memref_squeeze %dma_start3A_82 : memref<1x640x128xf32, #tpu.memory_space<hbm>> -> memref<640x128xf32, #tpu.memory_space<hbm>>
      %dma_start3A_84 = arith.constant 0 : i32
      %dma_start3A_85 = tpu.memref_slice %arg10[%mul3A_77, %dma_start3A_84] : memref<10240x128xf32, #tpu.memory_space<vmem_shared>> -> memref<640x128xf32, #tpu.memory_space<vmem_shared>>
      tpu.enqueue_dma source(%dma_start3A_85 : memref<640x128xf32, #tpu.memory_space<vmem_shared>>) target(%dma_start3A_83 : memref<640x128xf32, #tpu.memory_space<hbm>>) target_semaphore(%run_scoped3A_80 : memref<!tpu.dma_semaphore, #tpu.memory_space<semaphore_mem>>)
      %dma_wait3A_86 = arith.constant 0 : i32
      %dma_wait3A_87 = tpu.memref_slice %arg6[%arg0, %mul3A_79, %dma_wait3A_86] : memref<2x10240x128xf32, #tpu.memory_space<hbm>> -> memref<1x640x128xf32, #tpu.memory_space<hbm>>
      %dma_wait3A_88 = tpu.memref_squeeze %dma_wait3A_87 : memref<1x640x128xf32, #tpu.memory_space<hbm>> -> memref<640x128xf32, #tpu.memory_space<hbm>>
      %dma_wait3A_89 = arith.constant 0 : i32
      %dma_wait3A_90 = tpu.memref_slice %arg10[%mul3A_77, %dma_wait3A_89] : memref<10240x128xf32, #tpu.memory_space<vmem_shared>> -> memref<640x128xf32, #tpu.memory_space<vmem_shared>>
      tpu.wait_dma2 semaphore(%run_scoped3A_80 : memref<!tpu.dma_semaphore, #tpu.memory_space<semaphore_mem>>) src(%dma_wait3A_90 : memref<640x128xf32, #tpu.memory_space<vmem_shared>>) dst(%dma_wait3A_88 : memref<640x128xf32, #tpu.memory_space<hbm>>)
      tpu.yield
    }) : () -> ()
    return
  }
}

module attributes {stable_mosaic.version = 14 : i64} {
  func.func @_tc_pre_body(%arg0: i32, %arg1: memref<1024x128xf32, #tpu.memory_space<vmem>>, %arg2: memref<128x128xf32, #tpu.memory_space<vmem>>, %arg3: memref<1024x128xf32, #tpu.memory_space<vmem>>, %arg4: memref<1024x128xf32, #tpu.memory_space<vmem>>) attributes {dimension_semantics = [#tpu.dimension_semantics<arbitrary>], iteration_bounds = array<i64: 10>, scalar_prefetch = 0 : i64, scratch_operands = 0 : i64, tpu.core_type = #tpu.core_type<tc>, window_params = [{transform_indices = @transform_0, window_bounds = array<i64: 1024, 128>}, {pipeline_mode = #tpu.pipeline_mode<synchronous>, transform_indices = @transform_1, window_bounds = array<i64: 128, 128>}, {transform_indices = @transform_2, window_bounds = array<i64: 1024, 128>}, {transform_indices = @transform_3, window_bounds = array<i64: 1024, 128>}]} {
    %get3A = arith.constant 0 : index
    %get3A_0 = arith.constant 0 : index
    %get3A_1 = vector.load %arg3[%get3A, %get3A_0] : memref<1024x128xf32, #tpu.memory_space<vmem>>, vector<1024x128xf32>
    %get3A_2 = arith.constant 0 : index
    %get3A_3 = arith.constant 0 : index
    %get3A_4 = vector.load %arg1[%get3A_2, %get3A_3] : memref<1024x128xf32, #tpu.memory_space<vmem>>, vector<1024x128xf32>
    %get3A_5 = arith.constant 0 : index
    %get3A_6 = arith.constant 0 : index
    %get3A_7 = vector.load %arg2[%get3A_5, %get3A_6] : memref<128x128xf32, #tpu.memory_space<vmem>>, vector<128x128xf32>
    %dot_general3A = arith.constant dense<0.000000e+00> : vector<1024x128xf32>
    %dot_general3A_8 = tpu.matmul %get3A_4, %get3A_7, %dot_general3A {dimension_numbers = #tpu.dot_dimension_numbers<[1], [0], [0], [1], [0, 0, 1, 1], [], []>, transpose_lhs_hint = false} : vector<1024x128xf32>, vector<128x128xf32>, vector<1024x128xf32> -> vector<1024x128xf32>
    %mul3A = arith.mulf %get3A_1, %dot_general3A_8 : vector<1024x128xf32>
    %swap3A = arith.constant 0 : index
    %swap3A_9 = arith.constant 0 : index
    %swap3A_10 = vector.load %arg4[%swap3A, %swap3A_9] : memref<1024x128xf32, #tpu.memory_space<vmem>>, vector<1024x128xf32>
    tpu.vector_store %arg4[%swap3A, %swap3A_9], %mul3A {strides = array<i32>} : memref<1024x128xf32, #tpu.memory_space<vmem>>, vector<1024x128xf32>,
    return
  }
  func.func @transform_0(%arg0: i32) -> (i32, i32) {
    %c0_i32 = arith.constant 0 : i32
    %c0_i32_0 = arith.constant 0 : i32
    return %arg0, %c0_i32 : i32, i32
  }
  func.func @transform_1(%arg0: i32) -> (i32, i32) {
    %c0_i32 = arith.constant 0 : i32
    %c0_i32_0 = arith.constant 0 : i32
    %c0_i32_1 = arith.constant 0 : i32
    return %c0_i32, %c0_i32_0 : i32, i32
  }
  func.func @transform_2(%arg0: i32) -> (i32, i32) {
    %c0_i32 = arith.constant 0 : i32
    %c0_i32_0 = arith.constant 0 : i32
    return %arg0, %c0_i32 : i32, i32
  }
  func.func @transform_3(%arg0: i32) -> (i32, i32) {
    %c0_i32 = arith.constant 0 : i32
    %c0_i32_0 = arith.constant 0 : i32
    return %arg0, %c0_i32 : i32, i32
  }
}

module attributes {stable_mosaic.version = 14 : i64} {
  func.func @_tc_mid_body(%arg0: i32, %arg1: memref<2x1024x128xf32, #tpu.memory_space<vmem>>, %arg2: memref<1024x128xf32, #tpu.memory_space<vmem>>, %arg3: memref<1024x128xf32, #tpu.memory_space<vmem>>, %arg4: memref<1x128xf32, #tpu.memory_space<vmem>>, %arg5: memref<128x128xf32, #tpu.memory_space<vmem>>, %arg6: memref<1024x128xf32, #tpu.memory_space<vmem>>) attributes {dimension_semantics = [#tpu.dimension_semantics<arbitrary>], iteration_bounds = array<i64: 10>, scalar_prefetch = 0 : i64, scratch_operands = 0 : i64, tpu.core_type = #tpu.core_type<tc>, window_params = [{transform_indices = @transform_0, window_bounds = array<i64: 2, 1024, 128>}, {transform_indices = @transform_1, window_bounds = array<i64: 1024, 128>}, {transform_indices = @transform_2, window_bounds = array<i64: 1024, 128>}, {pipeline_mode = #tpu.pipeline_mode<synchronous>, transform_indices = @transform_3, window_bounds = array<i64: 1, 128>}, {pipeline_mode = #tpu.pipeline_mode<synchronous>, transform_indices = @transform_4, window_bounds = array<i64: 128, 128>}, {transform_indices = @transform_5, window_bounds = array<i64: 1024, 128>}]} {
    %get3A = arith.constant 0 : index
    %get3A_0 = arith.constant 0 : index
    %get3A_1 = vector.load %arg3[%get3A, %get3A_0] : memref<1024x128xf32, #tpu.memory_space<vmem>>, vector<1024x128xf32>
    %get3A_2 = arith.constant 0 : index
    %get3A_3 = arith.constant 0 : index
    %get3A_4 = arith.constant 0 : index
    %get3A_5 = vector.load %arg1[%get3A_2, %get3A_3, %get3A_4] : memref<2x1024x128xf32, #tpu.memory_space<vmem>>, vector<1x1024x128xf32>
    %get3A_6 = vector.shape_cast %get3A_5 : vector<1x1024x128xf32> to vector<1024x128xf32>
    %get3A_7 = arith.constant 1 : index
    %get3A_8 = arith.constant 0 : index
    %get3A_9 = arith.constant 0 : index
    %get3A_10 = vector.load %arg1[%get3A_7, %get3A_8, %get3A_9] : memref<2x1024x128xf32, #tpu.memory_space<vmem>>, vector<1x1024x128xf32>
    %get3A_11 = vector.shape_cast %get3A_10 : vector<1x1024x128xf32> to vector<1024x128xf32>
    %add3A = arith.addf %get3A_6, %get3A_11 : vector<1024x128xf32>
    %get3A_12 = arith.constant 0 : index
    %get3A_13 = arith.constant 0 : index
    %get3A_14 = vector.load %arg2[%get3A_12, %get3A_13] : memref<1024x128xf32, #tpu.memory_space<vmem>>, vector<1024x128xf32>
    %add3A_15 = arith.addf %add3A, %get3A_14 : vector<1024x128xf32>
    %mul3A = arith.mulf %get3A_1, %add3A_15 : vector<1024x128xf32>
    %get3A_16 = arith.constant 0 : index
    %get3A_17 = arith.constant 0 : index
    %get3A_18 = vector.load %arg4[%get3A_16, %get3A_17] : memref<1x128xf32, #tpu.memory_space<vmem>>, vector<1x128xf32>
    %add3A_19 = vector.broadcast %get3A_18 : vector<1x128xf32> to vector<1024x128xf32>
    %add3A_20 = arith.addf %mul3A, %add3A_19 : vector<1024x128xf32>
    %max3A = arith.constant 0.000000e+00 : f32
    %max3A_21 = vector.broadcast %max3A : f32 to vector<1024x128xf32>
    %max3A_22 = arith.maximumf %add3A_20, %max3A_21 : vector<1024x128xf32>
    %get3A_23 = arith.constant 0 : index
    %get3A_24 = arith.constant 0 : index
    %get3A_25 = vector.load %arg3[%get3A_23, %get3A_24] : memref<1024x128xf32, #tpu.memory_space<vmem>>, vector<1024x128xf32>
    %get3A_26 = arith.constant 0 : index
    %get3A_27 = arith.constant 0 : index
    %get3A_28 = vector.load %arg5[%get3A_26, %get3A_27] : memref<128x128xf32, #tpu.memory_space<vmem>>, vector<128x128xf32>
    %dot_general3A = arith.constant dense<0.000000e+00> : vector<1024x128xf32>
    %dot_general3A_29 = tpu.matmul %max3A_22, %get3A_28, %dot_general3A {dimension_numbers = #tpu.dot_dimension_numbers<[1], [0], [0], [1], [0, 0, 1, 1], [], []>, transpose_lhs_hint = false} : vector<1024x128xf32>, vector<128x128xf32>, vector<1024x128xf32> -> vector<1024x128xf32>
    %mul3A_30 = arith.mulf %get3A_25, %dot_general3A_29 : vector<1024x128xf32>
    %swap3A = arith.constant 0 : index
    %swap3A_31 = arith.constant 0 : index
    %swap3A_32 = vector.load %arg6[%swap3A, %swap3A_31] : memref<1024x128xf32, #tpu.memory_space<vmem>>, vector<1024x128xf32>
    tpu.vector_store %arg6[%swap3A, %swap3A_31], %mul3A_30 {strides = array<i32>} : memref<1024x128xf32, #tpu.memory_space<vmem>>, vector<1024x128xf32>,
    return
  }
  func.func @transform_0(%arg0: i32) -> (i32, i32, i32) {
    %c0_i32 = arith.constant 0 : i32
    %c0_i32_0 = arith.constant 0 : i32
    %c0_i32_1 = arith.constant 0 : i32
    return %c0_i32, %arg0, %c0_i32_0 : i32, i32, i32
  }
  func.func @transform_1(%arg0: i32) -> (i32, i32) {
    %c0_i32 = arith.constant 0 : i32
    %c0_i32_0 = arith.constant 0 : i32
    return %arg0, %c0_i32 : i32, i32
  }
  func.func @transform_2(%arg0: i32) -> (i32, i32) {
    %c0_i32 = arith.constant 0 : i32
    %c0_i32_0 = arith.constant 0 : i32
    return %arg0, %c0_i32 : i32, i32
  }
  func.func @transform_3(%arg0: i32) -> (i32, i32) {
    %c0_i32 = arith.constant 0 : i32
    %c0_i32_0 = arith.constant 0 : i32
    %c0_i32_1 = arith.constant 0 : i32
    return %c0_i32, %c0_i32_0 : i32, i32
  }
  func.func @transform_4(%arg0: i32) -> (i32, i32) {
    %c0_i32 = arith.constant 0 : i32
    %c0_i32_0 = arith.constant 0 : i32
    %c0_i32_1 = arith.constant 0 : i32
    return %c0_i32, %c0_i32_0 : i32, i32
  }
  func.func @transform_5(%arg0: i32) -> (i32, i32) {
    %c0_i32 = arith.constant 0 : i32
    %c0_i32_0 = arith.constant 0 : i32
    return %arg0, %c0_i32 : i32, i32
  }
}

module attributes {stable_mosaic.version = 14 : i64} {
  func.func @_tc_final_body(%arg0: i32, %arg1: memref<2x1024x128xf32, #tpu.memory_space<vmem>>, %arg2: memref<1024x128xf32, #tpu.memory_space<vmem>>, %arg3: memref<1024x128xf32, #tpu.memory_space<vmem>>, %arg4: memref<1x128xf32, #tpu.memory_space<vmem>>, %arg5: memref<1x1024xi32, #tpu.memory_space<vmem>>, %arg6: memref<128x10xf32, #tpu.memory_space<vmem>>, %arg7: memref<1x10xf32, #tpu.memory_space<vmem>>, %arg8: memref<128x10xf32, #tpu.memory_space<vmem>>, %arg9: memref<128x128xf32, #tpu.memory_space<vmem>>, %arg10: memref<128x128xf32, #tpu.memory_space<vmem>>) attributes {dimension_semantics = [#tpu.dimension_semantics<arbitrary>], iteration_bounds = array<i64: 10>, scalar_prefetch = 0 : i64, scratch_operands = 2 : i64, tpu.core_type = #tpu.core_type<tc>, window_params = [{transform_indices = @transform_0, window_bounds = array<i64: 2, 1024, 128>}, {transform_indices = @transform_1, window_bounds = array<i64: 1024, 128>}, {transform_indices = @transform_2, window_bounds = array<i64: 1024, 128>}, {pipeline_mode = #tpu.pipeline_mode<synchronous>, transform_indices = @transform_3, window_bounds = array<i64: 1, 128>}, {transform_indices = @transform_4, window_bounds = array<i64: 1, 1024>}, {pipeline_mode = #tpu.pipeline_mode<synchronous>, transform_indices = @transform_5, window_bounds = array<i64: 128, 10>}, {pipeline_mode = #tpu.pipeline_mode<synchronous>, transform_indices = @transform_6, window_bounds = array<i64: 1, 10>}, {pipeline_mode = #tpu.pipeline_mode<synchronous>, transform_indices = @transform_7, window_bounds = array<i64: 128, 10>}]} {
    %eq3A = arith.constant 0 : i32
    %eq3A_0 = arith.cmpi eq, %arg0, %eq3A : i32
    %convert_element_type3A = arith.extui %eq3A_0 : i1 to i32
    %cond3A = arith.constant 0 : i32
    %cond3A_1 = arith.cmpi ne, %convert_element_type3A, %cond3A : i32
    scf.if %cond3A_1 {
      %broadcast_in_dim3A_55 = arith.constant 0.000000e+00 : f32
      %broadcast_in_dim3A_56 = vector.broadcast %broadcast_in_dim3A_55 : f32 to vector<128x128xf32>
      %swap3A_57 = arith.constant 0 : index
      %swap3A_58 = arith.constant 0 : index
      %swap3A_59 = vector.load %arg9[%swap3A_57, %swap3A_58] : memref<128x128xf32, #tpu.memory_space<vmem>>, vector<128x128xf32>
      tpu.vector_store %arg9[%swap3A_57, %swap3A_58], %broadcast_in_dim3A_56 {strides = array<i32>} : memref<128x128xf32, #tpu.memory_space<vmem>>, vector<128x128xf32>,
      %broadcast_in_dim3A_60 = arith.constant 0.000000e+00 : f32
      %broadcast_in_dim3A_61 = vector.broadcast %broadcast_in_dim3A_60 : f32 to vector<128x128xf32>
      %swap3A_62 = arith.constant 0 : index
      %swap3A_63 = arith.constant 0 : index
      %swap3A_64 = vector.load %arg10[%swap3A_62, %swap3A_63] : memref<128x128xf32, #tpu.memory_space<vmem>>, vector<128x128xf32>
      tpu.vector_store %arg10[%swap3A_62, %swap3A_63], %broadcast_in_dim3A_61 {strides = array<i32>} : memref<128x128xf32, #tpu.memory_space<vmem>>, vector<128x128xf32>,
    } else {
    }
    %get3A = arith.constant 0 : index
    %get3A_2 = arith.constant 0 : index
    %get3A_3 = vector.load %arg3[%get3A, %get3A_2] : memref<1024x128xf32, #tpu.memory_space<vmem>>, vector<1024x128xf32>
    %get3A_4 = arith.constant 0 : index
    %get3A_5 = arith.constant 0 : index
    %get3A_6 = arith.constant 0 : index
    %get3A_7 = vector.load %arg1[%get3A_4, %get3A_5, %get3A_6] : memref<2x1024x128xf32, #tpu.memory_space<vmem>>, vector<1x1024x128xf32>
    %get3A_8 = vector.shape_cast %get3A_7 : vector<1x1024x128xf32> to vector<1024x128xf32>
    %get3A_9 = arith.constant 1 : index
    %get3A_10 = arith.constant 0 : index
    %get3A_11 = arith.constant 0 : index
    %get3A_12 = vector.load %arg1[%get3A_9, %get3A_10, %get3A_11] : memref<2x1024x128xf32, #tpu.memory_space<vmem>>, vector<1x1024x128xf32>
    %get3A_13 = vector.shape_cast %get3A_12 : vector<1x1024x128xf32> to vector<1024x128xf32>
    %add3A = arith.addf %get3A_8, %get3A_13 : vector<1024x128xf32>
    %get3A_14 = arith.constant 0 : index
    %get3A_15 = arith.constant 0 : index
    %get3A_16 = vector.load %arg2[%get3A_14, %get3A_15] : memref<1024x128xf32, #tpu.memory_space<vmem>>, vector<1024x128xf32>
    %add3A_17 = arith.addf %add3A, %get3A_16 : vector<1024x128xf32>
    %mul3A = arith.mulf %get3A_3, %add3A_17 : vector<1024x128xf32>
    %get3A_18 = arith.constant 0 : index
    %get3A_19 = arith.constant 0 : index
    %get3A_20 = vector.load %arg4[%get3A_18, %get3A_19] : memref<1x128xf32, #tpu.memory_space<vmem>>, vector<1x128xf32>
    %add3A_21 = vector.broadcast %get3A_20 : vector<1x128xf32> to vector<1024x128xf32>
    %add3A_22 = arith.addf %mul3A, %add3A_21 : vector<1024x128xf32>
    %max3A = arith.constant 0.000000e+00 : f32
    %max3A_23 = vector.broadcast %max3A : f32 to vector<1024x128xf32>
    %max3A_24 = arith.maximumf %add3A_22, %max3A_23 : vector<1024x128xf32>
    %iota3A = tpu.iota {dimensions = array<i32: 0>} : vector<128x1024xi32>
    %get3A_25 = arith.constant 0 : index
    %get3A_26 = arith.constant 0 : index
    %get3A_27 = vector.load %arg5[%get3A_25, %get3A_26] : memref<1x1024xi32, #tpu.memory_space<vmem>>, vector<1x1024xi32>
    %eq3A_28 = vector.broadcast %get3A_27 : vector<1x1024xi32> to vector<128x1024xi32>
    %eq3A_29 = arith.cmpi eq, %iota3A, %eq3A_28 : vector<128x1024xi32>
    %jit3A = arith.constant 1.000000e+00 : f32
    %jit3A_30 = arith.constant 0.000000e+00 : f32
    %broadcast_in_dim3A = vector.broadcast %jit3A : f32 to vector<128x1024xf32>
    %broadcast_in_dim3A_31 = vector.broadcast %jit3A_30 : f32 to vector<128x1024xf32>
    %select_n3A = arith.select %eq3A_29, %broadcast_in_dim3A, %broadcast_in_dim3A_31 : vector<128x1024xi1>, vector<128x1024xf32>
    %get3A_32 = arith.constant 0 : index
    %get3A_33 = arith.constant 0 : index
    %get3A_34 = vector.load %arg9[%get3A_32, %get3A_33] : memref<128x128xf32, #tpu.memory_space<vmem>>, vector<128x128xf32>
    %dot_general3A = arith.constant dense<0.000000e+00> : vector<128x128xf32>
    %dot_general3A_35 = tpu.matmul %select_n3A, %max3A_24, %dot_general3A {dimension_numbers = #tpu.dot_dimension_numbers<[1], [0], [0], [1], [0, 0, 1, 1], [], []>, transpose_lhs_hint = false} : vector<128x1024xf32>, vector<1024x128xf32>, vector<128x128xf32> -> vector<128x128xf32>
    %add3A_36 = arith.addf %get3A_34, %dot_general3A_35 : vector<128x128xf32>
    %swap3A = arith.constant 0 : index
    %swap3A_37 = arith.constant 0 : index
    %swap3A_38 = vector.load %arg9[%swap3A, %swap3A_37] : memref<128x128xf32, #tpu.memory_space<vmem>>, vector<128x128xf32>
    tpu.vector_store %arg9[%swap3A, %swap3A_37], %add3A_36 {strides = array<i32>} : memref<128x128xf32, #tpu.memory_space<vmem>>, vector<128x128xf32>,
    %get3A_39 = arith.constant 0 : index
    %get3A_40 = arith.constant 0 : index
    %get3A_41 = vector.load %arg10[%get3A_39, %get3A_40] : memref<128x128xf32, #tpu.memory_space<vmem>>, vector<128x128xf32>
    %broadcast_in_dim3A_42 = arith.constant 1.000000e+00 : f32
    %broadcast_in_dim3A_43 = vector.broadcast %broadcast_in_dim3A_42 : f32 to vector<1024x128xf32>
    %dot_general3A_44 = arith.constant dense<0.000000e+00> : vector<128x128xf32>
    %dot_general3A_45 = tpu.matmul %select_n3A, %broadcast_in_dim3A_43, %dot_general3A_44 {dimension_numbers = #tpu.dot_dimension_numbers<[1], [0], [0], [1], [0, 0, 1, 1], [], []>, transpose_lhs_hint = false} : vector<128x1024xf32>, vector<1024x128xf32>, vector<128x128xf32> -> vector<128x128xf32>
    %add3A_46 = arith.addf %get3A_41, %dot_general3A_45 : vector<128x128xf32>
    %swap3A_47 = arith.constant 0 : index
    %swap3A_48 = arith.constant 0 : index
    %swap3A_49 = vector.load %arg10[%swap3A_47, %swap3A_48] : memref<128x128xf32, #tpu.memory_space<vmem>>, vector<128x128xf32>
    tpu.vector_store %arg10[%swap3A_47, %swap3A_48], %add3A_46 {strides = array<i32>} : memref<128x128xf32, #tpu.memory_space<vmem>>, vector<128x128xf32>,
    %eq3A_50 = arith.constant 9 : i32
    %eq3A_51 = arith.cmpi eq, %arg0, %eq3A_50 : i32
    %convert_element_type3A_52 = arith.extui %eq3A_51 : i1 to i32
    %cond3A_53 = arith.constant 0 : i32
    %cond3A_54 = arith.cmpi ne, %convert_element_type3A_52, %cond3A_53 : i32
    scf.if %cond3A_54 {
      %get3A_55 = arith.constant 0 : index
      %get3A_56 = arith.constant 0 : index
      %get3A_57 = vector.load %arg9[%get3A_55, %get3A_56] : memref<128x128xf32, #tpu.memory_space<vmem>>, vector<128x128xf32>
      %get3A_58 = arith.constant 0 : index
      %get3A_59 = arith.constant 0 : index
      %get3A_60 = vector.load %arg10[%get3A_58, %get3A_59] : memref<128x128xf32, #tpu.memory_space<vmem>>, vector<128x128xf32>
      %max3A_61 = arith.constant 1.000000e+00 : f32
      %max3A_62 = vector.broadcast %max3A_61 : f32 to vector<128x128xf32>
      %max3A_63 = arith.maximumf %get3A_60, %max3A_62 : vector<128x128xf32>
      %div3A = arith.divf %get3A_57, %max3A_63 : vector<128x128xf32>
      %get3A_64 = arith.constant 0 : index
      %get3A_65 = arith.constant 0 : index
      %get3A_66 = vector.load %arg6[%get3A_64, %get3A_65] : memref<128x10xf32, #tpu.memory_space<vmem>>, vector<128x10xf32>
      %dot_general3A_67 = arith.constant dense<0.000000e+00> : vector<128x10xf32>
      %dot_general3A_68 = tpu.matmul %div3A, %get3A_66, %dot_general3A_67 {dimension_numbers = #tpu.dot_dimension_numbers<[1], [0], [0], [1], [0, 0, 1, 1], [], []>, transpose_lhs_hint = false} : vector<128x128xf32>, vector<128x10xf32>, vector<128x10xf32> -> vector<128x10xf32>
      %get3A_69 = arith.constant 0 : index
      %get3A_70 = arith.constant 0 : index
      %get3A_71 = vector.load %arg7[%get3A_69, %get3A_70] : memref<1x10xf32, #tpu.memory_space<vmem>>, vector<1x10xf32>
      %add3A_72 = vector.broadcast %get3A_71 : vector<1x10xf32> to vector<128x10xf32>
      %add3A_73 = arith.addf %dot_general3A_68, %add3A_72 : vector<128x10xf32>
      %swap3A_74 = arith.constant 0 : index
      %swap3A_75 = arith.constant 0 : index
      %swap3A_76 = vector.load %arg8[%swap3A_74, %swap3A_75] : memref<128x10xf32, #tpu.memory_space<vmem>>, vector<128x10xf32>
      tpu.vector_store %arg8[%swap3A_74, %swap3A_75], %add3A_73 {strides = array<i32>} : memref<128x10xf32, #tpu.memory_space<vmem>>, vector<128x10xf32>,
    } else {
    }
    return
  }
  func.func @transform_0(%arg0: i32) -> (i32, i32, i32) {
    %c0_i32 = arith.constant 0 : i32
    %c0_i32_0 = arith.constant 0 : i32
    %c0_i32_1 = arith.constant 0 : i32
    return %c0_i32, %arg0, %c0_i32_0 : i32, i32, i32
  }
  func.func @transform_1(%arg0: i32) -> (i32, i32) {
    %c0_i32 = arith.constant 0 : i32
    %c0_i32_0 = arith.constant 0 : i32
    return %arg0, %c0_i32 : i32, i32
  }
  func.func @transform_2(%arg0: i32) -> (i32, i32) {
    %c0_i32 = arith.constant 0 : i32
    %c0_i32_0 = arith.constant 0 : i32
    return %arg0, %c0_i32 : i32, i32
  }
  func.func @transform_3(%arg0: i32) -> (i32, i32) {
    %c0_i32 = arith.constant 0 : i32
    %c0_i32_0 = arith.constant 0 : i32
    %c0_i32_1 = arith.constant 0 : i32
    return %c0_i32, %c0_i32_0 : i32, i32
  }
  func.func @transform_4(%arg0: i32) -> (i32, i32) {
    %c0_i32 = arith.constant 0 : i32
    %c0_i32_0 = arith.constant 0 : i32
    return %c0_i32, %arg0 : i32, i32
  }
  func.func @transform_5(%arg0: i32) -> (i32, i32) {
    %c0_i32 = arith.constant 0 : i32
    %c0_i32_0 = arith.constant 0 : i32
    %c0_i32_1 = arith.constant 0 : i32
    return %c0_i32, %c0_i32_0 : i32, i32
  }
  func.func @transform_6(%arg0: i32) -> (i32, i32) {
    %c0_i32 = arith.constant 0 : i32
    %c0_i32_0 = arith.constant 0 : i32
    %c0_i32_1 = arith.constant 0 : i32
    return %c0_i32, %c0_i32_0 : i32, i32
  }
  func.func @transform_7(%arg0: i32) -> (i32, i32) {
    %c0_i32 = arith.constant 0 : i32
    %c0_i32_0 = arith.constant 0 : i32
    %c0_i32_1 = arith.constant 0 : i32
    return %c0_i32, %c0_i32_0 : i32, i32
  }
}

</mosaic_0001>

<sc_bundles>
// kernel: kernel.10.cloned.1.call-start
scs
__scs_entry_jumppad:
0x0: {  	(pc) =	sbr.rel $0x88, $3  }
0x1: {  	(tag) =	ssettag $0x0;
	lr =	simm.s32 $0x1  }
0x2: {  	[smem:$0x3F96] =	sst lr;
	_ =	strace $0xD0000000  }
0x3: {  	_ = 	snop  }
0x4: {  	_ = 	snop  }
0x5: {  	_ = 	snop  }
0x6: {  	_ = 	snop  }
0x7: {  	_ = 	snop  }
__scs_overlays_trampoline_lowered:
0x8: {  	[smem:$0x3FA5] =	sst s0  }
0x9: {  	[smem:$0x3FA6] =	sst s1  }
0xa: {  	[smem:$0x3FA7] =	sst s2  }
0xb: {  	[smem:$0x3FA8] =	sst s3  }
0xc: {  	[smem:$0x3FA9] =	sst s4  }
0xd: {  	[smem:$0x3FAA] =	sst s5  }
0xe: {  	[smem:$0x3FAB] =	sst s6  }
0xf: {  	[smem:$0x3FAC] =	sst s7  }
0x10: {  	[smem:$0x3FAD] =	sst s8  }
0x11: {  	[smem:$0x3FAE] =	sst s9;
	s0 =	simm.s32 @!p0 $0x0  }
0x12: {  	s1 =	sld [smem:$0x3F94];
	s0 =	simm.s32 @p0 $0x1  }
0x13: {  	[smem:$0x3FAF] =	sst s0;
	s0 =	simm.s32 @!p1 $0x0  }
0x14: {  	s2 =	sld [smem:$0x3F93];
	s0 =	simm.s32 @p1 $0x1  }
0x15: {  	[smem:$0x3FB0] =	sst s0;
	s0 =	simm.s32 @!p2 $0x0  }
0x16: {  	s3 =	sld [smem:$0x3FDB];
	s0 =	simm.s32 @p2 $0x1  }
0x17: {  	s4 =	simm.s32 $0x1BF5;
	[smem:$0x3FB2] =	sst s0  }
0x18: {  	s0 =	sld [smem:$0x3F95];
	_ =	swait.ge [sflag:s4], $0x0  }
0x19: {  	s7 =	sld [smem:$0x3F96]  }
0x1a: {  	s8 =	sadd.s32 $0xFFFFE003, lr  }
0x1b: {  	s9 =	sadd.s32 $0xFFFFFEF7, lr;
	s5 =	simm.s32 $0xFFFFFFFF;
	p2 =	slt.u32 s8, $0xFFFFF086  }
0x1c: {  	p1 =	slt.u32 s9, $0xF7A;
	s5 =	simm.s32 @!p2 $0x0  }
0x1d: {  	s5 =	simm.s32 @p1 $0x1;
	p0 =	seq.s32 s7, s2  }
0x1e: {  	s7 =	smul.u32 @!p0 $0xF7A, s2;
	p2 =	seq.s32 @!p0 s5, $0x0  }
0x1f: {  	s9 =	smul.u32 $0xF7A, s1;
	s8 =	simm.s32 @!p0 $0x1BF5;
	p2 =	por !p2, p0  }
0x20: {  	[sflag:s8] =	ssyncset.s32 @!p0 $0xFFFFF086;
	s6 =	sadd.s32 @!p0 s3, s7;
	s7 =	simm.s32 @!p0 $0x108  }
0x21: {  	s3 =	sadd.s32 s3, s9;
	s6 =	sadd.s32 @!p0 $0x88, s6;
	s7 =	simm.s32 @p2 $0x1082  }
0x22: {  	[simem:s7], [sflag:s8] =	dma.local @!p0 [hbm:s6], $0xF7A  }
0x23: {  	s9 =	sor.u32 $0xD0000000, s2;
	s6 =	simm.s32 $0x108;
	_ =	swait.ge @!p0 [sflag:s8], $0x0  }
0x24: {  	s3 =	sadd.s32 $0x88, s3;
	s6 =	simm.s32 @!p1 $0x1082;
	[sflag:s4] =	ssyncset.s32 $0xFFFFF086  }
0x25: {  	[simem:s6], [sflag:s4] =	dma.local [hbm:s3], $0xF7A  }
0x26: {  	[smem:$0x3F96] =	sst s1;
	(tag) =	ssettag s2;
	_ =	strace s9  }
0x27: {  	s1 =	sld [smem:$0x3FA6]  }
0x28: {  	s2 =	sld [smem:$0x3FA7]  }
0x29: {  	s4 =	sld [smem:$0x3FA9]  }
0x2a: {  	p0 =	seq.s32 s5, $0x0;
	s5 =	sld [smem:$0x3FAA]  }
0x2b: {  	s6 =	sld [smem:$0x3FAB]  }
0x2c: {  	s7 =	sld [smem:$0x3FAC]  }
0x2d: {  	s3 =	simm.s32 $0x108;
	s8 =	sld [smem:$0x3FAD]  }
0x2e: {  	s3 =	simm.s32 @!p0 $0x1082;
	s9 =	sld [smem:$0x3FAE]  }
0x2f: {  	lr =	sadd.s32 s0, s3;
	s0 =	sld [smem:$0x3FA5]  }
0x30: {  	s3 =	sld [smem:$0x3FA8]  }
0x31: {  	[smem:$0x3FB1] =	sst s10  }
0x32: {  	s10 =	sld [smem:$0x3FAF];
	_ =	sdelay $0x3  }
0x33: {  	p0 =	seq.s32 s10, $0x1;
	s10 =	sld [smem:$0x3FB1];
	_ =	sdelay $0x3  }
0x34: {  	[smem:$0x3FB1] =	sst s10  }
0x35: {  	s10 =	sld [smem:$0x3FB0];
	_ =	sdelay $0x3  }
0x36: {  	p1 =	seq.s32 s10, $0x1;
	s10 =	sld [smem:$0x3FB1];
	_ =	sdelay $0x3  }
0x37: {  	[smem:$0x3FB1] =	sst s10  }
0x38: {  	s10 =	sld [smem:$0x3FB2]  }
0x39: {  	_ = 	snop;
	(pc) =	sbr.ind lr, $3  }
0x3a: {  	_ = 	snop  }
0x3b: {  	_ = 	snop  }
0x3c: {  	p2 =	seq.s32 s10, $0x1;
	s10 =	sld [smem:$0x3FB1]  }
0x3d: {  	_ =	shalt  }
0x3e: {  	_ =	shalt  }
0x3f: {  	_ =	shalt  }
0x40: {  	_ =	shalt  }
0x41: {  	_ =	shalt  }
0x42: {  	_ =	shalt  }
0x43: {  	_ =	shalt  }
0x44: {  	_ =	shalt  }
0x45: {  	_ =	shalt  }
0x46: {  	_ =	shalt  }
0x47: {  	_ =	shalt  }
0x48: {  	_ =	shalt  }
0x49: {  	_ =	shalt  }
0x4a: {  	_ =	shalt  }
0x4b: {  	_ =	shalt  }
0x4c: {  	_ =	shalt  }
0x4d: {  	_ =	shalt  }
0x4e: {  	_ =	shalt  }
0x4f: {  	_ =	shalt  }
0x50: {  	_ =	shalt  }
0x51: {  	_ =	shalt  }
0x52: {  	_ =	shalt  }
0x53: {  	_ =	shalt  }
0x54: {  	_ =	shalt  }
0x55: {  	_ =	shalt  }
0x56: {  	_ =	shalt  }
0x57: {  	_ =	shalt  }
0x58: {  	_ =	shalt  }
0x59: {  	_ =	shalt  }
0x5a: {  	_ =	shalt  }
0x5b: {  	_ =	shalt  }
0x5c: {  	_ =	shalt  }
0x5d: {  	_ =	shalt  }
0x5e: {  	_ =	shalt  }
0x5f: {  	_ =	shalt  }
0x60: {  	_ =	shalt  }
0x61: {  	_ =	shalt  }
0x62: {  	_ =	shalt  }
0x63: {  	_ =	shalt  }
0x64: {  	_ =	shalt  }
0x65: {  	_ =	shalt  }
0x66: {  	_ =	shalt  }
0x67: {  	_ =	shalt  }
0x68: {  	_ =	shalt  }
0x69: {  	_ =	shalt  }
0x6a: {  	_ =	shalt  }
0x6b: {  	_ =	shalt  }
0x6c: {  	_ =	shalt  }
0x6d: {  	_ =	shalt  }
0x6e: {  	_ =	shalt  }
0x6f: {  	_ =	shalt  }
0x70: {  	_ =	shalt  }
0x71: {  	_ =	shalt  }
0x72: {  	_ =	shalt  }
0x73: {  	_ =	shalt  }
0x74: {  	_ =	shalt  }
0x75: {  	_ =	shalt  }
0x76: {  	_ =	shalt  }
0x77: {  	_ =	shalt  }
0x78: {  	_ =	shalt  }
0x79: {  	_ =	shalt  }
0x7a: {  	_ =	shalt  }
0x7b: {  	_ =	shalt  }
0x7c: {  	_ =	shalt  }
0x7d: {  	_ =	shalt  }
0x7e: {  	_ =	shalt  }
0x7f: {  	_ =	shalt  }
0x80: {  	_ =	shalt  }
0x81: {  	_ =	shalt  }
0x82: {  	_ =	shalt  }
0x83: {  	_ =	shalt  }
0x84: {  	_ =	shalt  }
0x85: {  	_ =	shalt  }
0x86: {  	_ =	shalt  }
0x87: {  	_ =	shalt  }
.Lfunc_end0:
.L_simem_size_0:
called_computation_lowered:
.L_overlay_start_0:
0x88: {  	s2 =	sld [smem:$0x3FD9]  }
0x89: {  	s3 =	sld [smem:$0x3FFE];
	_ =	sdelay $0x1  }
0x8a: {  	s1 =	srdreg.scid  }
0x8b: {  	s0 =	sand.u32 $0x1, s1  }
0x8c: {  	s16 =	sshll.u32 s0, $0xA;
	s2 =	sadd.s32 s3, s2  }
0x8d: {  	s2 =	sadd.s32 s2, s16  }
0x8e: {  	[smem:$0x3FBD] =	sst s2  }
0x8f: {  	_ = 	snop  }
0x90: {  	(tm) =	ssettm $0x1  }
0x91: {  	s17 =	sld [smem:$0x3FFB];
	_ =	sdelay $0x3  }
0x92: {  	_ =	strace s17  }
0x93: {  	s2 =	sld [smem:$0x3FFC];
	_ =	sdelay $0x3  }
0x94: {  	_ =	strace s2  }
0x95: {  	s2 =	sld [smem:$0x3FFD];
	_ =	sdelay $0x3  }
0x96: {  	_ =	strace s2  }
0x97: {  	_ =	strace $0x8FFFFFFF  }
0x98: {  	s18 =	sld [smem:$0x3FDB];
	_ =	sdelay $0x1  }
0x99: {  	s19 =	simm.s32 $_scs_section_size  }
0x9a: {  	s4 =	simm.s32 $_size__tile_overlayer_lowered;
	s5 =	simm.s32 $_tile_overlayer_lowered  }
0x9b: {  	s22 =	simm.s32 $0x1BFF;
	s21 =	sshll.u32 s5, $0x1;
	s2 =	sadd.s32 s19, s18  }
0x9c: {  	s6 =	simm.s32 $0x0;
	s20 =	sshll.u32 s4, $0x1;
	s4 =	sadd.s32 s21, s2  }
0x9d: {  	[timem:s6], [sflag:s22] =	dma.local [hbm:s4], s20  }
0x9e: {  	_ =	swait.ge [sflag:s22], s20  }
0x9f: {  	s3 =	ssub.s32 $0x0, s20;
	[sflag:s22] =	ssyncset.done $0x0  }
0xa0: {  	[sflag:s22] =	ssyncadd.s32 s3;
	_ =	sdelay $0x1  }
0xa1: {  	s23 =	simm.s32 $0x1B8B  }
0xa2: {  	_ =	swait.ge [sflag:s23], $0x1  }
0xa3: {  	[sflag:s23] =	ssyncset.done $0x0  }
0xa4: {  	s25 =	simm.s32 $0x1B8E;
	s24 =	sld [smem:$0x3FFE];
	[sflag:s23] =	ssyncadd.s32 $0xFFFFFFFF  }
0xa5: {  	s26 =	simm.s32 $execute0_lowered;
	[smem:$0x3FD2] =	sst s25  }
0xa6: {  	s4 =	sshll.u32 s26, $0x1;
	_ =	strace $0x80000046;
	[dreg:$0x1] =	wrdreg $0xFFFFFFFF  }
0xa7: {  	s28 =	simm.s32 $_size_execute0_lowered;
	s2 =	sadd.s32 s2, s4;
	[dreg:$0x0] =	wrdreg $0x0  }
0xa8: {  	s4 =	sshll.u32 s28, $0x1;
	[dreg:$0x2] =	wrdreg s2  }
0xa9: {  	[dreg:$0x3] =	wrdreg s4  }
0xaa: {  	[dreg:$0x4] =	wrdreg $0xC0  }
0xab: {  	_ =	task [dreg:s6], $0x5FFFF  }
0xac: {  	[dreg:$0x1] =	wrdreg $0xFFFFFFFF  }
0xad: {  	[dreg:$0x0] =	wrdreg $0x60  }
0xae: {  	[dreg:$0x2] =	wrdreg s24  }
0xaf: {  	[dreg:$0x3] =	wrdreg $0x68000  }
0xb0: {  	[dreg:$0x4] =	wrdreg $0x9  }
0xb1: {  	_ =	task.clear_ibuf [dreg:s6], $0x5FFFF;
	_ =	strace $0x90000046  }
0xb2: {  	s29 =	simm.s32 $0x9;
	_ =	strace $0x80000048  }
0xb3: {  	_ =	swait.ge [sflag:s29], $0x1  }
0xb4: {  	[sflag:s29] =	ssyncadd.s32 $0xFFFFFFFF  }
0xb5: {  	_ =	strace $0x90000048  }
0xb6: {  	_ =	sfence  }
0xb7: {  	s30 =	sld [smem:$0x0];
	_ =	sdelay $0x2  }
0xb8: {  	s31 =	sshll.u32 s1, $0xD;
	s1 =	sshrl.u32 s1, $0x2  }
0xb9: {  	s3 =	sand.u32 $0x4000, s31;
	s1 =	sadd.s32 s1, s30  }
0xba: {  	s0 =	sor.u32 s3, s0;
	s1 =	sshll.u32 s1, $0x11  }
0xbb: {  	s0 =	sor.u32 s1, s0  }
0xbc: {  	s0 =	sadd.s32 $0x8F2B, s0  }
0xbd: {  	[sflag:s0] =	ssyncadd.remote.s32 $0x1  }
0xbe: {  	_ =	sfence.sel $0xFFFF  }
0xbf: {  	[dreg:$0x0] =	wrdreg $0xFFFFFFFF;
	(pc) =	sbr.abs _section_cstart, $3  }
0xc0: {  	[dreg:$0x1] =	wrdreg $0xFFFFFFFF  }
0xc1: {  	_ =	task.clear_ibuf [dreg:s6], $0x2FFFF;
	_ =	strace $0x9FFFFFFF  }
0xc2: {  	(tm) =	ssettm $0x7FFFFFFF  }
0xc3: {  	_ =	shalt  }
tec
execute0_lowered:
.L_overlay_start_1:
0x0: {  	(tag) =	ssettag $0x1  }
0x1: {  	s1 =	srdreg.scid;
	s5 =	rddreg [dreg:$0x0]  }
0x2: {  	s0 =	stileid.u32;
	s2 =	rddreg [dreg:$0x1];
	s3 =	simm.s32 $0x0  }
0x3: {  	s14 =	simm.s32 $0x0;
	s6 =	sand.u32 $0x1, s1;
	s1 =	rddreg [dreg:$0x2]  }
0x4: {  	s28 =	sshll.u32 s0, $0x1;
	[smem:$0x7FF] =	sst s3;
	s7 =	smul.u32 $0x14000, s0  }
0x5: {  	s29 =	smul.u32 $0x50000, s0;
	s31 =	sshll.u32 s0, $0x6;
	s4 =	sor.u32 s6, s28  }
0x6: {  	_ =	strace $0x80000047;
	s8 =	smul.u32 $0x140000, s6;
	s6 =	ssub.s32 $0x2, s6  }
0x7: {  	s4 =	smul.u32 $0x500, s4;
	s10 =	sshrl.u32 s7, $0x3;
	s11 =	sshrl.u32 s6, $0x1  }
0x8: {  	s30 =	sshrl.u32 s29, $0x2;
	s7 =	sadd.s32 s7, s8;
	s10 =	sadd.s32 s10, s5  }
0x9: {  	s11 =	ssub.s32 s6, s11;
	s13 =	sadd.s32 s30, s2;
	s6 =	sor.u32 $0x1C01, s31  }
0xa: {  	s9 =	sadd.s32 s4, s5;
	s4 =	sadd.s32 $0x34A00, s5;
	s7 =	sshrl.u32 s7, $0x3  }
0xb: {  	s12 =	sadd.s32 s7, s5;
	s5 =	sadd.s32 $0xCA00, s10;
	s7 =	sadd.s32 $0x2A00, s9  }
0xc: {  	s9 =	smax.u32 s11, $0x1;
	s10 =	sshrl.u32 s13, $0x3;
	s11 =	simm.s32 $0x1  }
0xd: {  	s13 =	simm.s32 $0x80;
	s8 =	sadd.s32 $0x35200, s12;
	s12 =	simm.s32 $0x2800  }
.LBB2_1:
0xe: {  	[spmem:s10], [sflag:s6] =	dma.local [hbm:s5], $0x2800  }
0xf: {  	_ =	swait.ge [sflag:s11], $0x2800  }
0x10: {  	[sflag:s11] =	ssyncset.done $0x0  }
0x11: {  	[sflag:s11] =	ssyncadd.s32 $0xFFFFD800  }
0x12: {  	[tilespmem:s12], [sflag:$0x1] =	stream.linear.gather [hbm4b:s4+s3], $0x4000, $0x38;
	[tilespmem:$0x1A800] =	vst v63  }
0x13: {  	_ =	swait.ge [sflag:s11], $0x4000  }
0x14: {  	[sflag:s11] =	ssyncset.done $0x0  }
0x15: {  	[sflag:s11] =	ssyncadd.s32 $0xFFFFC000  }
0x16: {  	[tilespmem:s3], [sflag:$0x1] =	stream.linear.gather [hbm4b:s7+s3], $0x2780, $0x38;
	[tilespmem:$0x1A800] =	vst v63  }
0x17: {  	_ =	swait.ge [sflag:s11], $0x2780  }
0x18: {  	[sflag:s11] =	ssyncset.done $0x0  }
0x19: {  	[sflag:s11] =	ssyncadd.s32 $0xFFFFD880  }
0x1a: {  	s15 =	simm.s32 $0x0;
	[bflag:$0x0] =	sbarrier.arrive $0xFFFF  }
0x1b: {  	[spmem:s2] =	stream.indirect.scatter.add.f32 [tilespmem:s12], [sflag:$0x1], $0x80, s15, s13, $0xb8;
	[tilespmem:$0x1A800] =	vst v63  }
0x1c: {  	_ =	swait.ge [sflag:s11], $0x4000  }
0x1d: {  	s15 =	simm.s32 $0x200;
	[sflag:s11] =	ssyncset.done $0x0  }
.LBB2_2:
0x1e: {  	s16 =	sshra.s32 s15, $0x2;
	[sflag:s11] =	ssyncadd.s32 $0xFFFFC000;
	p0 =	sne.s32 s15, $0x9C00  }
0x1f: {  	[spmem:s2] =	stream.indirect.scatter.add.f32 [tilespmem:s12], [sflag:$0x1], $0x80, s16, s13, $0xb8;
	[tilespmem:$0x1A800] =	vst v63  }
.Ltmp0:
0x20: {  	_ = 	snop;
	(pc) =	sbr.rel @p0 .LBB2_2-.Ltmp0, $4  }
0x21: {  	_ = 	snop  }
0x22: {  	s15 =	sadd.s32 $0x200, s15  }
0x23: {  	_ =	swait.ge [sflag:s11], $0x4000  }
0x24: {  	[sflag:s11] =	ssyncset.done $0x0  }
0x25: {  	s14 =	sadd.s32 $0x1, s14  }
0x26: {  	[sflag:s11] =	ssyncadd.s32 $0xFFFFC000;
	p0 =	sne.s32 s14, s9  }
.Ltmp1:
0x27: {  	[bflag:$0x0] =	sbarrier.arrive $0xFFFF;
	(pc) =	sbr.rel @p0 .LBB2_1-.Ltmp1, $4  }
0x28: {  	[hbm:s8], [sflag:s6] =	dma.local [spmem:s10], $0x2800  }
0x29: {  	_ =	swait.ge [sflag:s11], $0x2800  }
0x2a: {  	[sflag:s11] =	ssyncset.done $0x0  }
0x2b: {  	[sflag:s11] =	ssyncadd.s32 $0xFFFFD800  }
0x2c: {  	_ =	sfence.sel $0x180000  }
0x2d: {  	[bflag:$0x0] =	sbarrier.arrive $0xFFFF  }
0x2e: {  	p0 =	sne.s32 s0, $0x0;
	_ =	strace $0x90000047  }
0x2f: {  	s0 =	sadd.s32 @!p0 $0x100000, s1;
	[bflag:$0x2] =	sbarrier.arrive $0xFFFF  }
0x30: {  	[sflag:s0] =	ssyncadd.tile.s32 @!p0 $0x1;
	_ =	shalt  }
.Lfunc_end2:
_tile_overlayer_lowered:
.L_overlay_start_2:
0x31: {  	(tag) =	ssettag $0x2  }
0x32: {  	s0 =	rddreg [dreg:$0x0];
	s2 =	stileid.u32  }
0x33: {  	s1 =	rddreg [dreg:$0x1];
	p0 =	sne.s32 s2, $0x0  }
0x34: {  	s3 =	rddreg [dreg:$0x2];
	[bflag:$0x3] =	sbarrier.arrive $0xFFFF;
	s2 =	simm.s32 @!p0 $0x1C01  }
0x35: {  	[timem:s3], [sflag:s2] =	dma.local @!p0 [hbm:s0], s1  }
0x36: {  	s0 =	simm.s32 @!p0 $0x1  }
0x37: {  	_ =	swait.ge @!p0 [sflag:s0], s1  }
0x38: {  	s1 =	ssub.s32 @!p0 $0x0, s1;
	[sflag:s0] =	ssyncset.done @!p0 $0x0  }
0x39: {  	[sflag:s0] =	ssyncadd.s32 @!p0 s1  }
0x3a: {  	[bflag:$0x3] =	sbarrier.arrive $0xFFFF  }
0x3b: {  	_ =	shalt  }

// kernel: kernel.13.cloned.1.call-start
scs
__scs_entry_jumppad:
0x0: {  	(pc) =	sbr.rel $0x88, $3  }
0x1: {  	(tag) =	ssettag $0x0;
	lr =	simm.s32 $0x1  }
0x2: {  	[smem:$0x3F96] =	sst lr;
	_ =	strace $0xD0000000  }
0x3: {  	_ = 	snop  }
0x4: {  	_ = 	snop  }
0x5: {  	_ = 	snop  }
0x6: {  	_ = 	snop  }
0x7: {  	_ = 	snop  }
__scs_overlays_trampoline_lowered:
0x8: {  	[smem:$0x3FA5] =	sst s0  }
0x9: {  	[smem:$0x3FA6] =	sst s1  }
0xa: {  	[smem:$0x3FA7] =	sst s2  }
0xb: {  	[smem:$0x3FA8] =	sst s3  }
0xc: {  	[smem:$0x3FA9] =	sst s4  }
0xd: {  	[smem:$0x3FAA] =	sst s5  }
0xe: {  	[smem:$0x3FAB] =	sst s6  }
0xf: {  	[smem:$0x3FAC] =	sst s7  }
0x10: {  	[smem:$0x3FAD] =	sst s8  }
0x11: {  	[smem:$0x3FAE] =	sst s9;
	s0 =	simm.s32 @!p0 $0x0  }
0x12: {  	s1 =	sld [smem:$0x3F94];
	s0 =	simm.s32 @p0 $0x1  }
0x13: {  	[smem:$0x3FAF] =	sst s0;
	s0 =	simm.s32 @!p1 $0x0  }
0x14: {  	s2 =	sld [smem:$0x3F93];
	s0 =	simm.s32 @p1 $0x1  }
0x15: {  	[smem:$0x3FB0] =	sst s0;
	s0 =	simm.s32 @!p2 $0x0  }
0x16: {  	s3 =	sld [smem:$0x3FDB];
	s0 =	simm.s32 @p2 $0x1  }
0x17: {  	s4 =	simm.s32 $0x1BF5;
	[smem:$0x3FB2] =	sst s0  }
0x18: {  	s0 =	sld [smem:$0x3F95];
	_ =	swait.ge [sflag:s4], $0x0  }
0x19: {  	s7 =	sld [smem:$0x3F96]  }
0x1a: {  	s8 =	sadd.s32 $0xFFFFE003, lr  }
0x1b: {  	s9 =	sadd.s32 $0xFFFFFEF7, lr;
	s5 =	simm.s32 $0xFFFFFFFF;
	p2 =	slt.u32 s8, $0xFFFFF086  }
0x1c: {  	p1 =	slt.u32 s9, $0xF7A;
	s5 =	simm.s32 @!p2 $0x0  }
0x1d: {  	s5 =	simm.s32 @p1 $0x1;
	p0 =	seq.s32 s7, s2  }
0x1e: {  	s7 =	smul.u32 @!p0 $0xF7A, s2;
	p2 =	seq.s32 @!p0 s5, $0x0  }
0x1f: {  	s9 =	smul.u32 $0xF7A, s1;
	s8 =	simm.s32 @!p0 $0x1BF5;
	p2 =	por !p2, p0  }
0x20: {  	[sflag:s8] =	ssyncset.s32 @!p0 $0xFFFFF086;
	s6 =	sadd.s32 @!p0 s3, s7;
	s7 =	simm.s32 @!p0 $0x108  }
0x21: {  	s3 =	sadd.s32 s3, s9;
	s6 =	sadd.s32 @!p0 $0x88, s6;
	s7 =	simm.s32 @p2 $0x1082  }
0x22: {  	[simem:s7], [sflag:s8] =	dma.local @!p0 [hbm:s6], $0xF7A  }
0x23: {  	s9 =	sor.u32 $0xD0000000, s2;
	s6 =	simm.s32 $0x108;
	_ =	swait.ge @!p0 [sflag:s8], $0x0  }
0x24: {  	s3 =	sadd.s32 $0x88, s3;
	s6 =	simm.s32 @!p1 $0x1082;
	[sflag:s4] =	ssyncset.s32 $0xFFFFF086  }
0x25: {  	[simem:s6], [sflag:s4] =	dma.local [hbm:s3], $0xF7A  }
0x26: {  	[smem:$0x3F96] =	sst s1;
	(tag) =	ssettag s2;
	_ =	strace s9  }
0x27: {  	s1 =	sld [smem:$0x3FA6]  }
0x28: {  	s2 =	sld [smem:$0x3FA7]  }
0x29: {  	s4 =	sld [smem:$0x3FA9]  }
0x2a: {  	p0 =	seq.s32 s5, $0x0;
	s5 =	sld [smem:$0x3FAA]  }
0x2b: {  	s6 =	sld [smem:$0x3FAB]  }
0x2c: {  	s7 =	sld [smem:$0x3FAC]  }
0x2d: {  	s3 =	simm.s32 $0x108;
	s8 =	sld [smem:$0x3FAD]  }
0x2e: {  	s3 =	simm.s32 @!p0 $0x1082;
	s9 =	sld [smem:$0x3FAE]  }
0x2f: {  	lr =	sadd.s32 s0, s3;
	s0 =	sld [smem:$0x3FA5]  }
0x30: {  	s3 =	sld [smem:$0x3FA8]  }
0x31: {  	[smem:$0x3FB1] =	sst s10  }
0x32: {  	s10 =	sld [smem:$0x3FAF];
	_ =	sdelay $0x3  }
0x33: {  	p0 =	seq.s32 s10, $0x1;
	s10 =	sld [smem:$0x3FB1];
	_ =	sdelay $0x3  }
0x34: {  	[smem:$0x3FB1] =	sst s10  }
0x35: {  	s10 =	sld [smem:$0x3FB0];
	_ =	sdelay $0x3  }
0x36: {  	p1 =	seq.s32 s10, $0x1;
	s10 =	sld [smem:$0x3FB1];
	_ =	sdelay $0x3  }
0x37: {  	[smem:$0x3FB1] =	sst s10  }
0x38: {  	s10 =	sld [smem:$0x3FB2]  }
0x39: {  	_ = 	snop;
	(pc) =	sbr.ind lr, $3  }
0x3a: {  	_ = 	snop  }
0x3b: {  	_ = 	snop  }
0x3c: {  	p2 =	seq.s32 s10, $0x1;
	s10 =	sld [smem:$0x3FB1]  }
0x3d: {  	_ =	shalt  }
0x3e: {  	_ =	shalt  }
0x3f: {  	_ =	shalt  }
0x40: {  	_ =	shalt  }
0x41: {  	_ =	shalt  }
0x42: {  	_ =	shalt  }
0x43: {  	_ =	shalt  }
0x44: {  	_ =	shalt  }
0x45: {  	_ =	shalt  }
0x46: {  	_ =	shalt  }
0x47: {  	_ =	shalt  }
0x48: {  	_ =	shalt  }
0x49: {  	_ =	shalt  }
0x4a: {  	_ =	shalt  }
0x4b: {  	_ =	shalt  }
0x4c: {  	_ =	shalt  }
0x4d: {  	_ =	shalt  }
0x4e: {  	_ =	shalt  }
0x4f: {  	_ =	shalt  }
0x50: {  	_ =	shalt  }
0x51: {  	_ =	shalt  }
0x52: {  	_ =	shalt  }
0x53: {  	_ =	shalt  }
0x54: {  	_ =	shalt  }
0x55: {  	_ =	shalt  }
0x56: {  	_ =	shalt  }
0x57: {  	_ =	shalt  }
0x58: {  	_ =	shalt  }
0x59: {  	_ =	shalt  }
0x5a: {  	_ =	shalt  }
0x5b: {  	_ =	shalt  }
0x5c: {  	_ =	shalt  }
0x5d: {  	_ =	shalt  }
0x5e: {  	_ =	shalt  }
0x5f: {  	_ =	shalt  }
0x60: {  	_ =	shalt  }
0x61: {  	_ =	shalt  }
0x62: {  	_ =	shalt  }
0x63: {  	_ =	shalt  }
0x64: {  	_ =	shalt  }
0x65: {  	_ =	shalt  }
0x66: {  	_ =	shalt  }
0x67: {  	_ =	shalt  }
0x68: {  	_ =	shalt  }
0x69: {  	_ =	shalt  }
0x6a: {  	_ =	shalt  }
0x6b: {  	_ =	shalt  }
0x6c: {  	_ =	shalt  }
0x6d: {  	_ =	shalt  }
0x6e: {  	_ =	shalt  }
0x6f: {  	_ =	shalt  }
0x70: {  	_ =	shalt  }
0x71: {  	_ =	shalt  }
0x72: {  	_ =	shalt  }
0x73: {  	_ =	shalt  }
0x74: {  	_ =	shalt  }
0x75: {  	_ =	shalt  }
0x76: {  	_ =	shalt  }
0x77: {  	_ =	shalt  }
0x78: {  	_ =	shalt  }
0x79: {  	_ =	shalt  }
0x7a: {  	_ =	shalt  }
0x7b: {  	_ =	shalt  }
0x7c: {  	_ =	shalt  }
0x7d: {  	_ =	shalt  }
0x7e: {  	_ =	shalt  }
0x7f: {  	_ =	shalt  }
0x80: {  	_ =	shalt  }
0x81: {  	_ =	shalt  }
0x82: {  	_ =	shalt  }
0x83: {  	_ =	shalt  }
0x84: {  	_ =	shalt  }
0x85: {  	_ =	shalt  }
0x86: {  	_ =	shalt  }
0x87: {  	_ =	shalt  }
.Lfunc_end0:
.L_simem_size_0:
called_computation.1_lowered:
.L_overlay_start_0:
0x88: {  	s2 =	sld [smem:$0x3FD9]  }
0x89: {  	s3 =	sld [smem:$0x3FFE];
	_ =	sdelay $0x1  }
0x8a: {  	s1 =	srdreg.scid  }
0x8b: {  	s0 =	sand.u32 $0x1, s1  }
0x8c: {  	s16 =	sshll.u32 s0, $0xA;
	s2 =	sadd.s32 s3, s2  }
0x8d: {  	s2 =	sadd.s32 s2, s16  }
0x8e: {  	[smem:$0x3FBD] =	sst s2  }
0x8f: {  	_ = 	snop  }
0x90: {  	(tm) =	ssettm $0x1  }
0x91: {  	s17 =	sld [smem:$0x3FFB];
	_ =	sdelay $0x3  }
0x92: {  	_ =	strace s17  }
0x93: {  	s2 =	sld [smem:$0x3FFC];
	_ =	sdelay $0x3  }
0x94: {  	_ =	strace s2  }
0x95: {  	s2 =	sld [smem:$0x3FFD];
	_ =	sdelay $0x3  }
0x96: {  	_ =	strace s2  }
0x97: {  	_ =	strace $0x8FFFFFFF  }
0x98: {  	s18 =	sld [smem:$0x3FDB];
	_ =	sdelay $0x1  }
0x99: {  	s19 =	simm.s32 $_scs_section_size  }
0x9a: {  	s4 =	simm.s32 $_size__tile_overlayer_lowered;
	s5 =	simm.s32 $_tile_overlayer_lowered  }
0x9b: {  	s22 =	simm.s32 $0x1BFF;
	s21 =	sshll.u32 s5, $0x1;
	s2 =	sadd.s32 s19, s18  }
0x9c: {  	s6 =	simm.s32 $0x0;
	s20 =	sshll.u32 s4, $0x1;
	s4 =	sadd.s32 s21, s2  }
0x9d: {  	[timem:s6], [sflag:s22] =	dma.local [hbm:s4], s20  }
0x9e: {  	_ =	swait.ge [sflag:s22], s20  }
0x9f: {  	s3 =	ssub.s32 $0x0, s20;
	[sflag:s22] =	ssyncset.done $0x0  }
0xa0: {  	[sflag:s22] =	ssyncadd.s32 s3;
	_ =	sdelay $0x1  }
0xa1: {  	s23 =	simm.s32 $0x1B8B  }
0xa2: {  	_ =	swait.ge [sflag:s23], $0x1  }
0xa3: {  	[sflag:s23] =	ssyncset.done $0x0  }
0xa4: {  	s25 =	simm.s32 $0x1B8E;
	s24 =	sld [smem:$0x3FFE];
	[sflag:s23] =	ssyncadd.s32 $0xFFFFFFFF  }
0xa5: {  	s26 =	simm.s32 $execute0_lowered;
	[smem:$0x3FD2] =	sst s25  }
0xa6: {  	s4 =	sshll.u32 s26, $0x1;
	_ =	strace $0x80000049;
	[dreg:$0x1] =	wrdreg $0xFFFFFFFF  }
0xa7: {  	s28 =	simm.s32 $_size_execute0_lowered;
	s2 =	sadd.s32 s2, s4;
	[dreg:$0x0] =	wrdreg $0x0  }
0xa8: {  	s4 =	sshll.u32 s28, $0x1;
	[dreg:$0x2] =	wrdreg s2  }
0xa9: {  	[dreg:$0x3] =	wrdreg s4  }
0xaa: {  	[dreg:$0x4] =	wrdreg $0xC0  }
0xab: {  	_ =	task [dreg:s6], $0x5FFFF  }
0xac: {  	[dreg:$0x1] =	wrdreg $0xFFFFFFFF  }
0xad: {  	[dreg:$0x0] =	wrdreg $0x60  }
0xae: {  	[dreg:$0x2] =	wrdreg s24  }
0xaf: {  	[dreg:$0x3] =	wrdreg $0xA8000  }
0xb0: {  	[dreg:$0x4] =	wrdreg $0x9  }
0xb1: {  	_ =	task.clear_ibuf [dreg:s6], $0x5FFFF;
	_ =	strace $0x90000049  }
0xb2: {  	s29 =	simm.s32 $0x9;
	_ =	strace $0x8000004B  }
0xb3: {  	_ =	swait.ge [sflag:s29], $0x1  }
0xb4: {  	[sflag:s29] =	ssyncadd.s32 $0xFFFFFFFF  }
0xb5: {  	_ =	strace $0x9000004B  }
0xb6: {  	_ =	sfence  }
0xb7: {  	s30 =	sld [smem:$0x0];
	_ =	sdelay $0x2  }
0xb8: {  	s31 =	sshll.u32 s1, $0xD;
	s1 =	sshrl.u32 s1, $0x2  }
0xb9: {  	s3 =	sand.u32 $0x4000, s31;
	s1 =	sadd.s32 s1, s30  }
0xba: {  	s0 =	sor.u32 s3, s0;
	s1 =	sshll.u32 s1, $0x11  }
0xbb: {  	s0 =	sor.u32 s1, s0  }
0xbc: {  	s0 =	sadd.s32 $0x8F2B, s0  }
0xbd: {  	[sflag:s0] =	ssyncadd.remote.s32 $0x1  }
0xbe: {  	_ =	sfence.sel $0xFFFF  }
0xbf: {  	[dreg:$0x0] =	wrdreg $0xFFFFFFFF;
	(pc) =	sbr.abs _section_cstart, $3  }
0xc0: {  	[dreg:$0x1] =	wrdreg $0xFFFFFFFF  }
0xc1: {  	_ =	task.clear_ibuf [dreg:s6], $0x2FFFF;
	_ =	strace $0x9FFFFFFF  }
0xc2: {  	(tm) =	ssettm $0x7FFFFFFF  }
0xc3: {  	_ =	shalt  }
tec
execute0_lowered:
.L_overlay_start_1:
0x0: {  	(tag) =	ssettag $0x1  }
0x1: {  	s1 =	srdreg.scid;
	s5 =	rddreg [dreg:$0x0]  }
0x2: {  	s0 =	stileid.u32;
	s2 =	rddreg [dreg:$0x1];
	s3 =	simm.s32 $0x0  }
0x3: {  	s14 =	simm.s32 $0x80;
	s15 =	simm.s32 $0x2800;
	s16 =	simm.s32 $0x6800  }
0x4: {  	s17 =	simm.s32 $0x1;
	s18 =	simm.s32 $0x2;
	s19 =	simm.s32 $0x2700  }
0x5: {  	s20 =	simm.s32 $0x2780;
	s23 =	simm.s32 $0x2600;
	s24 =	simm.s32 $0x1300  }
0x6: {  	s25 =	simm.s32 $0x2680;
	s6 =	sand.u32 $0x1, s1;
	s1 =	rddreg [dreg:$0x2]  }
0x7: {  	s26 =	sshll.u32 s0, $0x1;
	[smem:$0x7FF] =	sst s3;
	s8 =	smul.u32 $0x14000, s0  }
0x8: {  	s29 =	smul.u32 $0x50000, s0;
	s31 =	sshll.u32 s0, $0x6;
	s4 =	sor.u32 s6, s26  }
0x9: {  	_ =	strace $0x8000004A;
	s9 =	smul.u32 $0x140000, s6;
	s6 =	ssub.s32 $0x2, s6  }
0xa: {  	s26 =	simm.s32 $0x0;
	s7 =	smul.u32 $0x500, s4;
	s4 =	sadd.s32 $0x34A00, s5  }
0xb: {  	s28 =	sshrl.u32 s8, $0x3;
	s11 =	sshrl.u32 s6, $0x1;
	s30 =	sshrl.u32 s29, $0x2  }
0xc: {  	s8 =	sadd.s32 s8, s9;
	s11 =	ssub.s32 s6, s11;
	s13 =	sadd.s32 s30, s2  }
0xd: {  	s10 =	sadd.s32 s7, s5;
	s7 =	sadd.s32 s28, s5;
	s8 =	sshrl.u32 s8, $0x3  }
0xe: {  	s6 =	sor.u32 $0x1C03, s31;
	s12 =	sadd.s32 s8, s5;
	s5 =	sadd.s32 $0xCA00, s7  }
0xf: {  	s7 =	sadd.s32 $0x85200, s10;
	s8 =	sadd.s32 $0x2A00, s10;
	s10 =	smax.u32 s11, $0x1  }
0x10: {  	s11 =	sshrl.u32 s13, $0x3;
	s13 =	simm.s32 $0x1400;
	s9 =	sadd.s32 $0x8F200, s12  }
0x11: {  	s12 =	simm.s32 $0x3;
	s21 =	sadd.s32 $0x280, s7;
	s22 =	sadd.s32 $0x280, s8  }
.LBB2_1:
0x12: {  	[spmem:s11], [sflag:s6] =	dma.local [hbm:s5], $0x2800  }
0x13: {  	_ =	swait.ge [sflag:s12], $0x2800  }
0x14: {  	[sflag:s12] =	ssyncset.done $0x0  }
0x15: {  	[sflag:s12] =	ssyncadd.s32 $0xFFFFD800  }
0x16: {  	[bflag:$0x0] =	sbarrier.arrive $0xFFFF  }
0x17: {  	[tilespmem:s3], [sflag:$0x3] =	stream.linear.gather [hbm4b:s7+s3], $0x1400, $0x38;
	[tilespmem:$0x1E800] =	vst v63  }
0x18: {  	_ =	swait.ge [sflag:s12], $0x1400  }
0x19: {  	[sflag:s12] =	ssyncset.done $0x0  }
0x1a: {  	[sflag:s12] =	ssyncadd.s32 $0xFFFFEC00  }
0x1b: {  	[tilespmem:s13], [sflag:$0x3] =	stream.linear.gather [hbm4b:s8+s3], $0x1400, $0x38;
	[tilespmem:$0x1E800] =	vst v63  }
0x1c: {  	_ =	swait.ge [sflag:s12], $0x1400  }
0x1d: {  	[sflag:s12] =	ssyncset.done $0x0  }
0x1e: {  	[sflag:s12] =	ssyncadd.s32 $0xFFFFEC00  }
0x1f: {  	[tilespmem:s15], [sflag:$0x1] =	stream.indirect.gather [hbm4b:s4+s14], $0x80, s3, s14, $0xb8;
	[tilespmem:$0x1E800] =	vst v63  }
0x20: {  	_ = 	snop  }
0x21: {  	[tilespmem:s16], [sflag:$0x2] =	stream.indirect.gather [hbm4b:s4+s14], $0x80, s14, s14, $0xb8;
	[tilespmem:$0x1E800] =	vst v63  }
0x22: {  	_ =	swait.ge [sflag:s17], $0x4000  }
0x23: {  	[sflag:s17] =	ssyncset.done $0x0  }
0x24: {  	s28 =	simm.s32 $0x1400;
	[sflag:s17] =	ssyncadd.s32 $0xFFFFC000  }
0x25: {  	[spmem:s2] =	stream.indirect.scatter.add.f32 [tilespmem:s15], [sflag:$0x3], $0x80, s28, s14, $0xb8;
	[tilespmem:$0x1E800] =	vst v63  }
0x26: {  	_ =	swait.ge [sflag:s12], $0x4000  }
0x27: {  	[sflag:s12] =	ssyncset.done $0x0  }
0x28: {  	s28 =	simm.s32 $0x100;
	[sflag:s12] =	ssyncadd.s32 $0xFFFFC000  }
0x29: {  	[tilespmem:s15], [sflag:$0x1] =	stream.indirect.gather [hbm4b:s4+s14], $0x80, s28, s14, $0xb8;
	[tilespmem:$0x1E800] =	vst v63  }
0x2a: {  	_ =	swait.ge [sflag:s18], $0x4000  }
0x2b: {  	[sflag:s18] =	ssyncset.done $0x0  }
0x2c: {  	s28 =	simm.s32 $0x1480;
	[sflag:s18] =	ssyncadd.s32 $0xFFFFC000  }
0x2d: {  	[spmem:s2] =	stream.indirect.scatter.add.f32 [tilespmem:s16], [sflag:$0x3], $0x80, s28, s14, $0xb8;
	[tilespmem:$0x1E800] =	vst v63  }
0x2e: {  	_ =	swait.ge [sflag:s12], $0x4000  }
0x2f: {  	[sflag:s12] =	ssyncset.done $0x0  }
0x30: {  	s29 =	simm.s32 $0x180;
	s28 =	simm.s32 $0x400;
	[sflag:s12] =	ssyncadd.s32 $0xFFFFC000  }
.LBB2_2:
0x31: {  	[tilespmem:s16], [sflag:$0x2] =	stream.indirect.gather [hbm4b:s4+s14], $0x80, s29, s14, $0xb8;
	[tilespmem:$0x1E800] =	vst v63  }
0x32: {  	s29 =	smov.u32 s28  }
0x33: {  	p0 =	sne.s32 s28, $0x4800;
	s28 =	sadd.s32 $0x400, s28;
	_ =	swait.ge [sflag:s17], $0x4000  }
0x34: {  	s29 =	sshra.s32 s29, $0x2;
	[sflag:s17] =	ssyncset.done $0x0  }
0x35: {  	s30 =	sadd.s32 $0x1400, s29;
	[sflag:s17] =	ssyncadd.s32 $0xFFFFC000  }
0x36: {  	[spmem:s2] =	stream.indirect.scatter.add.f32 [tilespmem:s15], [sflag:$0x3], $0x80, s30, s14, $0xb8;
	[tilespmem:$0x1E800] =	vst v63  }
0x37: {  	_ =	swait.ge [sflag:s12], $0x4000  }
0x38: {  	[sflag:s12] =	ssyncset.done $0x0  }
0x39: {  	s30 =	sadd.s32 $0x100, s29;
	[sflag:s12] =	ssyncadd.s32 $0xFFFFC000  }
0x3a: {  	[tilespmem:s15], [sflag:$0x1] =	stream.indirect.gather [hbm4b:s4+s14], $0x80, s30, s14, $0xb8;
	[tilespmem:$0x1E800] =	vst v63  }
0x3b: {  	_ =	swait.ge [sflag:s18], $0x4000  }
0x3c: {  	[sflag:s18] =	ssyncset.done $0x0  }
.Ltmp0:
0x3d: {  	s30 =	sadd.s32 $0x1480, s29;
	[sflag:s18] =	ssyncadd.s32 $0xFFFFC000;
	(pc) =	sbr.rel @p0 .LBB2_2-.Ltmp0, $4  }
0x3e: {  	[spmem:s2] =	stream.indirect.scatter.add.f32 [tilespmem:s16], [sflag:$0x3], $0x80, s30, s14, $0xb8;
	[tilespmem:$0x1E800] =	vst v63  }
0x3f: {  	_ =	swait.ge [sflag:s12], $0x4000  }
0x40: {  	[sflag:s12] =	ssyncset.done $0x0  }
0x41: {  	s29 =	sadd.s32 $0x180, s29;
	[sflag:s12] =	ssyncadd.s32 $0xFFFFC000  }
0x42: {  	[tilespmem:s16], [sflag:$0x2] =	stream.indirect.gather [hbm4b:s4+s14], $0x80, s29, s14, $0xb8;
	[tilespmem:$0x1E800] =	vst v63  }
0x43: {  	_ =	swait.ge [sflag:s17], $0x4000  }
0x44: {  	[sflag:s17] =	ssyncset.done $0x0  }
0x45: {  	[sflag:s17] =	ssyncadd.s32 $0xFFFFC000  }
0x46: {  	[spmem:s2] =	stream.indirect.scatter.add.f32 [tilespmem:s15], [sflag:$0x3], $0x80, s19, s14, $0xb8;
	[tilespmem:$0x1E800] =	vst v63  }
0x47: {  	_ =	swait.ge [sflag:s12], $0x4000  }
0x48: {  	[sflag:s12] =	ssyncset.done $0x0  }
0x49: {  	[sflag:s12] =	ssyncadd.s32 $0xFFFFC000  }
0x4a: {  	_ =	swait.ge [sflag:s18], $0x4000  }
0x4b: {  	[sflag:s18] =	ssyncset.done $0x0  }
0x4c: {  	[sflag:s18] =	ssyncadd.s32 $0xFFFFC000  }
0x4d: {  	[spmem:s2] =	stream.indirect.scatter.add.f32 [tilespmem:s16], [sflag:$0x3], $0x80, s20, s14, $0xb8;
	[tilespmem:$0x1E800] =	vst v63  }
0x4e: {  	_ =	swait.ge [sflag:s12], $0x4000  }
0x4f: {  	[sflag:s12] =	ssyncset.done $0x0  }
0x50: {  	s28 =	simm.s32 $0x0;
	[sflag:s12] =	ssyncadd.s32 $0xFFFFC000  }
0x51: {  	[tilespmem:s28], [sflag:$0x3] =	stream.linear.gather [hbm4b:s21+s28], $0x1380, $0x38;
	[tilespmem:$0x1E800] =	vst v63  }
0x52: {  	_ =	swait.ge [sflag:s12], $0x1380  }
0x53: {  	[sflag:s12] =	ssyncset.done $0x0  }
0x54: {  	[sflag:s12] =	ssyncadd.s32 $0xFFFFEC80  }
0x55: {  	[tilespmem:s13], [sflag:$0x3] =	stream.linear.gather [hbm4b:s22+s28], $0x1380, $0x38;
	[tilespmem:$0x1E800] =	vst v63  }
0x56: {  	_ =	swait.ge [sflag:s12], $0x1380  }
0x57: {  	[sflag:s12] =	ssyncset.done $0x0  }
0x58: {  	[sflag:s12] =	ssyncadd.s32 $0xFFFFEC80  }
0x59: {  	[tilespmem:s15], [sflag:$0x1] =	stream.indirect.gather [hbm4b:s4+s14], $0x80, s28, s14, $0xb8;
	[tilespmem:$0x1E800] =	vst v63  }
0x5a: {  	_ = 	snop  }
0x5b: {  	[tilespmem:s16], [sflag:$0x2] =	stream.indirect.gather [hbm4b:s4+s14], $0x80, s14, s14, $0xb8;
	[tilespmem:$0x1E800] =	vst v63  }
0x5c: {  	_ =	swait.ge [sflag:s17], $0x4000  }
0x5d: {  	[sflag:s17] =	ssyncset.done $0x0  }
0x5e: {  	s28 =	simm.s32 $0x1400;
	[sflag:s17] =	ssyncadd.s32 $0xFFFFC000  }
0x5f: {  	[spmem:s2] =	stream.indirect.scatter.add.f32 [tilespmem:s15], [sflag:$0x3], $0x80, s28, s14, $0xb8;
	[tilespmem:$0x1E800] =	vst v63  }
0x60: {  	_ =	swait.ge [sflag:s12], $0x4000  }
0x61: {  	[sflag:s12] =	ssyncset.done $0x0  }
0x62: {  	s28 =	simm.s32 $0x100;
	[sflag:s12] =	ssyncadd.s32 $0xFFFFC000  }
0x63: {  	[tilespmem:s15], [sflag:$0x1] =	stream.indirect.gather [hbm4b:s4+s14], $0x80, s28, s14, $0xb8;
	[tilespmem:$0x1E800] =	vst v63  }
0x64: {  	_ =	swait.ge [sflag:s18], $0x4000  }
0x65: {  	[sflag:s18] =	ssyncset.done $0x0  }
0x66: {  	s28 =	simm.s32 $0x1480;
	[sflag:s18] =	ssyncadd.s32 $0xFFFFC000  }
0x67: {  	[spmem:s2] =	stream.indirect.scatter.add.f32 [tilespmem:s16], [sflag:$0x3], $0x80, s28, s14, $0xb8;
	[tilespmem:$0x1E800] =	vst v63  }
0x68: {  	_ =	swait.ge [sflag:s12], $0x4000  }
0x69: {  	[sflag:s12] =	ssyncset.done $0x0  }
0x6a: {  	s29 =	simm.s32 $0x180;
	s28 =	simm.s32 $0x400;
	[sflag:s12] =	ssyncadd.s32 $0xFFFFC000  }
.LBB2_4:
0x6b: {  	[tilespmem:s16], [sflag:$0x2] =	stream.indirect.gather [hbm4b:s4+s14], $0x80, s29, s14, $0xb8;
	[tilespmem:$0x1E800] =	vst v63  }
0x6c: {  	s29 =	smov.u32 s28  }
0x6d: {  	p0 =	sne.s32 s28, $0x4400;
	s28 =	sadd.s32 $0x400, s28;
	_ =	swait.ge [sflag:s17], $0x4000  }
0x6e: {  	s29 =	sshra.s32 s29, $0x2;
	[sflag:s17] =	ssyncset.done $0x0  }
0x6f: {  	s30 =	sadd.s32 $0x1400, s29;
	[sflag:s17] =	ssyncadd.s32 $0xFFFFC000  }
0x70: {  	[spmem:s2] =	stream.indirect.scatter.add.f32 [tilespmem:s15], [sflag:$0x3], $0x80, s30, s14, $0xb8;
	[tilespmem:$0x1E800] =	vst v63  }
0x71: {  	_ =	swait.ge [sflag:s12], $0x4000  }
0x72: {  	[sflag:s12] =	ssyncset.done $0x0  }
0x73: {  	s30 =	sadd.s32 $0x100, s29;
	[sflag:s12] =	ssyncadd.s32 $0xFFFFC000  }
0x74: {  	[tilespmem:s15], [sflag:$0x1] =	stream.indirect.gather [hbm4b:s4+s14], $0x80, s30, s14, $0xb8;
	[tilespmem:$0x1E800] =	vst v63  }
0x75: {  	_ =	swait.ge [sflag:s18], $0x4000  }
0x76: {  	[sflag:s18] =	ssyncset.done $0x0  }
.Ltmp1:
0x77: {  	s30 =	sadd.s32 $0x1480, s29;
	[sflag:s18] =	ssyncadd.s32 $0xFFFFC000;
	(pc) =	sbr.rel @p0 .LBB2_4-.Ltmp1, $4  }
0x78: {  	[spmem:s2] =	stream.indirect.scatter.add.f32 [tilespmem:s16], [sflag:$0x3], $0x80, s30, s14, $0xb8;
	[tilespmem:$0x1E800] =	vst v63  }
0x79: {  	_ =	swait.ge [sflag:s12], $0x4000  }
0x7a: {  	[sflag:s12] =	ssyncset.done $0x0  }
0x7b: {  	s29 =	sadd.s32 $0x180, s29;
	[sflag:s12] =	ssyncadd.s32 $0xFFFFC000  }
0x7c: {  	[tilespmem:s16], [sflag:$0x2] =	stream.indirect.gather [hbm4b:s4+s14], $0x80, s29, s14, $0xb8;
	[tilespmem:$0x1E800] =	vst v63  }
0x7d: {  	_ =	swait.ge [sflag:s17], $0x4000  }
0x7e: {  	[sflag:s17] =	ssyncset.done $0x0  }
0x7f: {  	[sflag:s17] =	ssyncadd.s32 $0xFFFFC000  }
0x80: {  	[spmem:s2] =	stream.indirect.scatter.add.f32 [tilespmem:s15], [sflag:$0x3], $0x80, s23, s14, $0xb8;
	[tilespmem:$0x1E800] =	vst v63  }
0x81: {  	_ =	swait.ge [sflag:s12], $0x4000  }
0x82: {  	[sflag:s12] =	ssyncset.done $0x0  }
0x83: {  	[sflag:s12] =	ssyncadd.s32 $0xFFFFC000  }
0x84: {  	[tilespmem:s15], [sflag:$0x1] =	stream.indirect.gather [hbm4b:s4+s14], $0x80, s24, s14, $0xb8;
	[tilespmem:$0x1E800] =	vst v63  }
0x85: {  	_ =	swait.ge [sflag:s18], $0x4000  }
0x86: {  	[sflag:s18] =	ssyncset.done $0x0  }
0x87: {  	[sflag:s18] =	ssyncadd.s32 $0xFFFFC000  }
0x88: {  	[spmem:s2] =	stream.indirect.scatter.add.f32 [tilespmem:s16], [sflag:$0x3], $0x80, s25, s14, $0xb8;
	[tilespmem:$0x1E800] =	vst v63  }
0x89: {  	_ =	swait.ge [sflag:s12], $0x4000  }
0x8a: {  	[sflag:s12] =	ssyncset.done $0x0  }
0x8b: {  	[sflag:s12] =	ssyncadd.s32 $0xFFFFC000  }
0x8c: {  	_ =	swait.ge [sflag:s17], $0x4000  }
0x8d: {  	[sflag:s17] =	ssyncset.done $0x0  }
0x8e: {  	[sflag:s17] =	ssyncadd.s32 $0xFFFFC000  }
0x8f: {  	[spmem:s2] =	stream.indirect.scatter.add.f32 [tilespmem:s15], [sflag:$0x3], $0x80, s19, s14, $0xb8;
	[tilespmem:$0x1E800] =	vst v63  }
0x90: {  	_ =	swait.ge [sflag:s12], $0x4000  }
0x91: {  	s26 =	sadd.s32 $0x1, s26;
	[sflag:s12] =	ssyncset.done $0x0  }
0x92: {  	p0 =	sne.s32 s26, s10;
	[sflag:s12] =	ssyncadd.s32 $0xFFFFC000  }
.Ltmp2:
0x93: {  	[bflag:$0x0] =	sbarrier.arrive $0xFFFF;
	(pc) =	sbr.rel @p0 .LBB2_1-.Ltmp2, $4  }
0x94: {  	[hbm:s9], [sflag:s6] =	dma.local [spmem:s11], $0x2800  }
0x95: {  	_ =	swait.ge [sflag:s12], $0x2800  }
0x96: {  	[sflag:s12] =	ssyncset.done $0x0  }
0x97: {  	[sflag:s12] =	ssyncadd.s32 $0xFFFFD800  }
0x98: {  	_ =	sfence.sel $0x180000  }
0x99: {  	[bflag:$0x0] =	sbarrier.arrive $0xFFFF  }
0x9a: {  	p0 =	sne.s32 s0, $0x0;
	_ =	strace $0x9000004A  }
0x9b: {  	s0 =	sadd.s32 @!p0 $0x100000, s1;
	[bflag:$0x2] =	sbarrier.arrive $0xFFFF  }
0x9c: {  	[sflag:s0] =	ssyncadd.tile.s32 @!p0 $0x1;
	_ =	shalt  }
.Lfunc_end2:
_tile_overlayer_lowered:
.L_overlay_start_2:
0x9d: {  	(tag) =	ssettag $0x2  }
0x9e: {  	s0 =	rddreg [dreg:$0x0];
	s2 =	stileid.u32  }
0x9f: {  	s1 =	rddreg [dreg:$0x1];
	p0 =	sne.s32 s2, $0x0  }
0xa0: {  	s3 =	rddreg [dreg:$0x2];
	[bflag:$0x3] =	sbarrier.arrive $0xFFFF;
	s2 =	simm.s32 @!p0 $0x1C03  }
0xa1: {  	[timem:s3], [sflag:s2] =	dma.local @!p0 [hbm:s0], s1  }
0xa2: {  	s0 =	simm.s32 @!p0 $0x3  }
0xa3: {  	_ =	swait.ge @!p0 [sflag:s0], s1  }
0xa4: {  	s1 =	ssub.s32 @!p0 $0x0, s1;
	[sflag:s0] =	ssyncset.done @!p0 $0x0  }
0xa5: {  	[sflag:s0] =	ssyncadd.s32 @!p0 s1  }
0xa6: {  	[bflag:$0x3] =	sbarrier.arrive $0xFFFF  }
0xa7: {  	_ =	shalt  }

// kernel: kernel.16.cloned.1.call-start
scs
__scs_entry_jumppad:
0x0: {  	(pc) =	sbr.rel $0x88, $3  }
0x1: {  	(tag) =	ssettag $0x0;
	lr =	simm.s32 $0x1  }
0x2: {  	[smem:$0x3F96] =	sst lr;
	_ =	strace $0xD0000000  }
0x3: {  	_ = 	snop  }
0x4: {  	_ = 	snop  }
0x5: {  	_ = 	snop  }
0x6: {  	_ = 	snop  }
0x7: {  	_ = 	snop  }
__scs_overlays_trampoline_lowered:
0x8: {  	[smem:$0x3FA5] =	sst s0  }
0x9: {  	[smem:$0x3FA6] =	sst s1  }
0xa: {  	[smem:$0x3FA7] =	sst s2  }
0xb: {  	[smem:$0x3FA8] =	sst s3  }
0xc: {  	[smem:$0x3FA9] =	sst s4  }
0xd: {  	[smem:$0x3FAA] =	sst s5  }
0xe: {  	[smem:$0x3FAB] =	sst s6  }
0xf: {  	[smem:$0x3FAC] =	sst s7  }
0x10: {  	[smem:$0x3FAD] =	sst s8  }
0x11: {  	[smem:$0x3FAE] =	sst s9;
	s0 =	simm.s32 @!p0 $0x0  }
0x12: {  	s1 =	sld [smem:$0x3F94];
	s0 =	simm.s32 @p0 $0x1  }
0x13: {  	[smem:$0x3FAF] =	sst s0;
	s0 =	simm.s32 @!p1 $0x0  }
0x14: {  	s2 =	sld [smem:$0x3F93];
	s0 =	simm.s32 @p1 $0x1  }
0x15: {  	[smem:$0x3FB0] =	sst s0;
	s0 =	simm.s32 @!p2 $0x0  }
0x16: {  	s3 =	sld [smem:$0x3FDB];
	s0 =	simm.s32 @p2 $0x1  }
0x17: {  	s4 =	simm.s32 $0x1BF5;
	[smem:$0x3FB2] =	sst s0  }
0x18: {  	s0 =	sld [smem:$0x3F95];
	_ =	swait.ge [sflag:s4], $0x0  }
0x19: {  	s7 =	sld [smem:$0x3F96]  }
0x1a: {  	s8 =	sadd.s32 $0xFFFFE003, lr  }
0x1b: {  	s9 =	sadd.s32 $0xFFFFFEF7, lr;
	s5 =	simm.s32 $0xFFFFFFFF;
	p2 =	slt.u32 s8, $0xFFFFF086  }
0x1c: {  	p1 =	slt.u32 s9, $0xF7A;
	s5 =	simm.s32 @!p2 $0x0  }
0x1d: {  	s5 =	simm.s32 @p1 $0x1;
	p0 =	seq.s32 s7, s2  }
0x1e: {  	s7 =	smul.u32 @!p0 $0xF7A, s2;
	p2 =	seq.s32 @!p0 s5, $0x0  }
0x1f: {  	s9 =	smul.u32 $0xF7A, s1;
	s8 =	simm.s32 @!p0 $0x1BF5;
	p2 =	por !p2, p0  }
0x20: {  	[sflag:s8] =	ssyncset.s32 @!p0 $0xFFFFF086;
	s6 =	sadd.s32 @!p0 s3, s7;
	s7 =	simm.s32 @!p0 $0x108  }
0x21: {  	s3 =	sadd.s32 s3, s9;
	s6 =	sadd.s32 @!p0 $0x88, s6;
	s7 =	simm.s32 @p2 $0x1082  }
0x22: {  	[simem:s7], [sflag:s8] =	dma.local @!p0 [hbm:s6], $0xF7A  }
0x23: {  	s9 =	sor.u32 $0xD0000000, s2;
	s6 =	simm.s32 $0x108;
	_ =	swait.ge @!p0 [sflag:s8], $0x0  }
0x24: {  	s3 =	sadd.s32 $0x88, s3;
	s6 =	simm.s32 @!p1 $0x1082;
	[sflag:s4] =	ssyncset.s32 $0xFFFFF086  }
0x25: {  	[simem:s6], [sflag:s4] =	dma.local [hbm:s3], $0xF7A  }
0x26: {  	[smem:$0x3F96] =	sst s1;
	(tag) =	ssettag s2;
	_ =	strace s9  }
0x27: {  	s1 =	sld [smem:$0x3FA6]  }
0x28: {  	s2 =	sld [smem:$0x3FA7]  }
0x29: {  	s4 =	sld [smem:$0x3FA9]  }
0x2a: {  	p0 =	seq.s32 s5, $0x0;
	s5 =	sld [smem:$0x3FAA]  }
0x2b: {  	s6 =	sld [smem:$0x3FAB]  }
0x2c: {  	s7 =	sld [smem:$0x3FAC]  }
0x2d: {  	s3 =	simm.s32 $0x108;
	s8 =	sld [smem:$0x3FAD]  }
0x2e: {  	s3 =	simm.s32 @!p0 $0x1082;
	s9 =	sld [smem:$0x3FAE]  }
0x2f: {  	lr =	sadd.s32 s0, s3;
	s0 =	sld [smem:$0x3FA5]  }
0x30: {  	s3 =	sld [smem:$0x3FA8]  }
0x31: {  	[smem:$0x3FB1] =	sst s10  }
0x32: {  	s10 =	sld [smem:$0x3FAF];
	_ =	sdelay $0x3  }
0x33: {  	p0 =	seq.s32 s10, $0x1;
	s10 =	sld [smem:$0x3FB1];
	_ =	sdelay $0x3  }
0x34: {  	[smem:$0x3FB1] =	sst s10  }
0x35: {  	s10 =	sld [smem:$0x3FB0];
	_ =	sdelay $0x3  }
0x36: {  	p1 =	seq.s32 s10, $0x1;
	s10 =	sld [smem:$0x3FB1];
	_ =	sdelay $0x3  }
0x37: {  	[smem:$0x3FB1] =	sst s10  }
0x38: {  	s10 =	sld [smem:$0x3FB2]  }
0x39: {  	_ = 	snop;
	(pc) =	sbr.ind lr, $3  }
0x3a: {  	_ = 	snop  }
0x3b: {  	_ = 	snop  }
0x3c: {  	p2 =	seq.s32 s10, $0x1;
	s10 =	sld [smem:$0x3FB1]  }
0x3d: {  	_ =	shalt  }
0x3e: {  	_ =	shalt  }
0x3f: {  	_ =	shalt  }
0x40: {  	_ =	shalt  }
0x41: {  	_ =	shalt  }
0x42: {  	_ =	shalt  }
0x43: {  	_ =	shalt  }
0x44: {  	_ =	shalt  }
0x45: {  	_ =	shalt  }
0x46: {  	_ =	shalt  }
0x47: {  	_ =	shalt  }
0x48: {  	_ =	shalt  }
0x49: {  	_ =	shalt  }
0x4a: {  	_ =	shalt  }
0x4b: {  	_ =	shalt  }
0x4c: {  	_ =	shalt  }
0x4d: {  	_ =	shalt  }
0x4e: {  	_ =	shalt  }
0x4f: {  	_ =	shalt  }
0x50: {  	_ =	shalt  }
0x51: {  	_ =	shalt  }
0x52: {  	_ =	shalt  }
0x53: {  	_ =	shalt  }
0x54: {  	_ =	shalt  }
0x55: {  	_ =	shalt  }
0x56: {  	_ =	shalt  }
0x57: {  	_ =	shalt  }
0x58: {  	_ =	shalt  }
0x59: {  	_ =	shalt  }
0x5a: {  	_ =	shalt  }
0x5b: {  	_ =	shalt  }
0x5c: {  	_ =	shalt  }
0x5d: {  	_ =	shalt  }
0x5e: {  	_ =	shalt  }
0x5f: {  	_ =	shalt  }
0x60: {  	_ =	shalt  }
0x61: {  	_ =	shalt  }
0x62: {  	_ =	shalt  }
0x63: {  	_ =	shalt  }
0x64: {  	_ =	shalt  }
0x65: {  	_ =	shalt  }
0x66: {  	_ =	shalt  }
0x67: {  	_ =	shalt  }
0x68: {  	_ =	shalt  }
0x69: {  	_ =	shalt  }
0x6a: {  	_ =	shalt  }
0x6b: {  	_ =	shalt  }
0x6c: {  	_ =	shalt  }
0x6d: {  	_ =	shalt  }
0x6e: {  	_ =	shalt  }
0x6f: {  	_ =	shalt  }
0x70: {  	_ =	shalt  }
0x71: {  	_ =	shalt  }
0x72: {  	_ =	shalt  }
0x73: {  	_ =	shalt  }
0x74: {  	_ =	shalt  }
0x75: {  	_ =	shalt  }
0x76: {  	_ =	shalt  }
0x77: {  	_ =	shalt  }
0x78: {  	_ =	shalt  }
0x79: {  	_ =	shalt  }
0x7a: {  	_ =	shalt  }
0x7b: {  	_ =	shalt  }
0x7c: {  	_ =	shalt  }
0x7d: {  	_ =	shalt  }
0x7e: {  	_ =	shalt  }
0x7f: {  	_ =	shalt  }
0x80: {  	_ =	shalt  }
0x81: {  	_ =	shalt  }
0x82: {  	_ =	shalt  }
0x83: {  	_ =	shalt  }
0x84: {  	_ =	shalt  }
0x85: {  	_ =	shalt  }
0x86: {  	_ =	shalt  }
0x87: {  	_ =	shalt  }
.Lfunc_end0:
.L_simem_size_0:
called_computation.2_lowered:
.L_overlay_start_0:
0x88: {  	s2 =	sld [smem:$0x3FD9]  }
0x89: {  	s3 =	sld [smem:$0x3FFE];
	_ =	sdelay $0x1  }
0x8a: {  	s1 =	srdreg.scid  }
0x8b: {  	s0 =	sand.u32 $0x1, s1  }
0x8c: {  	s16 =	sshll.u32 s0, $0xA;
	s2 =	sadd.s32 s3, s2  }
0x8d: {  	s2 =	sadd.s32 s2, s16  }
0x8e: {  	[smem:$0x3FBD] =	sst s2  }
0x8f: {  	_ = 	snop  }
0x90: {  	(tm) =	ssettm $0x1  }
0x91: {  	s17 =	sld [smem:$0x3FFB];
	_ =	sdelay $0x3  }
0x92: {  	_ =	strace s17  }
0x93: {  	s2 =	sld [smem:$0x3FFC];
	_ =	sdelay $0x3  }
0x94: {  	_ =	strace s2  }
0x95: {  	s2 =	sld [smem:$0x3FFD];
	_ =	sdelay $0x3  }
0x96: {  	_ =	strace s2  }
0x97: {  	_ =	strace $0x8FFFFFFF  }
0x98: {  	s18 =	sld [smem:$0x3FDB];
	_ =	sdelay $0x1  }
0x99: {  	s19 =	simm.s32 $_scs_section_size  }
0x9a: {  	s4 =	simm.s32 $_size__tile_overlayer_lowered;
	s5 =	simm.s32 $_tile_overlayer_lowered  }
0x9b: {  	s22 =	simm.s32 $0x1BFF;
	s21 =	sshll.u32 s5, $0x1;
	s2 =	sadd.s32 s19, s18  }
0x9c: {  	s6 =	simm.s32 $0x0;
	s20 =	sshll.u32 s4, $0x1;
	s4 =	sadd.s32 s21, s2  }
0x9d: {  	[timem:s6], [sflag:s22] =	dma.local [hbm:s4], s20  }
0x9e: {  	_ =	swait.ge [sflag:s22], s20  }
0x9f: {  	s3 =	ssub.s32 $0x0, s20;
	[sflag:s22] =	ssyncset.done $0x0  }
0xa0: {  	[sflag:s22] =	ssyncadd.s32 s3;
	_ =	sdelay $0x1  }
0xa1: {  	s23 =	simm.s32 $0x1B8B  }
0xa2: {  	_ =	swait.ge [sflag:s23], $0x1  }
0xa3: {  	[sflag:s23] =	ssyncset.done $0x0  }
0xa4: {  	s25 =	simm.s32 $0x1B8E;
	s24 =	sld [smem:$0x3FFE];
	[sflag:s23] =	ssyncadd.s32 $0xFFFFFFFF  }
0xa5: {  	s26 =	simm.s32 $execute0_lowered;
	[smem:$0x3FD2] =	sst s25  }
0xa6: {  	s4 =	sshll.u32 s26, $0x1;
	_ =	strace $0x8000004C;
	[dreg:$0x1] =	wrdreg $0xFFFFFFFF  }
0xa7: {  	s28 =	simm.s32 $_size_execute0_lowered;
	s2 =	sadd.s32 s2, s4;
	[dreg:$0x0] =	wrdreg $0x0  }
0xa8: {  	s4 =	sshll.u32 s28, $0x1;
	[dreg:$0x2] =	wrdreg s2  }
0xa9: {  	[dreg:$0x3] =	wrdreg s4  }
0xaa: {  	[dreg:$0x4] =	wrdreg $0xC0  }
0xab: {  	_ =	task [dreg:s6], $0x5FFFF  }
0xac: {  	[dreg:$0x1] =	wrdreg $0xFFFFFFFF  }
0xad: {  	[dreg:$0x0] =	wrdreg $0x60  }
0xae: {  	[dreg:$0x2] =	wrdreg s24  }
0xaf: {  	[dreg:$0x3] =	wrdreg $0xA8000  }
0xb0: {  	[dreg:$0x4] =	wrdreg $0x9  }
0xb1: {  	_ =	task.clear_ibuf [dreg:s6], $0x5FFFF;
	_ =	strace $0x9000004C  }
0xb2: {  	s29 =	simm.s32 $0x9;
	_ =	strace $0x8000004E  }
0xb3: {  	_ =	swait.ge [sflag:s29], $0x1  }
0xb4: {  	[sflag:s29] =	ssyncadd.s32 $0xFFFFFFFF  }
0xb5: {  	_ =	strace $0x9000004E  }
0xb6: {  	_ =	sfence  }
0xb7: {  	s30 =	sld [smem:$0x0];
	_ =	sdelay $0x2  }
0xb8: {  	s31 =	sshll.u32 s1, $0xD;
	s1 =	sshrl.u32 s1, $0x2  }
0xb9: {  	s3 =	sand.u32 $0x4000, s31;
	s1 =	sadd.s32 s1, s30  }
0xba: {  	s0 =	sor.u32 s3, s0;
	s1 =	sshll.u32 s1, $0x11  }
0xbb: {  	s0 =	sor.u32 s1, s0  }
0xbc: {  	s0 =	sadd.s32 $0x8F2B, s0  }
0xbd: {  	[sflag:s0] =	ssyncadd.remote.s32 $0x1  }
0xbe: {  	_ =	sfence.sel $0xFFFF  }
0xbf: {  	[dreg:$0x0] =	wrdreg $0xFFFFFFFF;
	(pc) =	sbr.abs _section_cstart, $3  }
0xc0: {  	[dreg:$0x1] =	wrdreg $0xFFFFFFFF  }
0xc1: {  	_ =	task.clear_ibuf [dreg:s6], $0x2FFFF;
	_ =	strace $0x9FFFFFFF  }
0xc2: {  	(tm) =	ssettm $0x7FFFFFFF  }
0xc3: {  	_ =	shalt  }
tec
execute0_lowered:
.L_overlay_start_1:
0x0: {  	(tag) =	ssettag $0x1  }
0x1: {  	s1 =	srdreg.scid;
	s5 =	rddreg [dreg:$0x0]  }
0x2: {  	s0 =	stileid.u32;
	s2 =	rddreg [dreg:$0x1];
	s3 =	simm.s32 $0x0  }
0x3: {  	s14 =	simm.s32 $0x80;
	s15 =	simm.s32 $0x2800;
	s16 =	simm.s32 $0x6800  }
0x4: {  	s17 =	simm.s32 $0x1;
	s18 =	simm.s32 $0x2;
	s19 =	simm.s32 $0x2700  }
0x5: {  	s20 =	simm.s32 $0x2780;
	s23 =	simm.s32 $0x2600;
	s24 =	simm.s32 $0x1300  }
0x6: {  	s25 =	simm.s32 $0x2680;
	s6 =	sand.u32 $0x1, s1;
	s1 =	rddreg [dreg:$0x2]  }
0x7: {  	s26 =	sshll.u32 s0, $0x1;
	[smem:$0x7FF] =	sst s3;
	s8 =	smul.u32 $0x14000, s0  }
0x8: {  	s29 =	smul.u32 $0x50000, s0;
	s31 =	sshll.u32 s0, $0x6;
	s4 =	sor.u32 s6, s26  }
0x9: {  	_ =	strace $0x8000004D;
	s9 =	smul.u32 $0x140000, s6;
	s6 =	ssub.s32 $0x2, s6  }
0xa: {  	s26 =	simm.s32 $0x0;
	s7 =	smul.u32 $0x500, s4;
	s4 =	sadd.s32 $0x34A00, s5  }
0xb: {  	s28 =	sshrl.u32 s8, $0x3;
	s11 =	sshrl.u32 s6, $0x1;
	s30 =	sshrl.u32 s29, $0x2  }
0xc: {  	s8 =	sadd.s32 s8, s9;
	s11 =	ssub.s32 s6, s11;
	s13 =	sadd.s32 s30, s2  }
0xd: {  	s10 =	sadd.s32 s7, s5;
	s7 =	sadd.s32 s28, s5;
	s8 =	sshrl.u32 s8, $0x3  }
0xe: {  	s6 =	sor.u32 $0x1C03, s31;
	s12 =	sadd.s32 s8, s5;
	s5 =	sadd.s32 $0xCA00, s7  }
0xf: {  	s7 =	sadd.s32 $0x85200, s10;
	s8 =	sadd.s32 $0x2A00, s10;
	s10 =	smax.u32 s11, $0x1  }
0x10: {  	s11 =	sshrl.u32 s13, $0x3;
	s13 =	simm.s32 $0x1400;
	s9 =	sadd.s32 $0x8F200, s12  }
0x11: {  	s12 =	simm.s32 $0x3;
	s21 =	sadd.s32 $0x280, s7;
	s22 =	sadd.s32 $0x280, s8  }
.LBB2_1:
0x12: {  	[spmem:s11], [sflag:s6] =	dma.local [hbm:s5], $0x2800  }
0x13: {  	_ =	swait.ge [sflag:s12], $0x2800  }
0x14: {  	[sflag:s12] =	ssyncset.done $0x0  }
0x15: {  	[sflag:s12] =	ssyncadd.s32 $0xFFFFD800  }
0x16: {  	[bflag:$0x0] =	sbarrier.arrive $0xFFFF  }
0x17: {  	[tilespmem:s3], [sflag:$0x3] =	stream.linear.gather [hbm4b:s7+s3], $0x1400, $0x38;
	[tilespmem:$0x1E800] =	vst v63  }
0x18: {  	_ =	swait.ge [sflag:s12], $0x1400  }
0x19: {  	[sflag:s12] =	ssyncset.done $0x0  }
0x1a: {  	[sflag:s12] =	ssyncadd.s32 $0xFFFFEC00  }
0x1b: {  	[tilespmem:s13], [sflag:$0x3] =	stream.linear.gather [hbm4b:s8+s3], $0x1400, $0x38;
	[tilespmem:$0x1E800] =	vst v63  }
0x1c: {  	_ =	swait.ge [sflag:s12], $0x1400  }
0x1d: {  	[sflag:s12] =	ssyncset.done $0x0  }
0x1e: {  	[sflag:s12] =	ssyncadd.s32 $0xFFFFEC00  }
0x1f: {  	[tilespmem:s15], [sflag:$0x1] =	stream.indirect.gather [hbm4b:s4+s14], $0x80, s3, s14, $0xb8;
	[tilespmem:$0x1E800] =	vst v63  }
0x20: {  	_ = 	snop  }
0x21: {  	[tilespmem:s16], [sflag:$0x2] =	stream.indirect.gather [hbm4b:s4+s14], $0x80, s14, s14, $0xb8;
	[tilespmem:$0x1E800] =	vst v63  }
0x22: {  	_ =	swait.ge [sflag:s17], $0x4000  }
0x23: {  	[sflag:s17] =	ssyncset.done $0x0  }
0x24: {  	s28 =	simm.s32 $0x1400;
	[sflag:s17] =	ssyncadd.s32 $0xFFFFC000  }
0x25: {  	[spmem:s2] =	stream.indirect.scatter.add.f32 [tilespmem:s15], [sflag:$0x3], $0x80, s28, s14, $0xb8;
	[tilespmem:$0x1E800] =	vst v63  }
0x26: {  	_ =	swait.ge [sflag:s12], $0x4000  }
0x27: {  	[sflag:s12] =	ssyncset.done $0x0  }
0x28: {  	s28 =	simm.s32 $0x100;
	[sflag:s12] =	ssyncadd.s32 $0xFFFFC000  }
0x29: {  	[tilespmem:s15], [sflag:$0x1] =	stream.indirect.gather [hbm4b:s4+s14], $0x80, s28, s14, $0xb8;
	[tilespmem:$0x1E800] =	vst v63  }
0x2a: {  	_ =	swait.ge [sflag:s18], $0x4000  }
0x2b: {  	[sflag:s18] =	ssyncset.done $0x0  }
0x2c: {  	s28 =	simm.s32 $0x1480;
	[sflag:s18] =	ssyncadd.s32 $0xFFFFC000  }
0x2d: {  	[spmem:s2] =	stream.indirect.scatter.add.f32 [tilespmem:s16], [sflag:$0x3], $0x80, s28, s14, $0xb8;
	[tilespmem:$0x1E800] =	vst v63  }
0x2e: {  	_ =	swait.ge [sflag:s12], $0x4000  }
0x2f: {  	[sflag:s12] =	ssyncset.done $0x0  }
0x30: {  	s29 =	simm.s32 $0x180;
	s28 =	simm.s32 $0x400;
	[sflag:s12] =	ssyncadd.s32 $0xFFFFC000  }
.LBB2_2:
0x31: {  	[tilespmem:s16], [sflag:$0x2] =	stream.indirect.gather [hbm4b:s4+s14], $0x80, s29, s14, $0xb8;
	[tilespmem:$0x1E800] =	vst v63  }
0x32: {  	s29 =	smov.u32 s28  }
0x33: {  	p0 =	sne.s32 s28, $0x4800;
	s28 =	sadd.s32 $0x400, s28;
	_ =	swait.ge [sflag:s17], $0x4000  }
0x34: {  	s29 =	sshra.s32 s29, $0x2;
	[sflag:s17] =	ssyncset.done $0x0  }
0x35: {  	s30 =	sadd.s32 $0x1400, s29;
	[sflag:s17] =	ssyncadd.s32 $0xFFFFC000  }
0x36: {  	[spmem:s2] =	stream.indirect.scatter.add.f32 [tilespmem:s15], [sflag:$0x3], $0x80, s30, s14, $0xb8;
	[tilespmem:$0x1E800] =	vst v63  }
0x37: {  	_ =	swait.ge [sflag:s12], $0x4000  }
0x38: {  	[sflag:s12] =	ssyncset.done $0x0  }
0x39: {  	s30 =	sadd.s32 $0x100, s29;
	[sflag:s12] =	ssyncadd.s32 $0xFFFFC000  }
0x3a: {  	[tilespmem:s15], [sflag:$0x1] =	stream.indirect.gather [hbm4b:s4+s14], $0x80, s30, s14, $0xb8;
	[tilespmem:$0x1E800] =	vst v63  }
0x3b: {  	_ =	swait.ge [sflag:s18], $0x4000  }
0x3c: {  	[sflag:s18] =	ssyncset.done $0x0  }
.Ltmp0:
0x3d: {  	s30 =	sadd.s32 $0x1480, s29;
	[sflag:s18] =	ssyncadd.s32 $0xFFFFC000;
	(pc) =	sbr.rel @p0 .LBB2_2-.Ltmp0, $4  }
0x3e: {  	[spmem:s2] =	stream.indirect.scatter.add.f32 [tilespmem:s16], [sflag:$0x3], $0x80, s30, s14, $0xb8;
	[tilespmem:$0x1E800] =	vst v63  }
0x3f: {  	_ =	swait.ge [sflag:s12], $0x4000  }
0x40: {  	[sflag:s12] =	ssyncset.done $0x0  }
0x41: {  	s29 =	sadd.s32 $0x180, s29;
	[sflag:s12] =	ssyncadd.s32 $0xFFFFC000  }
0x42: {  	[tilespmem:s16], [sflag:$0x2] =	stream.indirect.gather [hbm4b:s4+s14], $0x80, s29, s14, $0xb8;
	[tilespmem:$0x1E800] =	vst v63  }
0x43: {  	_ =	swait.ge [sflag:s17], $0x4000  }
0x44: {  	[sflag:s17] =	ssyncset.done $0x0  }
0x45: {  	[sflag:s17] =	ssyncadd.s32 $0xFFFFC000  }
0x46: {  	[spmem:s2] =	stream.indirect.scatter.add.f32 [tilespmem:s15], [sflag:$0x3], $0x80, s19, s14, $0xb8;
	[tilespmem:$0x1E800] =	vst v63  }
0x47: {  	_ =	swait.ge [sflag:s12], $0x4000  }
0x48: {  	[sflag:s12] =	ssyncset.done $0x0  }
0x49: {  	[sflag:s12] =	ssyncadd.s32 $0xFFFFC000  }
0x4a: {  	_ =	swait.ge [sflag:s18], $0x4000  }
0x4b: {  	[sflag:s18] =	ssyncset.done $0x0  }
0x4c: {  	[sflag:s18] =	ssyncadd.s32 $0xFFFFC000  }
0x4d: {  	[spmem:s2] =	stream.indirect.scatter.add.f32 [tilespmem:s16], [sflag:$0x3], $0x80, s20, s14, $0xb8;
	[tilespmem:$0x1E800] =	vst v63  }
0x4e: {  	_ =	swait.ge [sflag:s12], $0x4000  }
0x4f: {  	[sflag:s12] =	ssyncset.done $0x0  }
0x50: {  	s28 =	simm.s32 $0x0;
	[sflag:s12] =	ssyncadd.s32 $0xFFFFC000  }
0x51: {  	[tilespmem:s28], [sflag:$0x3] =	stream.linear.gather [hbm4b:s21+s28], $0x1380, $0x38;
	[tilespmem:$0x1E800] =	vst v63  }
0x52: {  	_ =	swait.ge [sflag:s12], $0x1380  }
0x53: {  	[sflag:s12] =	ssyncset.done $0x0  }
0x54: {  	[sflag:s12] =	ssyncadd.s32 $0xFFFFEC80  }
0x55: {  	[tilespmem:s13], [sflag:$0x3] =	stream.linear.gather [hbm4b:s22+s28], $0x1380, $0x38;
	[tilespmem:$0x1E800] =	vst v63  }
0x56: {  	_ =	swait.ge [sflag:s12], $0x1380  }
0x57: {  	[sflag:s12] =	ssyncset.done $0x0  }
0x58: {  	[sflag:s12] =	ssyncadd.s32 $0xFFFFEC80  }
0x59: {  	[tilespmem:s15], [sflag:$0x1] =	stream.indirect.gather [hbm4b:s4+s14], $0x80, s28, s14, $0xb8;
	[tilespmem:$0x1E800] =	vst v63  }
0x5a: {  	_ = 	snop  }
0x5b: {  	[tilespmem:s16], [sflag:$0x2] =	stream.indirect.gather [hbm4b:s4+s14], $0x80, s14, s14, $0xb8;
	[tilespmem:$0x1E800] =	vst v63  }
0x5c: {  	_ =	swait.ge [sflag:s17], $0x4000  }
0x5d: {  	[sflag:s17] =	ssyncset.done $0x0  }
0x5e: {  	s28 =	simm.s32 $0x1400;
	[sflag:s17] =	ssyncadd.s32 $0xFFFFC000  }
0x5f: {  	[spmem:s2] =	stream.indirect.scatter.add.f32 [tilespmem:s15], [sflag:$0x3], $0x80, s28, s14, $0xb8;
	[tilespmem:$0x1E800] =	vst v63  }
0x60: {  	_ =	swait.ge [sflag:s12], $0x4000  }
0x61: {  	[sflag:s12] =	ssyncset.done $0x0  }
0x62: {  	s28 =	simm.s32 $0x100;
	[sflag:s12] =	ssyncadd.s32 $0xFFFFC000  }
0x63: {  	[tilespmem:s15], [sflag:$0x1] =	stream.indirect.gather [hbm4b:s4+s14], $0x80, s28, s14, $0xb8;
	[tilespmem:$0x1E800] =	vst v63  }
0x64: {  	_ =	swait.ge [sflag:s18], $0x4000  }
0x65: {  	[sflag:s18] =	ssyncset.done $0x0  }
0x66: {  	s28 =	simm.s32 $0x1480;
	[sflag:s18] =	ssyncadd.s32 $0xFFFFC000  }
0x67: {  	[spmem:s2] =	stream.indirect.scatter.add.f32 [tilespmem:s16], [sflag:$0x3], $0x80, s28, s14, $0xb8;
	[tilespmem:$0x1E800] =	vst v63  }
0x68: {  	_ =	swait.ge [sflag:s12], $0x4000  }
0x69: {  	[sflag:s12] =	ssyncset.done $0x0  }
0x6a: {  	s29 =	simm.s32 $0x180;
	s28 =	simm.s32 $0x400;
	[sflag:s12] =	ssyncadd.s32 $0xFFFFC000  }
.LBB2_4:
0x6b: {  	[tilespmem:s16], [sflag:$0x2] =	stream.indirect.gather [hbm4b:s4+s14], $0x80, s29, s14, $0xb8;
	[tilespmem:$0x1E800] =	vst v63  }
0x6c: {  	s29 =	smov.u32 s28  }
0x6d: {  	p0 =	sne.s32 s28, $0x4400;
	s28 =	sadd.s32 $0x400, s28;
	_ =	swait.ge [sflag:s17], $0x4000  }
0x6e: {  	s29 =	sshra.s32 s29, $0x2;
	[sflag:s17] =	ssyncset.done $0x0  }
0x6f: {  	s30 =	sadd.s32 $0x1400, s29;
	[sflag:s17] =	ssyncadd.s32 $0xFFFFC000  }
0x70: {  	[spmem:s2] =	stream.indirect.scatter.add.f32 [tilespmem:s15], [sflag:$0x3], $0x80, s30, s14, $0xb8;
	[tilespmem:$0x1E800] =	vst v63  }
0x71: {  	_ =	swait.ge [sflag:s12], $0x4000  }
0x72: {  	[sflag:s12] =	ssyncset.done $0x0  }
0x73: {  	s30 =	sadd.s32 $0x100, s29;
	[sflag:s12] =	ssyncadd.s32 $0xFFFFC000  }
0x74: {  	[tilespmem:s15], [sflag:$0x1] =	stream.indirect.gather [hbm4b:s4+s14], $0x80, s30, s14, $0xb8;
	[tilespmem:$0x1E800] =	vst v63  }
0x75: {  	_ =	swait.ge [sflag:s18], $0x4000  }
0x76: {  	[sflag:s18] =	ssyncset.done $0x0  }
.Ltmp1:
0x77: {  	s30 =	sadd.s32 $0x1480, s29;
	[sflag:s18] =	ssyncadd.s32 $0xFFFFC000;
	(pc) =	sbr.rel @p0 .LBB2_4-.Ltmp1, $4  }
0x78: {  	[spmem:s2] =	stream.indirect.scatter.add.f32 [tilespmem:s16], [sflag:$0x3], $0x80, s30, s14, $0xb8;
	[tilespmem:$0x1E800] =	vst v63  }
0x79: {  	_ =	swait.ge [sflag:s12], $0x4000  }
0x7a: {  	[sflag:s12] =	ssyncset.done $0x0  }
0x7b: {  	s29 =	sadd.s32 $0x180, s29;
	[sflag:s12] =	ssyncadd.s32 $0xFFFFC000  }
0x7c: {  	[tilespmem:s16], [sflag:$0x2] =	stream.indirect.gather [hbm4b:s4+s14], $0x80, s29, s14, $0xb8;
	[tilespmem:$0x1E800] =	vst v63  }
0x7d: {  	_ =	swait.ge [sflag:s17], $0x4000  }
0x7e: {  	[sflag:s17] =	ssyncset.done $0x0  }
0x7f: {  	[sflag:s17] =	ssyncadd.s32 $0xFFFFC000  }
0x80: {  	[spmem:s2] =	stream.indirect.scatter.add.f32 [tilespmem:s15], [sflag:$0x3], $0x80, s23, s14, $0xb8;
	[tilespmem:$0x1E800] =	vst v63  }
0x81: {  	_ =	swait.ge [sflag:s12], $0x4000  }
0x82: {  	[sflag:s12] =	ssyncset.done $0x0  }
0x83: {  	[sflag:s12] =	ssyncadd.s32 $0xFFFFC000  }
0x84: {  	[tilespmem:s15], [sflag:$0x1] =	stream.indirect.gather [hbm4b:s4+s14], $0x80, s24, s14, $0xb8;
	[tilespmem:$0x1E800] =	vst v63  }
0x85: {  	_ =	swait.ge [sflag:s18], $0x4000  }
0x86: {  	[sflag:s18] =	ssyncset.done $0x0  }
0x87: {  	[sflag:s18] =	ssyncadd.s32 $0xFFFFC000  }
0x88: {  	[spmem:s2] =	stream.indirect.scatter.add.f32 [tilespmem:s16], [sflag:$0x3], $0x80, s25, s14, $0xb8;
	[tilespmem:$0x1E800] =	vst v63  }
0x89: {  	_ =	swait.ge [sflag:s12], $0x4000  }
0x8a: {  	[sflag:s12] =	ssyncset.done $0x0  }
0x8b: {  	[sflag:s12] =	ssyncadd.s32 $0xFFFFC000  }
0x8c: {  	_ =	swait.ge [sflag:s17], $0x4000  }
0x8d: {  	[sflag:s17] =	ssyncset.done $0x0  }
0x8e: {  	[sflag:s17] =	ssyncadd.s32 $0xFFFFC000  }
0x8f: {  	[spmem:s2] =	stream.indirect.scatter.add.f32 [tilespmem:s15], [sflag:$0x3], $0x80, s19, s14, $0xb8;
	[tilespmem:$0x1E800] =	vst v63  }
0x90: {  	_ =	swait.ge [sflag:s12], $0x4000  }
0x91: {  	s26 =	sadd.s32 $0x1, s26;
	[sflag:s12] =	ssyncset.done $0x0  }
0x92: {  	p0 =	sne.s32 s26, s10;
	[sflag:s12] =	ssyncadd.s32 $0xFFFFC000  }
.Ltmp2:
0x93: {  	[bflag:$0x0] =	sbarrier.arrive $0xFFFF;
	(pc) =	sbr.rel @p0 .LBB2_1-.Ltmp2, $4  }
0x94: {  	[hbm:s9], [sflag:s6] =	dma.local [spmem:s11], $0x2800  }
0x95: {  	_ =	swait.ge [sflag:s12], $0x2800  }
0x96: {  	[sflag:s12] =	ssyncset.done $0x0  }
0x97: {  	[sflag:s12] =	ssyncadd.s32 $0xFFFFD800  }
0x98: {  	_ =	sfence.sel $0x180000  }
0x99: {  	[bflag:$0x0] =	sbarrier.arrive $0xFFFF  }
0x9a: {  	p0 =	sne.s32 s0, $0x0;
	_ =	strace $0x9000004D  }
0x9b: {  	s0 =	sadd.s32 @!p0 $0x100000, s1;
	[bflag:$0x2] =	sbarrier.arrive $0xFFFF  }
0x9c: {  	[sflag:s0] =	ssyncadd.tile.s32 @!p0 $0x1;
	_ =	shalt  }
.Lfunc_end2:
_tile_overlayer_lowered:
.L_overlay_start_2:
0x9d: {  	(tag) =	ssettag $0x2  }
0x9e: {  	s0 =	rddreg [dreg:$0x0];
	s2 =	stileid.u32  }
0x9f: {  	s1 =	rddreg [dreg:$0x1];
	p0 =	sne.s32 s2, $0x0  }
0xa0: {  	s3 =	rddreg [dreg:$0x2];
	[bflag:$0x3] =	sbarrier.arrive $0xFFFF;
	s2 =	simm.s32 @!p0 $0x1C03  }
0xa1: {  	[timem:s3], [sflag:s2] =	dma.local @!p0 [hbm:s0], s1  }
0xa2: {  	s0 =	simm.s32 @!p0 $0x3  }
0xa3: {  	_ =	swait.ge @!p0 [sflag:s0], s1  }
0xa4: {  	s1 =	ssub.s32 @!p0 $0x0, s1;
	[sflag:s0] =	ssyncset.done @!p0 $0x0  }
0xa5: {  	[sflag:s0] =	ssyncadd.s32 @!p0 s1  }
0xa6: {  	[bflag:$0x3] =	sbarrier.arrive $0xFFFF  }
0xa7: {  	_ =	shalt  }

// kernel: kernel.19.cloned.1.call-start
scs
__scs_entry_jumppad:
0x0: {  	(pc) =	sbr.rel $0x88, $3  }
0x1: {  	(tag) =	ssettag $0x0;
	lr =	simm.s32 $0x1  }
0x2: {  	[smem:$0x3F96] =	sst lr;
	_ =	strace $0xD0000000  }
0x3: {  	_ = 	snop  }
0x4: {  	_ = 	snop  }
0x5: {  	_ = 	snop  }
0x6: {  	_ = 	snop  }
0x7: {  	_ = 	snop  }
__scs_overlays_trampoline_lowered:
0x8: {  	[smem:$0x3FA5] =	sst s0  }
0x9: {  	[smem:$0x3FA6] =	sst s1  }
0xa: {  	[smem:$0x3FA7] =	sst s2  }
0xb: {  	[smem:$0x3FA8] =	sst s3  }
0xc: {  	[smem:$0x3FA9] =	sst s4  }
0xd: {  	[smem:$0x3FAA] =	sst s5  }
0xe: {  	[smem:$0x3FAB] =	sst s6  }
0xf: {  	[smem:$0x3FAC] =	sst s7  }
0x10: {  	[smem:$0x3FAD] =	sst s8  }
0x11: {  	[smem:$0x3FAE] =	sst s9;
	s0 =	simm.s32 @!p0 $0x0  }
0x12: {  	s1 =	sld [smem:$0x3F94];
	s0 =	simm.s32 @p0 $0x1  }
0x13: {  	[smem:$0x3FAF] =	sst s0;
	s0 =	simm.s32 @!p1 $0x0  }
0x14: {  	s2 =	sld [smem:$0x3F93];
	s0 =	simm.s32 @p1 $0x1  }
0x15: {  	[smem:$0x3FB0] =	sst s0;
	s0 =	simm.s32 @!p2 $0x0  }
0x16: {  	s3 =	sld [smem:$0x3FDB];
	s0 =	simm.s32 @p2 $0x1  }
0x17: {  	s4 =	simm.s32 $0x1BF5;
	[smem:$0x3FB2] =	sst s0  }
0x18: {  	s0 =	sld [smem:$0x3F95];
	_ =	swait.ge [sflag:s4], $0x0  }
0x19: {  	s7 =	sld [smem:$0x3F96]  }
0x1a: {  	s8 =	sadd.s32 $0xFFFFE003, lr  }
0x1b: {  	s9 =	sadd.s32 $0xFFFFFEF7, lr;
	s5 =	simm.s32 $0xFFFFFFFF;
	p2 =	slt.u32 s8, $0xFFFFF086  }
0x1c: {  	p1 =	slt.u32 s9, $0xF7A;
	s5 =	simm.s32 @!p2 $0x0  }
0x1d: {  	s5 =	simm.s32 @p1 $0x1;
	p0 =	seq.s32 s7, s2  }
0x1e: {  	s7 =	smul.u32 @!p0 $0xF7A, s2;
	p2 =	seq.s32 @!p0 s5, $0x0  }
0x1f: {  	s9 =	smul.u32 $0xF7A, s1;
	s8 =	simm.s32 @!p0 $0x1BF5;
	p2 =	por !p2, p0  }
0x20: {  	[sflag:s8] =	ssyncset.s32 @!p0 $0xFFFFF086;
	s6 =	sadd.s32 @!p0 s3, s7;
	s7 =	simm.s32 @!p0 $0x108  }
0x21: {  	s3 =	sadd.s32 s3, s9;
	s6 =	sadd.s32 @!p0 $0x88, s6;
	s7 =	simm.s32 @p2 $0x1082  }
0x22: {  	[simem:s7], [sflag:s8] =	dma.local @!p0 [hbm:s6], $0xF7A  }
0x23: {  	s9 =	sor.u32 $0xD0000000, s2;
	s6 =	simm.s32 $0x108;
	_ =	swait.ge @!p0 [sflag:s8], $0x0  }
0x24: {  	s3 =	sadd.s32 $0x88, s3;
	s6 =	simm.s32 @!p1 $0x1082;
	[sflag:s4] =	ssyncset.s32 $0xFFFFF086  }
0x25: {  	[simem:s6], [sflag:s4] =	dma.local [hbm:s3], $0xF7A  }
0x26: {  	[smem:$0x3F96] =	sst s1;
	(tag) =	ssettag s2;
	_ =	strace s9  }
0x27: {  	s1 =	sld [smem:$0x3FA6]  }
0x28: {  	s2 =	sld [smem:$0x3FA7]  }
0x29: {  	s4 =	sld [smem:$0x3FA9]  }
0x2a: {  	p0 =	seq.s32 s5, $0x0;
	s5 =	sld [smem:$0x3FAA]  }
0x2b: {  	s6 =	sld [smem:$0x3FAB]  }
0x2c: {  	s7 =	sld [smem:$0x3FAC]  }
0x2d: {  	s3 =	simm.s32 $0x108;
	s8 =	sld [smem:$0x3FAD]  }
0x2e: {  	s3 =	simm.s32 @!p0 $0x1082;
	s9 =	sld [smem:$0x3FAE]  }
0x2f: {  	lr =	sadd.s32 s0, s3;
	s0 =	sld [smem:$0x3FA5]  }
0x30: {  	s3 =	sld [smem:$0x3FA8]  }
0x31: {  	[smem:$0x3FB1] =	sst s10  }
0x32: {  	s10 =	sld [smem:$0x3FAF];
	_ =	sdelay $0x3  }
0x33: {  	p0 =	seq.s32 s10, $0x1;
	s10 =	sld [smem:$0x3FB1];
	_ =	sdelay $0x3  }
0x34: {  	[smem:$0x3FB1] =	sst s10  }
0x35: {  	s10 =	sld [smem:$0x3FB0];
	_ =	sdelay $0x3  }
0x36: {  	p1 =	seq.s32 s10, $0x1;
	s10 =	sld [smem:$0x3FB1];
	_ =	sdelay $0x3  }
0x37: {  	[smem:$0x3FB1] =	sst s10  }
0x38: {  	s10 =	sld [smem:$0x3FB2]  }
0x39: {  	_ = 	snop;
	(pc) =	sbr.ind lr, $3  }
0x3a: {  	_ = 	snop  }
0x3b: {  	_ = 	snop  }
0x3c: {  	p2 =	seq.s32 s10, $0x1;
	s10 =	sld [smem:$0x3FB1]  }
0x3d: {  	_ =	shalt  }
0x3e: {  	_ =	shalt  }
0x3f: {  	_ =	shalt  }
0x40: {  	_ =	shalt  }
0x41: {  	_ =	shalt  }
0x42: {  	_ =	shalt  }
0x43: {  	_ =	shalt  }
0x44: {  	_ =	shalt  }
0x45: {  	_ =	shalt  }
0x46: {  	_ =	shalt  }
0x47: {  	_ =	shalt  }
0x48: {  	_ =	shalt  }
0x49: {  	_ =	shalt  }
0x4a: {  	_ =	shalt  }
0x4b: {  	_ =	shalt  }
0x4c: {  	_ =	shalt  }
0x4d: {  	_ =	shalt  }
0x4e: {  	_ =	shalt  }
0x4f: {  	_ =	shalt  }
0x50: {  	_ =	shalt  }
0x51: {  	_ =	shalt  }
0x52: {  	_ =	shalt  }
0x53: {  	_ =	shalt  }
0x54: {  	_ =	shalt  }
0x55: {  	_ =	shalt  }
0x56: {  	_ =	shalt  }
0x57: {  	_ =	shalt  }
0x58: {  	_ =	shalt  }
0x59: {  	_ =	shalt  }
0x5a: {  	_ =	shalt  }
0x5b: {  	_ =	shalt  }
0x5c: {  	_ =	shalt  }
0x5d: {  	_ =	shalt  }
0x5e: {  	_ =	shalt  }
0x5f: {  	_ =	shalt  }
0x60: {  	_ =	shalt  }
0x61: {  	_ =	shalt  }
0x62: {  	_ =	shalt  }
0x63: {  	_ =	shalt  }
0x64: {  	_ =	shalt  }
0x65: {  	_ =	shalt  }
0x66: {  	_ =	shalt  }
0x67: {  	_ =	shalt  }
0x68: {  	_ =	shalt  }
0x69: {  	_ =	shalt  }
0x6a: {  	_ =	shalt  }
0x6b: {  	_ =	shalt  }
0x6c: {  	_ =	shalt  }
0x6d: {  	_ =	shalt  }
0x6e: {  	_ =	shalt  }
0x6f: {  	_ =	shalt  }
0x70: {  	_ =	shalt  }
0x71: {  	_ =	shalt  }
0x72: {  	_ =	shalt  }
0x73: {  	_ =	shalt  }
0x74: {  	_ =	shalt  }
0x75: {  	_ =	shalt  }
0x76: {  	_ =	shalt  }
0x77: {  	_ =	shalt  }
0x78: {  	_ =	shalt  }
0x79: {  	_ =	shalt  }
0x7a: {  	_ =	shalt  }
0x7b: {  	_ =	shalt  }
0x7c: {  	_ =	shalt  }
0x7d: {  	_ =	shalt  }
0x7e: {  	_ =	shalt  }
0x7f: {  	_ =	shalt  }
0x80: {  	_ =	shalt  }
0x81: {  	_ =	shalt  }
0x82: {  	_ =	shalt  }
0x83: {  	_ =	shalt  }
0x84: {  	_ =	shalt  }
0x85: {  	_ =	shalt  }
0x86: {  	_ =	shalt  }
0x87: {  	_ =	shalt  }
.Lfunc_end0:
.L_simem_size_0:
called_computation.3_lowered:
.L_overlay_start_0:
0x88: {  	s2 =	sld [smem:$0x3FD9]  }
0x89: {  	s3 =	sld [smem:$0x3FFE];
	_ =	sdelay $0x1  }
0x8a: {  	s1 =	srdreg.scid  }
0x8b: {  	s0 =	sand.u32 $0x1, s1  }
0x8c: {  	s16 =	sshll.u32 s0, $0xA;
	s2 =	sadd.s32 s3, s2  }
0x8d: {  	s2 =	sadd.s32 s2, s16  }
0x8e: {  	[smem:$0x3FBD] =	sst s2  }
0x8f: {  	_ = 	snop  }
0x90: {  	(tm) =	ssettm $0x1  }
0x91: {  	s17 =	sld [smem:$0x3FFB];
	_ =	sdelay $0x3  }
0x92: {  	_ =	strace s17  }
0x93: {  	s2 =	sld [smem:$0x3FFC];
	_ =	sdelay $0x3  }
0x94: {  	_ =	strace s2  }
0x95: {  	s2 =	sld [smem:$0x3FFD];
	_ =	sdelay $0x3  }
0x96: {  	_ =	strace s2  }
0x97: {  	_ =	strace $0x8FFFFFFF  }
0x98: {  	s18 =	sld [smem:$0x3FDB];
	_ =	sdelay $0x1  }
0x99: {  	s19 =	simm.s32 $_scs_section_size  }
0x9a: {  	s4 =	simm.s32 $_size__tile_overlayer_lowered;
	s5 =	simm.s32 $_tile_overlayer_lowered  }
0x9b: {  	s22 =	simm.s32 $0x1BFF;
	s21 =	sshll.u32 s5, $0x1;
	s2 =	sadd.s32 s19, s18  }
0x9c: {  	s6 =	simm.s32 $0x0;
	s20 =	sshll.u32 s4, $0x1;
	s4 =	sadd.s32 s21, s2  }
0x9d: {  	[timem:s6], [sflag:s22] =	dma.local [hbm:s4], s20  }
0x9e: {  	_ =	swait.ge [sflag:s22], s20  }
0x9f: {  	s3 =	ssub.s32 $0x0, s20;
	[sflag:s22] =	ssyncset.done $0x0  }
0xa0: {  	[sflag:s22] =	ssyncadd.s32 s3;
	_ =	sdelay $0x1  }
0xa1: {  	s23 =	simm.s32 $0x1B8B  }
0xa2: {  	_ =	swait.ge [sflag:s23], $0x1  }
0xa3: {  	[sflag:s23] =	ssyncset.done $0x0  }
0xa4: {  	s25 =	simm.s32 $0x1B8E;
	s24 =	sld [smem:$0x3FFE];
	[sflag:s23] =	ssyncadd.s32 $0xFFFFFFFF  }
0xa5: {  	s26 =	simm.s32 $execute0_lowered;
	[smem:$0x3FD2] =	sst s25  }
0xa6: {  	s4 =	sshll.u32 s26, $0x1;
	_ =	strace $0x8000004F;
	[dreg:$0x1] =	wrdreg $0xFFFFFFFF  }
0xa7: {  	s28 =	simm.s32 $_size_execute0_lowered;
	s2 =	sadd.s32 s2, s4;
	[dreg:$0x0] =	wrdreg $0x0  }
0xa8: {  	s4 =	sshll.u32 s28, $0x1;
	[dreg:$0x2] =	wrdreg s2  }
0xa9: {  	[dreg:$0x3] =	wrdreg s4  }
0xaa: {  	[dreg:$0x4] =	wrdreg $0xC0  }
0xab: {  	_ =	task [dreg:s6], $0x5FFFF  }
0xac: {  	[dreg:$0x1] =	wrdreg $0xFFFFFFFF  }
0xad: {  	[dreg:$0x0] =	wrdreg $0x60  }
0xae: {  	[dreg:$0x2] =	wrdreg s24  }
0xaf: {  	[dreg:$0x3] =	wrdreg $0xA8000  }
0xb0: {  	[dreg:$0x4] =	wrdreg $0x9  }
0xb1: {  	_ =	task.clear_ibuf [dreg:s6], $0x5FFFF;
	_ =	strace $0x9000004F  }
0xb2: {  	s29 =	simm.s32 $0x9;
	_ =	strace $0x80000051  }
0xb3: {  	_ =	swait.ge [sflag:s29], $0x1  }
0xb4: {  	[sflag:s29] =	ssyncadd.s32 $0xFFFFFFFF  }
0xb5: {  	_ =	strace $0x90000051  }
0xb6: {  	_ =	sfence  }
0xb7: {  	s30 =	sld [smem:$0x0];
	_ =	sdelay $0x2  }
0xb8: {  	s31 =	sshll.u32 s1, $0xD;
	s1 =	sshrl.u32 s1, $0x2  }
0xb9: {  	s3 =	sand.u32 $0x4000, s31;
	s1 =	sadd.s32 s1, s30  }
0xba: {  	s0 =	sor.u32 s3, s0;
	s1 =	sshll.u32 s1, $0x11  }
0xbb: {  	s0 =	sor.u32 s1, s0  }
0xbc: {  	s0 =	sadd.s32 $0x8F2B, s0  }
0xbd: {  	[sflag:s0] =	ssyncadd.remote.s32 $0x1  }
0xbe: {  	_ =	sfence.sel $0xFFFF  }
0xbf: {  	[dreg:$0x0] =	wrdreg $0xFFFFFFFF;
	(pc) =	sbr.abs _section_cstart, $3  }
0xc0: {  	[dreg:$0x1] =	wrdreg $0xFFFFFFFF  }
0xc1: {  	_ =	task.clear_ibuf [dreg:s6], $0x2FFFF;
	_ =	strace $0x9FFFFFFF  }
0xc2: {  	(tm) =	ssettm $0x7FFFFFFF  }
0xc3: {  	_ =	shalt  }
tec
execute0_lowered:
.L_overlay_start_1:
0x0: {  	(tag) =	ssettag $0x1  }
0x1: {  	s1 =	srdreg.scid;
	s5 =	rddreg [dreg:$0x0]  }
0x2: {  	s0 =	stileid.u32;
	s2 =	rddreg [dreg:$0x1];
	s3 =	simm.s32 $0x0  }
0x3: {  	s14 =	simm.s32 $0x80;
	s15 =	simm.s32 $0x2800;
	s16 =	simm.s32 $0x6800  }
0x4: {  	s17 =	simm.s32 $0x1;
	s18 =	simm.s32 $0x2;
	s19 =	simm.s32 $0x2700  }
0x5: {  	s20 =	simm.s32 $0x2780;
	s23 =	simm.s32 $0x2600;
	s24 =	simm.s32 $0x1300  }
0x6: {  	s25 =	simm.s32 $0x2680;
	s6 =	sand.u32 $0x1, s1;
	s1 =	rddreg [dreg:$0x2]  }
0x7: {  	s26 =	sshll.u32 s0, $0x1;
	[smem:$0x7FF] =	sst s3;
	s8 =	smul.u32 $0x14000, s0  }
0x8: {  	s29 =	smul.u32 $0x50000, s0;
	s31 =	sshll.u32 s0, $0x6;
	s4 =	sor.u32 s6, s26  }
0x9: {  	_ =	strace $0x80000050;
	s9 =	smul.u32 $0x140000, s6;
	s6 =	ssub.s32 $0x2, s6  }
0xa: {  	s26 =	simm.s32 $0x0;
	s7 =	smul.u32 $0x500, s4;
	s4 =	sadd.s32 $0x34A00, s5  }
0xb: {  	s28 =	sshrl.u32 s8, $0x3;
	s11 =	sshrl.u32 s6, $0x1;
	s30 =	sshrl.u32 s29, $0x2  }
0xc: {  	s8 =	sadd.s32 s8, s9;
	s11 =	ssub.s32 s6, s11;
	s13 =	sadd.s32 s30, s2  }
0xd: {  	s10 =	sadd.s32 s7, s5;
	s7 =	sadd.s32 s28, s5;
	s8 =	sshrl.u32 s8, $0x3  }
0xe: {  	s6 =	sor.u32 $0x1C03, s31;
	s12 =	sadd.s32 s8, s5;
	s5 =	sadd.s32 $0xCA00, s7  }
0xf: {  	s7 =	sadd.s32 $0x85200, s10;
	s8 =	sadd.s32 $0x2A00, s10;
	s10 =	smax.u32 s11, $0x1  }
0x10: {  	s11 =	sshrl.u32 s13, $0x3;
	s13 =	simm.s32 $0x1400;
	s9 =	sadd.s32 $0x8F200, s12  }
0x11: {  	s12 =	simm.s32 $0x3;
	s21 =	sadd.s32 $0x280, s7;
	s22 =	sadd.s32 $0x280, s8  }
.LBB2_1:
0x12: {  	[spmem:s11], [sflag:s6] =	dma.local [hbm:s5], $0x2800  }
0x13: {  	_ =	swait.ge [sflag:s12], $0x2800  }
0x14: {  	[sflag:s12] =	ssyncset.done $0x0  }
0x15: {  	[sflag:s12] =	ssyncadd.s32 $0xFFFFD800  }
0x16: {  	[bflag:$0x0] =	sbarrier.arrive $0xFFFF  }
0x17: {  	[tilespmem:s3], [sflag:$0x3] =	stream.linear.gather [hbm4b:s7+s3], $0x1400, $0x38;
	[tilespmem:$0x1E800] =	vst v63  }
0x18: {  	_ =	swait.ge [sflag:s12], $0x1400  }
0x19: {  	[sflag:s12] =	ssyncset.done $0x0  }
0x1a: {  	[sflag:s12] =	ssyncadd.s32 $0xFFFFEC00  }
0x1b: {  	[tilespmem:s13], [sflag:$0x3] =	stream.linear.gather [hbm4b:s8+s3], $0x1400, $0x38;
	[tilespmem:$0x1E800] =	vst v63  }
0x1c: {  	_ =	swait.ge [sflag:s12], $0x1400  }
0x1d: {  	[sflag:s12] =	ssyncset.done $0x0  }
0x1e: {  	[sflag:s12] =	ssyncadd.s32 $0xFFFFEC00  }
0x1f: {  	[tilespmem:s15], [sflag:$0x1] =	stream.indirect.gather [hbm4b:s4+s14], $0x80, s3, s14, $0xb8;
	[tilespmem:$0x1E800] =	vst v63  }
0x20: {  	_ = 	snop  }
0x21: {  	[tilespmem:s16], [sflag:$0x2] =	stream.indirect.gather [hbm4b:s4+s14], $0x80, s14, s14, $0xb8;
	[tilespmem:$0x1E800] =	vst v63  }
0x22: {  	_ =	swait.ge [sflag:s17], $0x4000  }
0x23: {  	[sflag:s17] =	ssyncset.done $0x0  }
0x24: {  	s28 =	simm.s32 $0x1400;
	[sflag:s17] =	ssyncadd.s32 $0xFFFFC000  }
0x25: {  	[spmem:s2] =	stream.indirect.scatter.add.f32 [tilespmem:s15], [sflag:$0x3], $0x80, s28, s14, $0xb8;
	[tilespmem:$0x1E800] =	vst v63  }
0x26: {  	_ =	swait.ge [sflag:s12], $0x4000  }
0x27: {  	[sflag:s12] =	ssyncset.done $0x0  }
0x28: {  	s28 =	simm.s32 $0x100;
	[sflag:s12] =	ssyncadd.s32 $0xFFFFC000  }
0x29: {  	[tilespmem:s15], [sflag:$0x1] =	stream.indirect.gather [hbm4b:s4+s14], $0x80, s28, s14, $0xb8;
	[tilespmem:$0x1E800] =	vst v63  }
0x2a: {  	_ =	swait.ge [sflag:s18], $0x4000  }
0x2b: {  	[sflag:s18] =	ssyncset.done $0x0  }
0x2c: {  	s28 =	simm.s32 $0x1480;
	[sflag:s18] =	ssyncadd.s32 $0xFFFFC000  }
0x2d: {  	[spmem:s2] =	stream.indirect.scatter.add.f32 [tilespmem:s16], [sflag:$0x3], $0x80, s28, s14, $0xb8;
	[tilespmem:$0x1E800] =	vst v63  }
0x2e: {  	_ =	swait.ge [sflag:s12], $0x4000  }
0x2f: {  	[sflag:s12] =	ssyncset.done $0x0  }
0x30: {  	s29 =	simm.s32 $0x180;
	s28 =	simm.s32 $0x400;
	[sflag:s12] =	ssyncadd.s32 $0xFFFFC000  }
.LBB2_2:
0x31: {  	[tilespmem:s16], [sflag:$0x2] =	stream.indirect.gather [hbm4b:s4+s14], $0x80, s29, s14, $0xb8;
	[tilespmem:$0x1E800] =	vst v63  }
0x32: {  	s29 =	smov.u32 s28  }
0x33: {  	p0 =	sne.s32 s28, $0x4800;
	s28 =	sadd.s32 $0x400, s28;
	_ =	swait.ge [sflag:s17], $0x4000  }
0x34: {  	s29 =	sshra.s32 s29, $0x2;
	[sflag:s17] =	ssyncset.done $0x0  }
0x35: {  	s30 =	sadd.s32 $0x1400, s29;
	[sflag:s17] =	ssyncadd.s32 $0xFFFFC000  }
0x36: {  	[spmem:s2] =	stream.indirect.scatter.add.f32 [tilespmem:s15], [sflag:$0x3], $0x80, s30, s14, $0xb8;
	[tilespmem:$0x1E800] =	vst v63  }
0x37: {  	_ =	swait.ge [sflag:s12], $0x4000  }
0x38: {  	[sflag:s12] =	ssyncset.done $0x0  }
0x39: {  	s30 =	sadd.s32 $0x100, s29;
	[sflag:s12] =	ssyncadd.s32 $0xFFFFC000  }
0x3a: {  	[tilespmem:s15], [sflag:$0x1] =	stream.indirect.gather [hbm4b:s4+s14], $0x80, s30, s14, $0xb8;
	[tilespmem:$0x1E800] =	vst v63  }
0x3b: {  	_ =	swait.ge [sflag:s18], $0x4000  }
0x3c: {  	[sflag:s18] =	ssyncset.done $0x0  }
.Ltmp0:
0x3d: {  	s30 =	sadd.s32 $0x1480, s29;
	[sflag:s18] =	ssyncadd.s32 $0xFFFFC000;
	(pc) =	sbr.rel @p0 .LBB2_2-.Ltmp0, $4  }
0x3e: {  	[spmem:s2] =	stream.indirect.scatter.add.f32 [tilespmem:s16], [sflag:$0x3], $0x80, s30, s14, $0xb8;
	[tilespmem:$0x1E800] =	vst v63  }
0x3f: {  	_ =	swait.ge [sflag:s12], $0x4000  }
0x40: {  	[sflag:s12] =	ssyncset.done $0x0  }
0x41: {  	s29 =	sadd.s32 $0x180, s29;
	[sflag:s12] =	ssyncadd.s32 $0xFFFFC000  }
0x42: {  	[tilespmem:s16], [sflag:$0x2] =	stream.indirect.gather [hbm4b:s4+s14], $0x80, s29, s14, $0xb8;
	[tilespmem:$0x1E800] =	vst v63  }
0x43: {  	_ =	swait.ge [sflag:s17], $0x4000  }
0x44: {  	[sflag:s17] =	ssyncset.done $0x0  }
0x45: {  	[sflag:s17] =	ssyncadd.s32 $0xFFFFC000  }
0x46: {  	[spmem:s2] =	stream.indirect.scatter.add.f32 [tilespmem:s15], [sflag:$0x3], $0x80, s19, s14, $0xb8;
	[tilespmem:$0x1E800] =	vst v63  }
0x47: {  	_ =	swait.ge [sflag:s12], $0x4000  }
0x48: {  	[sflag:s12] =	ssyncset.done $0x0  }
0x49: {  	[sflag:s12] =	ssyncadd.s32 $0xFFFFC000  }
0x4a: {  	_ =	swait.ge [sflag:s18], $0x4000  }
0x4b: {  	[sflag:s18] =	ssyncset.done $0x0  }
0x4c: {  	[sflag:s18] =	ssyncadd.s32 $0xFFFFC000  }
0x4d: {  	[spmem:s2] =	stream.indirect.scatter.add.f32 [tilespmem:s16], [sflag:$0x3], $0x80, s20, s14, $0xb8;
	[tilespmem:$0x1E800] =	vst v63  }
0x4e: {  	_ =	swait.ge [sflag:s12], $0x4000  }
0x4f: {  	[sflag:s12] =	ssyncset.done $0x0  }
0x50: {  	s28 =	simm.s32 $0x0;
	[sflag:s12] =	ssyncadd.s32 $0xFFFFC000  }
0x51: {  	[tilespmem:s28], [sflag:$0x3] =	stream.linear.gather [hbm4b:s21+s28], $0x1380, $0x38;
	[tilespmem:$0x1E800] =	vst v63  }
0x52: {  	_ =	swait.ge [sflag:s12], $0x1380  }
0x53: {  	[sflag:s12] =	ssyncset.done $0x0  }
0x54: {  	[sflag:s12] =	ssyncadd.s32 $0xFFFFEC80  }
0x55: {  	[tilespmem:s13], [sflag:$0x3] =	stream.linear.gather [hbm4b:s22+s28], $0x1380, $0x38;
	[tilespmem:$0x1E800] =	vst v63  }
0x56: {  	_ =	swait.ge [sflag:s12], $0x1380  }
0x57: {  	[sflag:s12] =	ssyncset.done $0x0  }
0x58: {  	[sflag:s12] =	ssyncadd.s32 $0xFFFFEC80  }
0x59: {  	[tilespmem:s15], [sflag:$0x1] =	stream.indirect.gather [hbm4b:s4+s14], $0x80, s28, s14, $0xb8;
	[tilespmem:$0x1E800] =	vst v63  }
0x5a: {  	_ = 	snop  }
0x5b: {  	[tilespmem:s16], [sflag:$0x2] =	stream.indirect.gather [hbm4b:s4+s14], $0x80, s14, s14, $0xb8;
	[tilespmem:$0x1E800] =	vst v63  }
0x5c: {  	_ =	swait.ge [sflag:s17], $0x4000  }
0x5d: {  	[sflag:s17] =	ssyncset.done $0x0  }
0x5e: {  	s28 =	simm.s32 $0x1400;
	[sflag:s17] =	ssyncadd.s32 $0xFFFFC000  }
0x5f: {  	[spmem:s2] =	stream.indirect.scatter.add.f32 [tilespmem:s15], [sflag:$0x3], $0x80, s28, s14, $0xb8;
	[tilespmem:$0x1E800] =	vst v63  }
0x60: {  	_ =	swait.ge [sflag:s12], $0x4000  }
0x61: {  	[sflag:s12] =	ssyncset.done $0x0  }
0x62: {  	s28 =	simm.s32 $0x100;
	[sflag:s12] =	ssyncadd.s32 $0xFFFFC000  }
0x63: {  	[tilespmem:s15], [sflag:$0x1] =	stream.indirect.gather [hbm4b:s4+s14], $0x80, s28, s14, $0xb8;
	[tilespmem:$0x1E800] =	vst v63  }
0x64: {  	_ =	swait.ge [sflag:s18], $0x4000  }
0x65: {  	[sflag:s18] =	ssyncset.done $0x0  }
0x66: {  	s28 =	simm.s32 $0x1480;
	[sflag:s18] =	ssyncadd.s32 $0xFFFFC000  }
0x67: {  	[spmem:s2] =	stream.indirect.scatter.add.f32 [tilespmem:s16], [sflag:$0x3], $0x80, s28, s14, $0xb8;
	[tilespmem:$0x1E800] =	vst v63  }
0x68: {  	_ =	swait.ge [sflag:s12], $0x4000  }
0x69: {  	[sflag:s12] =	ssyncset.done $0x0  }
0x6a: {  	s29 =	simm.s32 $0x180;
	s28 =	simm.s32 $0x400;
	[sflag:s12] =	ssyncadd.s32 $0xFFFFC000  }
.LBB2_4:
0x6b: {  	[tilespmem:s16], [sflag:$0x2] =	stream.indirect.gather [hbm4b:s4+s14], $0x80, s29, s14, $0xb8;
	[tilespmem:$0x1E800] =	vst v63  }
0x6c: {  	s29 =	smov.u32 s28  }
0x6d: {  	p0 =	sne.s32 s28, $0x4400;
	s28 =	sadd.s32 $0x400, s28;
	_ =	swait.ge [sflag:s17], $0x4000  }
0x6e: {  	s29 =	sshra.s32 s29, $0x2;
	[sflag:s17] =	ssyncset.done $0x0  }
0x6f: {  	s30 =	sadd.s32 $0x1400, s29;
	[sflag:s17] =	ssyncadd.s32 $0xFFFFC000  }
0x70: {  	[spmem:s2] =	stream.indirect.scatter.add.f32 [tilespmem:s15], [sflag:$0x3], $0x80, s30, s14, $0xb8;
	[tilespmem:$0x1E800] =	vst v63  }
0x71: {  	_ =	swait.ge [sflag:s12], $0x4000  }
0x72: {  	[sflag:s12] =	ssyncset.done $0x0  }
0x73: {  	s30 =	sadd.s32 $0x100, s29;
	[sflag:s12] =	ssyncadd.s32 $0xFFFFC000  }
0x74: {  	[tilespmem:s15], [sflag:$0x1] =	stream.indirect.gather [hbm4b:s4+s14], $0x80, s30, s14, $0xb8;
	[tilespmem:$0x1E800] =	vst v63  }
0x75: {  	_ =	swait.ge [sflag:s18], $0x4000  }
0x76: {  	[sflag:s18] =	ssyncset.done $0x0  }
.Ltmp1:
0x77: {  	s30 =	sadd.s32 $0x1480, s29;
	[sflag:s18] =	ssyncadd.s32 $0xFFFFC000;
	(pc) =	sbr.rel @p0 .LBB2_4-.Ltmp1, $4  }
0x78: {  	[spmem:s2] =	stream.indirect.scatter.add.f32 [tilespmem:s16], [sflag:$0x3], $0x80, s30, s14, $0xb8;
	[tilespmem:$0x1E800] =	vst v63  }
0x79: {  	_ =	swait.ge [sflag:s12], $0x4000  }
0x7a: {  	[sflag:s12] =	ssyncset.done $0x0  }
0x7b: {  	s29 =	sadd.s32 $0x180, s29;
	[sflag:s12] =	ssyncadd.s32 $0xFFFFC000  }
0x7c: {  	[tilespmem:s16], [sflag:$0x2] =	stream.indirect.gather [hbm4b:s4+s14], $0x80, s29, s14, $0xb8;
	[tilespmem:$0x1E800] =	vst v63  }
0x7d: {  	_ =	swait.ge [sflag:s17], $0x4000  }
0x7e: {  	[sflag:s17] =	ssyncset.done $0x0  }
0x7f: {  	[sflag:s17] =	ssyncadd.s32 $0xFFFFC000  }
0x80: {  	[spmem:s2] =	stream.indirect.scatter.add.f32 [tilespmem:s15], [sflag:$0x3], $0x80, s23, s14, $0xb8;
	[tilespmem:$0x1E800] =	vst v63  }
0x81: {  	_ =	swait.ge [sflag:s12], $0x4000  }
0x82: {  	[sflag:s12] =	ssyncset.done $0x0  }
0x83: {  	[sflag:s12] =	ssyncadd.s32 $0xFFFFC000  }
0x84: {  	[tilespmem:s15], [sflag:$0x1] =	stream.indirect.gather [hbm4b:s4+s14], $0x80, s24, s14, $0xb8;
	[tilespmem:$0x1E800] =	vst v63  }
0x85: {  	_ =	swait.ge [sflag:s18], $0x4000  }
0x86: {  	[sflag:s18] =	ssyncset.done $0x0  }
0x87: {  	[sflag:s18] =	ssyncadd.s32 $0xFFFFC000  }
0x88: {  	[spmem:s2] =	stream.indirect.scatter.add.f32 [tilespmem:s16], [sflag:$0x3], $0x80, s25, s14, $0xb8;
	[tilespmem:$0x1E800] =	vst v63  }
0x89: {  	_ =	swait.ge [sflag:s12], $0x4000  }
0x8a: {  	[sflag:s12] =	ssyncset.done $0x0  }
0x8b: {  	[sflag:s12] =	ssyncadd.s32 $0xFFFFC000  }
0x8c: {  	_ =	swait.ge [sflag:s17], $0x4000  }
0x8d: {  	[sflag:s17] =	ssyncset.done $0x0  }
0x8e: {  	[sflag:s17] =	ssyncadd.s32 $0xFFFFC000  }
0x8f: {  	[spmem:s2] =	stream.indirect.scatter.add.f32 [tilespmem:s15], [sflag:$0x3], $0x80, s19, s14, $0xb8;
	[tilespmem:$0x1E800] =	vst v63  }
0x90: {  	_ =	swait.ge [sflag:s12], $0x4000  }
0x91: {  	s26 =	sadd.s32 $0x1, s26;
	[sflag:s12] =	ssyncset.done $0x0  }
0x92: {  	p0 =	sne.s32 s26, s10;
	[sflag:s12] =	ssyncadd.s32 $0xFFFFC000  }
.Ltmp2:
0x93: {  	[bflag:$0x0] =	sbarrier.arrive $0xFFFF;
	(pc) =	sbr.rel @p0 .LBB2_1-.Ltmp2, $4  }
0x94: {  	[hbm:s9], [sflag:s6] =	dma.local [spmem:s11], $0x2800  }
0x95: {  	_ =	swait.ge [sflag:s12], $0x2800  }
0x96: {  	[sflag:s12] =	ssyncset.done $0x0  }
0x97: {  	[sflag:s12] =	ssyncadd.s32 $0xFFFFD800  }
0x98: {  	_ =	sfence.sel $0x180000  }
0x99: {  	[bflag:$0x0] =	sbarrier.arrive $0xFFFF  }
0x9a: {  	p0 =	sne.s32 s0, $0x0;
	_ =	strace $0x90000050  }
0x9b: {  	s0 =	sadd.s32 @!p0 $0x100000, s1;
	[bflag:$0x2] =	sbarrier.arrive $0xFFFF  }
0x9c: {  	[sflag:s0] =	ssyncadd.tile.s32 @!p0 $0x1;
	_ =	shalt  }
.Lfunc_end2:
_tile_overlayer_lowered:
.L_overlay_start_2:
0x9d: {  	(tag) =	ssettag $0x2  }
0x9e: {  	s0 =	rddreg [dreg:$0x0];
	s2 =	stileid.u32  }
0x9f: {  	s1 =	rddreg [dreg:$0x1];
	p0 =	sne.s32 s2, $0x0  }
0xa0: {  	s3 =	rddreg [dreg:$0x2];
	[bflag:$0x3] =	sbarrier.arrive $0xFFFF;
	s2 =	simm.s32 @!p0 $0x1C03  }
0xa1: {  	[timem:s3], [sflag:s2] =	dma.local @!p0 [hbm:s0], s1  }
0xa2: {  	s0 =	simm.s32 @!p0 $0x3  }
0xa3: {  	_ =	swait.ge @!p0 [sflag:s0], s1  }
0xa4: {  	s1 =	ssub.s32 @!p0 $0x0, s1;
	[sflag:s0] =	ssyncset.done @!p0 $0x0  }
0xa5: {  	[sflag:s0] =	ssyncadd.s32 @!p0 s1  }
0xa6: {  	[bflag:$0x3] =	sbarrier.arrive $0xFFFF  }
0xa7: {  	_ =	shalt  }

</sc_bundles>
